<compile_context>
chip_gen: v7x
topology: tpu7x:2x2x1
jax: 0.10.2.dev20260603
libtpu: 0.0.44.dev20260713+nightly
codegen_flags: <defaults>
</compile_context>

<pallas_src>
import functools

import jax
import jax.numpy as jnp
from jax import lax
from jax.experimental import pallas as pl
from jax.experimental.pallas import tpu as pltpu
from jax.experimental.pallas import tpu_sc as plsc

NC, NS = 2, 16
ECHUNK = 128

_SC_PARAMS = pltpu.CompilerParams(use_tc_tiling_on_sc=False)


def _ceil_to(x, m):
    return (x + m - 1) // m * m



def _tca_body(eps, f_ref, c_ref, wpre_ref, g_ref, b_ref, wpos_ref, alpha_ref,
              cat_ref):
    x = jnp.dot(f_ref[...], wpre_ref[...], preferred_element_type=jnp.float32)
    m = jnp.mean(x, axis=-1, keepdims=True)
    v = jnp.mean((x - m) ** 2, axis=-1, keepdims=True)
    fi = (x - m) / jnp.sqrt(v + eps) * g_ref[...] + b_ref[...]
    pw = jnp.dot(c_ref[...], wpos_ref[...],
                 preferred_element_type=jnp.float32) * alpha_ref[...]
    s = jnp.sin(pw)
    co = jnp.cos(pw)
    n = x.shape[0]
    cat_ref[0] = jnp.concatenate([fi * co, fi * s], axis=1)
    cat_ref[1] = jnp.concatenate(
        [fi * pw, jnp.ones((n, 1), jnp.float32),
         jnp.zeros((n, 63), jnp.float32)], axis=1)


def _run_tca(Fp, Cp, W_pre, ln_g, ln_b, W_posp, alpha):
    npt, inc = Fp.shape
    blk = 1024
    grid = (npt // blk,)
    row_spec = lambda w: pl.BlockSpec((blk, w), lambda i: (i, 0))
    full2 = lambda a: pl.BlockSpec(a.shape, lambda i: (0,) * a.ndim)
    return pl.pallas_call(
        functools.partial(_tca_body, 1e-6),
        grid=grid,
        in_specs=[row_spec(inc), row_spec(Cp.shape[1]), full2(W_pre),
                  full2(ln_g), full2(ln_b), full2(W_posp), full2(alpha)],
        out_specs=pl.BlockSpec((2, blk, 128), lambda i: (0, i, 0)),
        out_shape=jax.ShapeDtypeStruct((2, npt, 128), jnp.float32),
    )(Fp, Cp, W_pre, ln_g, ln_b, W_posp, alpha)



def _fill(buf, value):
    n, w = buf.shape

    @pl.loop(0, n)
    def _(i):
        row = buf.at[i]
        for k in range(w // 16):
            row[pl.ds(k * 16, 16)] = jnp.full((16,), value, jnp.float32)


def _zero_shared(sh, zbuf, base, nchunks):
    @pl.loop(0, nchunks)
    def _(i):
        pltpu.sync_copy(zbuf, sh.at[pl.ds(base + i * ECHUNK, ECHUNK)])


GCH = 7
NGRP = 8
IBLK = GCH * NGRP


def _scb_body(nch, npad,
              fq_hbm, src_hbm, dst_hbm,
              agg_hbm, deg_hbm,
              src_v, dst_v, bank_a, bank_b, bank_c, bank_d, zbuf, agg_sh,
              sem_ga, sem_gb, sem_gc, sem_gd,
              sem_sa, sem_sb, sem_sc, sem_sd):
    core = lax.axis_index("c")
    sid = lax.axis_index("s")
    rpt = npad // NS
    zslc = pl.ds(sid * rpt, rpt)
    nblk = nch // IBLK
    src_t = src_hbm.at[sid]
    dst_t = dst_hbm.at[sid]
    grp = lambda g: pl.ds(g * GCH * ECHUNK, GCH * ECHUNK)
    blk = lambda b: pl.ds(b * IBLK * ECHUNK, IBLK * ECHUNK)

    _fill(zbuf, 0.0)

    for p in range(2):
        q = 2 * p + core
        f_hbm = fq_hbm.at[q]
        _zero_shared(agg_sh, zbuf, sid * rpt, rpt // ECHUNK)
        plsc.subcore_barrier()

        def issue_g(g, buf, sem):
            pltpu.async_copy(f_hbm.at[src_v.at[grp(g)]], buf, sem)

        def wait_g(g, buf, sem):
            pltpu.make_async_copy(f_hbm.at[src_v.at[grp(g)]], buf, sem).wait()

        def issue_s(g, buf, sem):
            pltpu.async_copy(buf, agg_sh.at[dst_v.at[grp(g)]], sem, add=True)

        def wait_s(g, buf, sem):
            pltpu.make_async_copy(buf, agg_sh.at[dst_v.at[grp(g)]],
                                  sem).wait()

        banks = [bank_a, bank_b, bank_c, bank_d]
        gsems = [sem_ga, sem_gb, sem_gc, sem_gd]
        ssems = [sem_sa, sem_sb, sem_sc, sem_sd]

        @pl.loop(0, nblk)
        def _(b):
            pltpu.sync_copy(src_t.at[blk(b)], src_v)
            pltpu.sync_copy(dst_t.at[blk(b)], dst_v)
            for k in range(4):
                issue_g(k, banks[k], gsems[k])
            for gg in range(0, NGRP, 4):
                for k in range(4):
                    wait_g(gg + k, banks[k], gsems[k])
                    issue_s(gg + k, banks[k], ssems[k])
                if gg + 4 < NGRP:
                    for k in range(4):
                        wait_s(gg + k, banks[k], ssems[k])
                        issue_g(gg + 4 + k, banks[k], gsems[k])
            for k in range(4):
                wait_s(NGRP - 4 + k, banks[k], ssems[k])

        plsc.subcore_barrier()
        pltpu.sync_copy(agg_sh.at[zslc], agg_hbm.at[q].at[zslc])

    _zero_shared(agg_sh, zbuf, sid * rpt, rpt // ECHUNK)
    _fill(bank_a, 1.0)
    plsc.subcore_barrier()

    @pl.loop(0, nblk)
    def _(b):
        pltpu.sync_copy(dst_t.at[blk(b)], dst_v)
        for g in range(NGRP):
            pltpu.async_copy(bank_a, agg_sh.at[dst_v.at[grp(g)]], sem_sa,
                             add=True)
        for g in range(NGRP):
            pltpu.make_async_copy(bank_a, agg_sh.at[dst_v.at[grp(g)]],
                                  sem_sa).wait()

    plsc.subcore_barrier()
    pltpu.sync_copy(agg_sh.at[zslc], deg_hbm.at[zslc])


def _run_scb(fq, srcp, dstp, npad):
    nch = srcp.shape[1] // ECHUNK
    mesh = plsc.VectorSubcoreMesh(core_axis_name="c", subcore_axis_name="s")
    kern = pl.kernel(
        functools.partial(_scb_body, nch, npad),
        out_type=[jax.ShapeDtypeStruct((4, npad, 16), jnp.float32),
                  jax.ShapeDtypeStruct((npad, 16), jnp.float32)],
        mesh=mesh,
        scratch_types=[
            pltpu.VMEM((IBLK * ECHUNK,), jnp.int32),
            pltpu.VMEM((IBLK * ECHUNK,), jnp.int32),
            pltpu.VMEM((GCH * ECHUNK, 16), jnp.float32),
            pltpu.VMEM((GCH * ECHUNK, 16), jnp.float32),
            pltpu.VMEM((GCH * ECHUNK, 16), jnp.float32),
            pltpu.VMEM((GCH * ECHUNK, 16), jnp.float32),
            pltpu.VMEM((ECHUNK, 16), jnp.float32),
            pltpu.VMEM_SHARED((npad, 16), jnp.float32),
            pltpu.SemaphoreType.DMA,
            pltpu.SemaphoreType.DMA,
            pltpu.SemaphoreType.DMA,
            pltpu.SemaphoreType.DMA,
            pltpu.SemaphoreType.DMA,
            pltpu.SemaphoreType.DMA,
            pltpu.SemaphoreType.DMA,
            pltpu.SemaphoreType.DMA,
        ],
        compiler_params=_SC_PARAMS,
    )
    return kern(fq, srcp, dstp)



def _scc_body(pch, vpad,
              cat_hbm, vox_hbm,
              g_hbm,
              vox_v, buf_a, buf_b, zbuf, sums_sh,
              sem_a, sem_b):
    core = lax.axis_index("c")
    sid = lax.axis_index("s")
    vrpt = vpad // NS
    cat_c = cat_hbm.at[core]
    g_c = g_hbm.at[core]

    _fill(zbuf, 0.0)
    _zero_shared(sums_sh, zbuf, sid * vrpt, vrpt // ECHUNK)
    pltpu.sync_copy(vox_hbm.at[sid], vox_v)
    plsc.subcore_barrier()

    def rows(j):
        return pl.ds((sid * pch + j) * ECHUNK, ECHUNK)

    def issue(j, buf, sem):
        pltpu.async_copy(cat_c.at[rows(j)], buf, sem)

    def wait(j, buf, sem):
        pltpu.make_async_copy(cat_c.at[rows(j)], buf, sem).wait()

    def scat(j, buf):
        pltpu.sync_copy(buf, sums_sh.at[vox_v.at[j]], add=True)

    issue(0, buf_a, sem_a)

    @pl.loop(0, pch, step=2)
    def _(j):
        issue(j + 1, buf_b, sem_b)
        wait(j, buf_a, sem_a)
        scat(j, buf_a)

        @pl.when(j + 2 < pch)
        def _():
            issue(j + 2, buf_a, sem_a)

        wait(j + 1, buf_b, sem_b)
        scat(j + 1, buf_b)

    plsc.subcore_barrier()

    @pl.loop(0, pch)
    def _(j):
        pltpu.sync_copy(sums_sh.at[vox_v.at[j]], buf_a)
        pltpu.sync_copy(buf_a, g_c.at[rows(j)])


def _run_scc(cat_all, voxp, vpad):
    npt = cat_all.shape[1]
    pch = voxp.shape[1]
    mesh = plsc.VectorSubcoreMesh(core_axis_name="c", subcore_axis_name="s")
    kern = pl.kernel(
        functools.partial(_scc_body, pch, vpad),
        out_type=jax.ShapeDtypeStruct((2, npt, 128), jnp.float32),
        mesh=mesh,
        scratch_types=[
            pltpu.VMEM((pch, ECHUNK), jnp.int32),
            pltpu.VMEM((ECHUNK, 128), jnp.float32),
            pltpu.VMEM((ECHUNK, 128), jnp.float32),
            pltpu.VMEM((ECHUNK, 128), jnp.float32),
            pltpu.VMEM_SHARED((vpad, 128), jnp.float32),
            pltpu.SemaphoreType.DMA,
            pltpu.SemaphoreType.DMA,
        ],
        compiler_params=_SC_PARAMS,
    )
    return kern(cat_all, voxp)



def _tcd_body(eps, gall_ref, c_ref, wpos_ref, alpha_ref, cat1_ref,
              agg_ref, deg_ref, wl_ref, ng_ref, nb_ref, lg_ref,
              lb_ref, out_ref):
    pw = jnp.dot(c_ref[...], wpos_ref[...],
                 preferred_element_type=jnp.float32) * alpha_ref[...]
    fwl = cat1_ref[0][:, :64]
    g0 = gall_ref[0]
    g1 = gall_ref[1]
    inv = 1.0 / jnp.maximum(g1[:, 64:65], 1.0)
    gcos = g0[:, :64] * inv
    gsin = g0[:, 64:] * inv
    glin = g1[:, :64] * inv
    new_f = gcos * jnp.cos(pw) + gsin * jnp.sin(pw) + (glin - fwl)

    a = agg_ref[...]
    agg = jnp.concatenate([a[0], a[1], a[2], a[3]], axis=1)
    deg = deg_ref[...][:, :1]
    loc = jnp.dot(agg / jnp.maximum(deg, 1.0), wl_ref[...],
                  preferred_element_type=jnp.float32)

    def ln(x, g, b):
        m = jnp.mean(x, axis=-1, keepdims=True)
        v = jnp.mean((x - m) ** 2, axis=-1, keepdims=True)
        return (x - m) / jnp.sqrt(v + eps) * g + b

    out_ref[...] = jax.nn.relu(ln(new_f, ng_ref[...], nb_ref[...])
                               + ln(loc, lg_ref[...], lb_ref[...]))


def _run_tcd(n, g_all, Cp, W_posp, alpha, cat_all,
             aggp, degp, W_local, norm_g, norm_b, nl_g, nl_b):
    blk = 2000
    grid = (n // blk,)
    row_spec = lambda w: pl.BlockSpec((blk, w), lambda i: (i, 0))
    full2 = lambda a: pl.BlockSpec(a.shape, lambda i: (0,) * a.ndim)
    return pl.pallas_call(
        functools.partial(_tcd_body, 1e-6),
        grid=grid,
        in_specs=[pl.BlockSpec((2, blk, 128), lambda i: (0, i, 0)),
                  row_spec(Cp.shape[1]), full2(W_posp), full2(alpha),
                  pl.BlockSpec((1, blk, 128), lambda i: (1, i, 0)),
                  pl.BlockSpec((4, blk, 16), lambda i: (0, i, 0)),
                  pl.BlockSpec((blk, 16), lambda i: (i, 0)),
                  full2(W_local), full2(norm_g), full2(norm_b),
                  full2(nl_g), full2(nl_b)],
        out_specs=row_spec(64),
        out_shape=jax.ShapeDtypeStruct((n, 64), jnp.float32),
    )(g_all, Cp, W_posp, alpha, cat_all,
      aggp, degp, W_local, norm_g, norm_b, nl_g, nl_b)



def kernel(F, C, edge_index, voxel_idx, W_pre, ln_pre_g, ln_pre_b, W_pos,
           alpha, W_local, norm_g, norm_b, nl_g, nl_b):
    n, inc = F.shape
    e = edge_index.shape[1]
    nvox = 6250

    e_pad = _ceil_to(e, NS * IBLK * ECHUNK)
    ept = e_pad // NS
    nch = ept // ECHUNK
    npad = _ceil_to(n + 1, NS * ECHUNK)
    pch = _ceil_to(_ceil_to(n, NS * ECHUNK) // (NS * ECHUNK), 2)
    npt = NS * pch * ECHUNK
    vpad = _ceil_to(nvox + 1, NS * ECHUNK)

    Fp = jnp.pad(F, ((0, npt - n), (0, 0)))
    Cp = jnp.pad(C, ((0, npt - n), (0, 5)))
    W_posp = jnp.pad(W_pos, ((0, 5), (0, 0)))
    fq = jnp.transpose(F.reshape(n, 4, 16), (1, 0, 2))
    srcp = jnp.concatenate(
        [edge_index[0], jnp.zeros((e_pad - e,), jnp.int32)]).reshape(
            NS, nch * ECHUNK)
    dstp = jnp.concatenate(
        [edge_index[1], jnp.full((e_pad - e,), n, jnp.int32)]).reshape(
            NS, nch * ECHUNK)
    voxp = jnp.concatenate(
        [voxel_idx, jnp.full((npt - n,), nvox, jnp.int32)]).reshape(
            NS, pch, ECHUNK)

    cat_all = _run_tca(Fp, Cp, W_pre, ln_pre_g, ln_pre_b, W_posp, alpha)
    agg_all, deg = _run_scb(fq, srcp, dstp, npad)
    voxp, _ = lax.optimization_barrier((voxp, deg))
    g_all = _run_scc(cat_all, voxp, vpad)
    aggp = agg_all
    degp = deg
    out = _run_tcd(n, g_all, Cp, W_posp, alpha, cat_all,
                   aggp, degp, W_local, norm_g, norm_b, nl_g, nl_b)
    return out

# --- scband reference (transcript-rebuilt; emitter-appended) ---
"""Pipeline reference for scband-elkencoder-64613488001615 (READ-ONLY COPY).

The authoritative reference and input builder live on the scoring server;
editing this copy changes nothing except your own understanding.
"""

import jax, jax.numpy as jnp
import numpy as np

INC = 64
N = 50000
E = 800000
N_VOX = 6250

def layer_norm(x, g, b, eps=1e-6):
    m = jnp.mean(x, axis=-1, keepdims=True)
    v = jnp.var(x, axis=-1, keepdims=True)
    return (x - m) / jnp.sqrt(v + eps) * g + b

def setup_inputs(seed: int = 0) -> dict:
    key = jax.random.key(seed)
    ks = jax.random.split(key, 10)
    F = jax.random.normal(ks[0], (N, INC), dtype=jnp.float32)
    C = jax.random.uniform(ks[1], (N, 3), dtype=jnp.float32) * 100.0
    edge_index = jax.random.randint(ks[2], (2, E), 0, N).astype(jnp.int32)
    voxel_idx = jnp.sort(jax.random.randint(ks[3], (N,), 0, N_VOX)).astype(jnp.int32)
    W_pre = jax.random.normal(ks[4], (INC, INC), dtype=jnp.float32) * 0.05
    ln_pre_g = jnp.ones((INC,), jnp.float32)
    ln_pre_b = jnp.zeros((INC,), jnp.float32)
    W_pos = jax.random.normal(ks[5], (3, INC), dtype=jnp.float32) * 0.05
    alpha = jnp.ones((1, INC), jnp.float32)
    W_local = jax.random.normal(ks[6], (INC, INC), dtype=jnp.float32) * 0.05
    norm_g = jnp.ones((INC,), jnp.float32)
    norm_b = jnp.zeros((INC,), jnp.float32)
    nl_g = jnp.ones((INC,), jnp.float32)
    nl_b = jnp.zeros((INC,), jnp.float32)
    return {"F": F, "C": C, "edge_index": edge_index, "voxel_idx": voxel_idx,
            "W_pre": W_pre, "ln_pre_g": ln_pre_g, "ln_pre_b": ln_pre_b,
            "W_pos": W_pos, "alpha": alpha, "W_local": W_local,
            "norm_g": norm_g, "norm_b": norm_b, "nl_g": nl_g, "nl_b": nl_b}

def reference(F, C, edge_index, voxel_idx, W_pre, ln_pre_g, ln_pre_b, W_pos, alpha, W_local, norm_g, norm_b, nl_g, nl_b):
    # pre_mix: Linear + LayerNorm
    F_input = layer_norm(F @ W_pre, ln_pre_g, ln_pre_b)
    # local_mix: sparse 3x3x3 conv modeled as neighbor mean aggregation + linear (kernel-map gather/scatter)
    src = edge_index[0]
    dst = edge_index[1]
    msgs = jnp.take(F, src, axis=0)
    agg = jax.ops.segment_sum(msgs, dst, num_segments=N)
    deg = jax.ops.segment_sum(jnp.ones((msgs.shape[0], 1), F.dtype), dst, num_segments=N)
    local_F = (agg / jnp.maximum(deg, 1.0)) @ W_local
    # baseop == 'cos_x'
    pw = (C @ W_pos) * alpha  # st.s[0] == 1.0
    pw_sin = jnp.sin(pw)
    pw_cos = jnp.cos(pw)
    F_w_sin = F_input * pw_sin
    F_w_cos = F_input * pw_cos
    F_w_lin = F_input * pw
    cat = jnp.concatenate([F_w_cos, F_w_sin, F_w_lin], axis=1)
    # voxel_to_aux: mean-pool points into voxels (scatter-add + counts)
    sums = jax.ops.segment_sum(cat, voxel_idx, num_segments=N_VOX)
    counts = jax.ops.segment_sum(jnp.ones((cat.shape[0], 1), cat.dtype), voxel_idx, num_segments=N_VOX)
    pooled = sums / jnp.maximum(counts, 1.0)
    # aux_to_voxel: gather pooled features back to points
    g = jnp.take(pooled, voxel_idx, axis=0)
    new_F = g[:, :INC] * pw_cos + g[:, INC:2 * INC] * pw_sin + (g[:, 2 * INC:] - F_w_lin)
    out = jax.nn.relu(layer_norm(new_F, norm_g, norm_b) + layer_norm(local_F, nl_g, nl_b))
    return out

if __name__ == "__main__":
    import jax
    _d = setup_inputs()
    print(jax.jit(kernel)(*tuple(_d.values())))

</pallas_src>

<mosaic_0001>
#map = affine_map<(d0, d1) -> (0, 0, 0)>
module attributes {stable_mosaic.version = 14 : i64} {
  func.func @_scc_body(%arg0: i32, %arg1: i32, %arg2: memref<2x53248x128xf32, #tpu.memory_space<hbm>>, %arg3: memref<16x26x128xi32, #tpu.memory_space<hbm>>, %arg4: memref<2x53248x128xf32, #tpu.memory_space<hbm>>, %arg5: memref<26x128xi32, #tpu.memory_space<vmem>>, %arg6: memref<128x128xf32, #tpu.memory_space<vmem>>, %arg7: memref<128x128xf32, #tpu.memory_space<vmem>>, %arg8: memref<128x128xf32, #tpu.memory_space<vmem>>, %arg9: memref<8192x128xf32, #tpu.memory_space<vmem_shared>>, %arg10: memref<!tpu.dma_semaphore, #tpu.memory_space<semaphore_mem>>, %arg11: memref<!tpu.dma_semaphore, #tpu.memory_space<semaphore_mem>>) attributes {dimension_semantics = [#tpu.dimension_semantics<core_parallel>, #tpu.dimension_semantics<subcore_parallel>], iteration_bounds = array<i64: 2, 16>, scalar_prefetch = 0 : i64, scratch_operands = 7 : i64, tpu.core_type = #tpu.core_type<sc_vector_subcore>, window_params = [{transform_indices = #map}, {transform_indices = #map}, {transform_indices = #map}]} {
    %scan3A = arith.constant 0 : i32
    %scan3A_0 = arith.constant 128 : i32
    %scan3A_1 = arith.addi %scan3A, %scan3A_0 : i32
    %scan3A_2 = arith.constant 1 : i32
    scf.for %scan3A_37 = %scan3A to %scan3A_1 step %scan3A_2  : i32 {
      %mul3A_38 = arith.constant 1 : i32
      %mul3A_39 = arith.muli %scan3A_37, %mul3A_38 : i32
      %add3A_40 = arith.constant 0 : i32
      %add3A_41 = arith.addi %add3A_40, %mul3A_39 : i32
      %broadcast_in_dim3A = arith.constant 0.000000e+00 : f32
      %broadcast_in_dim3A_42 = vector.broadcast %broadcast_in_dim3A : f32 to vector<16xf32>
      %swap3A = arith.constant 0 : i32
      %swap3A_43 = tpu.memref_slice %arg8[%add3A_41, %swap3A] : memref<128x128xf32, #tpu.memory_space<vmem>> -> memref<1x128xf32, #tpu.memory_space<vmem>>
      %swap3A_44 = tpu.memref_squeeze %swap3A_43 : memref<1x128xf32, #tpu.memory_space<vmem>> -> memref<128xf32, #tpu.memory_space<vmem>>
      %swap3A_45 = arith.constant 0 : index
      %swap3A_46 = tpu.vector_load %swap3A_44[%swap3A_45] {strides = array<i32>} : memref<128xf32, #tpu.memory_space<vmem>>, vector<16xf32>,
      %swap3A_47 = vector.shape_cast %swap3A_46 : vector<16xf32> to vector<16xf32>
      %swap3A_48 = vector.shape_cast %broadcast_in_dim3A_42 : vector<16xf32> to vector<16xf32>
      tpu.vector_store %swap3A_44[%swap3A_45], %swap3A_48 {strides = array<i32>} : memref<128xf32, #tpu.memory_space<vmem>>, vector<16xf32>,
      %broadcast_in_dim3A_49 = arith.constant 0.000000e+00 : f32
      %broadcast_in_dim3A_50 = vector.broadcast %broadcast_in_dim3A_49 : f32 to vector<16xf32>
      %swap3A_51 = arith.constant 0 : i32
      %swap3A_52 = tpu.memref_slice %arg8[%add3A_41, %swap3A_51] : memref<128x128xf32, #tpu.memory_space<vmem>> -> memref<1x128xf32, #tpu.memory_space<vmem>>
      %swap3A_53 = tpu.memref_squeeze %swap3A_52 : memref<1x128xf32, #tpu.memory_space<vmem>> -> memref<128xf32, #tpu.memory_space<vmem>>
      %swap3A_54 = arith.constant 16 : index
      %swap3A_55 = tpu.vector_load %swap3A_53[%swap3A_54] {strides = array<i32>} : memref<128xf32, #tpu.memory_space<vmem>>, vector<16xf32>,
      %swap3A_56 = vector.shape_cast %swap3A_55 : vector<16xf32> to vector<16xf32>
      %swap3A_57 = vector.shape_cast %broadcast_in_dim3A_50 : vector<16xf32> to vector<16xf32>
      tpu.vector_store %swap3A_53[%swap3A_54], %swap3A_57 {strides = array<i32>} : memref<128xf32, #tpu.memory_space<vmem>>, vector<16xf32>,
      %broadcast_in_dim3A_58 = arith.constant 0.000000e+00 : f32
      %broadcast_in_dim3A_59 = vector.broadcast %broadcast_in_dim3A_58 : f32 to vector<16xf32>
      %swap3A_60 = arith.constant 0 : i32
      %swap3A_61 = tpu.memref_slice %arg8[%add3A_41, %swap3A_60] : memref<128x128xf32, #tpu.memory_space<vmem>> -> memref<1x128xf32, #tpu.memory_space<vmem>>
      %swap3A_62 = tpu.memref_squeeze %swap3A_61 : memref<1x128xf32, #tpu.memory_space<vmem>> -> memref<128xf32, #tpu.memory_space<vmem>>
      %swap3A_63 = arith.constant 32 : index
      %swap3A_64 = tpu.vector_load %swap3A_62[%swap3A_63] {strides = array<i32>} : memref<128xf32, #tpu.memory_space<vmem>>, vector<16xf32>,
      %swap3A_65 = vector.shape_cast %swap3A_64 : vector<16xf32> to vector<16xf32>
      %swap3A_66 = vector.shape_cast %broadcast_in_dim3A_59 : vector<16xf32> to vector<16xf32>
      tpu.vector_store %swap3A_62[%swap3A_63], %swap3A_66 {strides = array<i32>} : memref<128xf32, #tpu.memory_space<vmem>>, vector<16xf32>,
      %broadcast_in_dim3A_67 = arith.constant 0.000000e+00 : f32
      %broadcast_in_dim3A_68 = vector.broadcast %broadcast_in_dim3A_67 : f32 to vector<16xf32>
      %swap3A_69 = arith.constant 0 : i32
      %swap3A_70 = tpu.memref_slice %arg8[%add3A_41, %swap3A_69] : memref<128x128xf32, #tpu.memory_space<vmem>> -> memref<1x128xf32, #tpu.memory_space<vmem>>
      %swap3A_71 = tpu.memref_squeeze %swap3A_70 : memref<1x128xf32, #tpu.memory_space<vmem>> -> memref<128xf32, #tpu.memory_space<vmem>>
      %swap3A_72 = arith.constant 48 : index
      %swap3A_73 = tpu.vector_load %swap3A_71[%swap3A_72] {strides = array<i32>} : memref<128xf32, #tpu.memory_space<vmem>>, vector<16xf32>,
      %swap3A_74 = vector.shape_cast %swap3A_73 : vector<16xf32> to vector<16xf32>
      %swap3A_75 = vector.shape_cast %broadcast_in_dim3A_68 : vector<16xf32> to vector<16xf32>
      tpu.vector_store %swap3A_71[%swap3A_72], %swap3A_75 {strides = array<i32>} : memref<128xf32, #tpu.memory_space<vmem>>, vector<16xf32>,
      %broadcast_in_dim3A_76 = arith.constant 0.000000e+00 : f32
      %broadcast_in_dim3A_77 = vector.broadcast %broadcast_in_dim3A_76 : f32 to vector<16xf32>
      %swap3A_78 = arith.constant 0 : i32
      %swap3A_79 = tpu.memref_slice %arg8[%add3A_41, %swap3A_78] : memref<128x128xf32, #tpu.memory_space<vmem>> -> memref<1x128xf32, #tpu.memory_space<vmem>>
      %swap3A_80 = tpu.memref_squeeze %swap3A_79 : memref<1x128xf32, #tpu.memory_space<vmem>> -> memref<128xf32, #tpu.memory_space<vmem>>
      %swap3A_81 = arith.constant 64 : index
      %swap3A_82 = tpu.vector_load %swap3A_80[%swap3A_81] {strides = array<i32>} : memref<128xf32, #tpu.memory_space<vmem>>, vector<16xf32>,
      %swap3A_83 = vector.shape_cast %swap3A_82 : vector<16xf32> to vector<16xf32>
      %swap3A_84 = vector.shape_cast %broadcast_in_dim3A_77 : vector<16xf32> to vector<16xf32>
      tpu.vector_store %swap3A_80[%swap3A_81], %swap3A_84 {strides = array<i32>} : memref<128xf32, #tpu.memory_space<vmem>>, vector<16xf32>,
      %broadcast_in_dim3A_85 = arith.constant 0.000000e+00 : f32
      %broadcast_in_dim3A_86 = vector.broadcast %broadcast_in_dim3A_85 : f32 to vector<16xf32>
      %swap3A_87 = arith.constant 0 : i32
      %swap3A_88 = tpu.memref_slice %arg8[%add3A_41, %swap3A_87] : memref<128x128xf32, #tpu.memory_space<vmem>> -> memref<1x128xf32, #tpu.memory_space<vmem>>
      %swap3A_89 = tpu.memref_squeeze %swap3A_88 : memref<1x128xf32, #tpu.memory_space<vmem>> -> memref<128xf32, #tpu.memory_space<vmem>>
      %swap3A_90 = arith.constant 80 : index
      %swap3A_91 = tpu.vector_load %swap3A_89[%swap3A_90] {strides = array<i32>} : memref<128xf32, #tpu.memory_space<vmem>>, vector<16xf32>,
      %swap3A_92 = vector.shape_cast %swap3A_91 : vector<16xf32> to vector<16xf32>
      %swap3A_93 = vector.shape_cast %broadcast_in_dim3A_86 : vector<16xf32> to vector<16xf32>
      tpu.vector_store %swap3A_89[%swap3A_90], %swap3A_93 {strides = array<i32>} : memref<128xf32, #tpu.memory_space<vmem>>, vector<16xf32>,
      %broadcast_in_dim3A_94 = arith.constant 0.000000e+00 : f32
      %broadcast_in_dim3A_95 = vector.broadcast %broadcast_in_dim3A_94 : f32 to vector<16xf32>
      %swap3A_96 = arith.constant 0 : i32
      %swap3A_97 = tpu.memref_slice %arg8[%add3A_41, %swap3A_96] : memref<128x128xf32, #tpu.memory_space<vmem>> -> memref<1x128xf32, #tpu.memory_space<vmem>>
      %swap3A_98 = tpu.memref_squeeze %swap3A_97 : memref<1x128xf32, #tpu.memory_space<vmem>> -> memref<128xf32, #tpu.memory_space<vmem>>
      %swap3A_99 = arith.constant 96 : index
      %swap3A_100 = tpu.vector_load %swap3A_98[%swap3A_99] {strides = array<i32>} : memref<128xf32, #tpu.memory_space<vmem>>, vector<16xf32>,
      %swap3A_101 = vector.shape_cast %swap3A_100 : vector<16xf32> to vector<16xf32>
      %swap3A_102 = vector.shape_cast %broadcast_in_dim3A_95 : vector<16xf32> to vector<16xf32>
      tpu.vector_store %swap3A_98[%swap3A_99], %swap3A_102 {strides = array<i32>} : memref<128xf32, #tpu.memory_space<vmem>>, vector<16xf32>,
      %broadcast_in_dim3A_103 = arith.constant 0.000000e+00 : f32
      %broadcast_in_dim3A_104 = vector.broadcast %broadcast_in_dim3A_103 : f32 to vector<16xf32>
      %swap3A_105 = arith.constant 0 : i32
      %swap3A_106 = tpu.memref_slice %arg8[%add3A_41, %swap3A_105] : memref<128x128xf32, #tpu.memory_space<vmem>> -> memref<1x128xf32, #tpu.memory_space<vmem>>
      %swap3A_107 = tpu.memref_squeeze %swap3A_106 : memref<1x128xf32, #tpu.memory_space<vmem>> -> memref<128xf32, #tpu.memory_space<vmem>>
      %swap3A_108 = arith.constant 112 : index
      %swap3A_109 = tpu.vector_load %swap3A_107[%swap3A_108] {strides = array<i32>} : memref<128xf32, #tpu.memory_space<vmem>>, vector<16xf32>,
      %swap3A_110 = vector.shape_cast %swap3A_109 : vector<16xf32> to vector<16xf32>
      %swap3A_111 = vector.shape_cast %broadcast_in_dim3A_104 : vector<16xf32> to vector<16xf32>
      tpu.vector_store %swap3A_107[%swap3A_108], %swap3A_111 {strides = array<i32>} : memref<128xf32, #tpu.memory_space<vmem>>, vector<16xf32>,
    }
    %scan3A_3 = arith.constant 128 : i32
    %mul3A = arith.constant 512 : i32
    %mul3A_4 = arith.muli %arg1, %mul3A : i32
    %scan3A_5 = arith.constant 0 : i32
    %scan3A_6 = arith.constant 4 : i32
    %scan3A_7 = arith.addi %scan3A_5, %scan3A_6 : i32
    %scan3A_8 = arith.constant 1 : i32
    scf.for %scan3A_37 = %scan3A_5 to %scan3A_7 step %scan3A_8  : i32 {
      %mul3A_38 = arith.constant 1 : i32
      %mul3A_39 = arith.muli %scan3A_37, %mul3A_38 : i32
      %add3A_40 = arith.constant 0 : i32
      %add3A_41 = arith.addi %add3A_40, %mul3A_39 : i32
      %mul3A_42 = arith.constant 128 : i32
      %mul3A_43 = arith.muli %add3A_41, %mul3A_42 : i32
      %add3A_44 = arith.addi %mul3A_4, %mul3A_43 : i32
      "tpu.region"() ({
        %run_scoped3A = tpu.sem_alloc : memref<!tpu.dma_semaphore, #tpu.memory_space<semaphore_mem>>
        %dma_start3A_45 = arith.constant 0 : i32
        %dma_start3A_46 = tpu.memref_slice %arg9[%add3A_44, %dma_start3A_45] : memref<8192x128xf32, #tpu.memory_space<vmem_shared>> -> memref<128x128xf32, #tpu.memory_space<vmem_shared>>
        %dma_start3A_47 = arith.constant 0 : i32
        %dma_start3A_48 = tpu.memref_slice %arg9[%add3A_44, %dma_start3A_47] : memref<8192x128xf32, #tpu.memory_space<vmem_shared>> -> memref<128x128xf32, #tpu.memory_space<vmem_shared>>
        tpu.enqueue_dma source(%arg8 : memref<128x128xf32, #tpu.memory_space<vmem>>) target(%dma_start3A_48 : memref<128x128xf32, #tpu.memory_space<vmem_shared>>) target_semaphore(%run_scoped3A : memref<!tpu.dma_semaphore, #tpu.memory_space<semaphore_mem>>)
        %dma_wait3A = arith.constant 0 : i32
        %dma_wait3A_49 = tpu.memref_slice %arg9[%add3A_44, %dma_wait3A] : memref<8192x128xf32, #tpu.memory_space<vmem_shared>> -> memref<128x128xf32, #tpu.memory_space<vmem_shared>>
        %dma_wait3A_50 = arith.constant 0 : i32
        %dma_wait3A_51 = tpu.memref_slice %arg9[%add3A_44, %dma_wait3A_50] : memref<8192x128xf32, #tpu.memory_space<vmem_shared>> -> memref<128x128xf32, #tpu.memory_space<vmem_shared>>
        tpu.wait_dma2 semaphore(%run_scoped3A : memref<!tpu.dma_semaphore, #tpu.memory_space<semaphore_mem>>) src(%arg8 : memref<128x128xf32, #tpu.memory_space<vmem>>) dst(%dma_wait3A_51 : memref<128x128xf32, #tpu.memory_space<vmem_shared>>)
        tpu.yield
      }) : () -> ()
    }
    %scan3A_9 = arith.constant 4 : i32
    "tpu.region"() ({
      %run_scoped3A = tpu.sem_alloc : memref<!tpu.dma_semaphore, #tpu.memory_space<semaphore_mem>>
      %dma_start3A_37 = arith.constant 0 : i32
      %dma_start3A_38 = arith.constant 0 : i32
      %dma_start3A_39 = tpu.memref_slice %arg3[%arg1, %dma_start3A_37, %dma_start3A_38] : memref<16x26x128xi32, #tpu.memory_space<hbm>> -> memref<1x26x128xi32, #tpu.memory_space<hbm>>
      %dma_start3A_40 = tpu.memref_squeeze %dma_start3A_39 : memref<1x26x128xi32, #tpu.memory_space<hbm>> -> memref<26x128xi32, #tpu.memory_space<hbm>>
      %dma_start3A_41 = arith.constant 0 : i32
      %dma_start3A_42 = arith.constant 0 : i32
      %dma_start3A_43 = tpu.memref_slice %arg3[%arg1, %dma_start3A_41, %dma_start3A_42] : memref<16x26x128xi32, #tpu.memory_space<hbm>> -> memref<1x26x128xi32, #tpu.memory_space<hbm>>
      %dma_start3A_44 = tpu.memref_squeeze %dma_start3A_43 : memref<1x26x128xi32, #tpu.memory_space<hbm>> -> memref<26x128xi32, #tpu.memory_space<hbm>>
      tpu.enqueue_dma source(%dma_start3A_44 : memref<26x128xi32, #tpu.memory_space<hbm>>) target(%arg5 : memref<26x128xi32, #tpu.memory_space<vmem>>) target_semaphore(%run_scoped3A : memref<!tpu.dma_semaphore, #tpu.memory_space<semaphore_mem>>)
      %dma_wait3A = arith.constant 0 : i32
      %dma_wait3A_45 = arith.constant 0 : i32
      %dma_wait3A_46 = tpu.memref_slice %arg3[%arg1, %dma_wait3A, %dma_wait3A_45] : memref<16x26x128xi32, #tpu.memory_space<hbm>> -> memref<1x26x128xi32, #tpu.memory_space<hbm>>
      %dma_wait3A_47 = tpu.memref_squeeze %dma_wait3A_46 : memref<1x26x128xi32, #tpu.memory_space<hbm>> -> memref<26x128xi32, #tpu.memory_space<hbm>>
      %dma_wait3A_48 = arith.constant 0 : i32
      %dma_wait3A_49 = arith.constant 0 : i32
      %dma_wait3A_50 = tpu.memref_slice %arg3[%arg1, %dma_wait3A_48, %dma_wait3A_49] : memref<16x26x128xi32, #tpu.memory_space<hbm>> -> memref<1x26x128xi32, #tpu.memory_space<hbm>>
      %dma_wait3A_51 = tpu.memref_squeeze %dma_wait3A_50 : memref<1x26x128xi32, #tpu.memory_space<hbm>> -> memref<26x128xi32, #tpu.memory_space<hbm>>
      tpu.wait_dma2 semaphore(%run_scoped3A : memref<!tpu.dma_semaphore, #tpu.memory_space<semaphore_mem>>) src(%dma_wait3A_51 : memref<26x128xi32, #tpu.memory_space<hbm>>) dst(%arg5 : memref<26x128xi32, #tpu.memory_space<vmem>>)
      tpu.yield
    }) : () -> ()
    %barrier3A = arith.constant 0 : index
    tpu.barrier barrier_id(%barrier3A)
    %mul3A_10 = arith.constant 26 : i32
    %mul3A_11 = arith.muli %arg1, %mul3A_10 : i32
    %add3A = arith.constant 0 : i32
    %add3A_12 = arith.addi %mul3A_11, %add3A : i32
    %mul3A_13 = arith.constant 128 : i32
    %mul3A_14 = arith.muli %add3A_12, %mul3A_13 : i32
    %dma_start3A = arith.constant 0 : i32
    %dma_start3A_15 = arith.constant 0 : i32
    %dma_start3A_16 = tpu.memref_slice %arg2[%arg0, %dma_start3A, %dma_start3A_15] : memref<2x53248x128xf32, #tpu.memory_space<hbm>> -> memref<1x53248x128xf32, #tpu.memory_space<hbm>>
    %dma_start3A_17 = tpu.memref_squeeze %dma_start3A_16 : memref<1x53248x128xf32, #tpu.memory_space<hbm>> -> memref<53248x128xf32, #tpu.memory_space<hbm>>
    %dma_start3A_18 = arith.constant 0 : i32
    %dma_start3A_19 = tpu.memref_slice %dma_start3A_17[%mul3A_14, %dma_start3A_18] : memref<53248x128xf32, #tpu.memory_space<hbm>> -> memref<128x128xf32, #tpu.memory_space<hbm>>
    %dma_start3A_20 = arith.constant 0 : i32
    %dma_start3A_21 = arith.constant 0 : i32
    %dma_start3A_22 = tpu.memref_slice %arg2[%arg0, %dma_start3A_20, %dma_start3A_21] : memref<2x53248x128xf32, #tpu.memory_space<hbm>> -> memref<1x53248x128xf32, #tpu.memory_space<hbm>>
    %dma_start3A_23 = tpu.memref_squeeze %dma_start3A_22 : memref<1x53248x128xf32, #tpu.memory_space<hbm>> -> memref<53248x128xf32, #tpu.memory_space<hbm>>
    %dma_start3A_24 = arith.constant 0 : i32
    %dma_start3A_25 = tpu.memref_slice %dma_start3A_23[%mul3A_14, %dma_start3A_24] : memref<53248x128xf32, #tpu.memory_space<hbm>> -> memref<128x128xf32, #tpu.memory_space<hbm>>
    tpu.enqueue_dma source(%dma_start3A_25 : memref<128x128xf32, #tpu.memory_space<hbm>>) target(%arg6 : memref<128x128xf32, #tpu.memory_space<vmem>>) target_semaphore(%arg10 : memref<!tpu.dma_semaphore, #tpu.memory_space<semaphore_mem>>)
    %scan3A_26 = arith.constant 0 : i32
    %scan3A_27 = arith.constant 13 : i32
    %scan3A_28 = arith.addi %scan3A_26, %scan3A_27 : i32
    %scan3A_29 = arith.constant 1 : i32
    scf.for %scan3A_37 = %scan3A_26 to %scan3A_28 step %scan3A_29  : i32 {
      %mul3A_38 = arith.constant 2 : i32
      %mul3A_39 = arith.muli %scan3A_37, %mul3A_38 : i32
      %add3A_40 = arith.constant 0 : i32
      %add3A_41 = arith.addi %add3A_40, %mul3A_39 : i32
      %add3A_42 = arith.constant 1 : i32
      %add3A_43 = arith.addi %add3A_41, %add3A_42 : i32
      %mul3A_44 = arith.constant 26 : i32
      %mul3A_45 = arith.muli %arg1, %mul3A_44 : i32
      %add3A_46 = arith.addi %mul3A_45, %add3A_43 : i32
      %mul3A_47 = arith.constant 128 : i32
      %mul3A_48 = arith.muli %add3A_46, %mul3A_47 : i32
      %dma_start3A_49 = arith.constant 0 : i32
      %dma_start3A_50 = arith.constant 0 : i32
      %dma_start3A_51 = tpu.memref_slice %arg2[%arg0, %dma_start3A_49, %dma_start3A_50] : memref<2x53248x128xf32, #tpu.memory_space<hbm>> -> memref<1x53248x128xf32, #tpu.memory_space<hbm>>
      %dma_start3A_52 = tpu.memref_squeeze %dma_start3A_51 : memref<1x53248x128xf32, #tpu.memory_space<hbm>> -> memref<53248x128xf32, #tpu.memory_space<hbm>>
      %dma_start3A_53 = arith.constant 0 : i32
      %dma_start3A_54 = tpu.memref_slice %dma_start3A_52[%mul3A_48, %dma_start3A_53] : memref<53248x128xf32, #tpu.memory_space<hbm>> -> memref<128x128xf32, #tpu.memory_space<hbm>>
      %dma_start3A_55 = arith.constant 0 : i32
      %dma_start3A_56 = arith.constant 0 : i32
      %dma_start3A_57 = tpu.memref_slice %arg2[%arg0, %dma_start3A_55, %dma_start3A_56] : memref<2x53248x128xf32, #tpu.memory_space<hbm>> -> memref<1x53248x128xf32, #tpu.memory_space<hbm>>
      %dma_start3A_58 = tpu.memref_squeeze %dma_start3A_57 : memref<1x53248x128xf32, #tpu.memory_space<hbm>> -> memref<53248x128xf32, #tpu.memory_space<hbm>>
      %dma_start3A_59 = arith.constant 0 : i32
      %dma_start3A_60 = tpu.memref_slice %dma_start3A_58[%mul3A_48, %dma_start3A_59] : memref<53248x128xf32, #tpu.memory_space<hbm>> -> memref<128x128xf32, #tpu.memory_space<hbm>>
      tpu.enqueue_dma source(%dma_start3A_60 : memref<128x128xf32, #tpu.memory_space<hbm>>) target(%arg7 : memref<128x128xf32, #tpu.memory_space<vmem>>) target_semaphore(%arg11 : memref<!tpu.dma_semaphore, #tpu.memory_space<semaphore_mem>>)
      %mul3A_61 = arith.constant 26 : i32
      %mul3A_62 = arith.muli %arg1, %mul3A_61 : i32
      %add3A_63 = arith.addi %mul3A_62, %add3A_41 : i32
      %mul3A_64 = arith.constant 128 : i32
      %mul3A_65 = arith.muli %add3A_63, %mul3A_64 : i32
      %dma_wait3A = arith.constant 0 : i32
      %dma_wait3A_66 = arith.constant 0 : i32
      %dma_wait3A_67 = tpu.memref_slice %arg2[%arg0, %dma_wait3A, %dma_wait3A_66] : memref<2x53248x128xf32, #tpu.memory_space<hbm>> -> memref<1x53248x128xf32, #tpu.memory_space<hbm>>
      %dma_wait3A_68 = tpu.memref_squeeze %dma_wait3A_67 : memref<1x53248x128xf32, #tpu.memory_space<hbm>> -> memref<53248x128xf32, #tpu.memory_space<hbm>>
      %dma_wait3A_69 = arith.constant 0 : i32
      %dma_wait3A_70 = tpu.memref_slice %dma_wait3A_68[%mul3A_65, %dma_wait3A_69] : memref<53248x128xf32, #tpu.memory_space<hbm>> -> memref<128x128xf32, #tpu.memory_space<hbm>>
      %dma_wait3A_71 = arith.constant 0 : i32
      %dma_wait3A_72 = arith.constant 0 : i32
      %dma_wait3A_73 = tpu.memref_slice %arg2[%arg0, %dma_wait3A_71, %dma_wait3A_72] : memref<2x53248x128xf32, #tpu.memory_space<hbm>> -> memref<1x53248x128xf32, #tpu.memory_space<hbm>>
      %dma_wait3A_74 = tpu.memref_squeeze %dma_wait3A_73 : memref<1x53248x128xf32, #tpu.memory_space<hbm>> -> memref<53248x128xf32, #tpu.memory_space<hbm>>
      %dma_wait3A_75 = arith.constant 0 : i32
      %dma_wait3A_76 = tpu.memref_slice %dma_wait3A_74[%mul3A_65, %dma_wait3A_75] : memref<53248x128xf32, #tpu.memory_space<hbm>> -> memref<128x128xf32, #tpu.memory_space<hbm>>
      tpu.wait_dma2 semaphore(%arg10 : memref<!tpu.dma_semaphore, #tpu.memory_space<semaphore_mem>>) src(%dma_wait3A_76 : memref<128x128xf32, #tpu.memory_space<hbm>>) dst(%arg6 : memref<128x128xf32, #tpu.memory_space<vmem>>)
      "tpu.region"() ({
        %run_scoped3A = tpu.sem_alloc : memref<!tpu.dma_semaphore, #tpu.memory_space<semaphore_mem>>
        %dma_start3A_102 = arith.constant 0 : i32
        %dma_start3A_103 = tpu.memref_slice %arg5[%add3A_41, %dma_start3A_102] : memref<26x128xi32, #tpu.memory_space<vmem>> -> memref<1x128xi32, #tpu.memory_space<vmem>>
        %dma_start3A_104 = tpu.memref_squeeze %dma_start3A_103 : memref<1x128xi32, #tpu.memory_space<vmem>> -> memref<128xi32, #tpu.memory_space<vmem>>
        %dma_start3A_105 = arith.constant 0 : i32
        %dma_start3A_106 = arith.constant 0 : i32
        %dma_start3A_107 = tpu.memref_slice %arg9[%dma_start3A_105, %dma_start3A_106] : memref<8192x128xf32, #tpu.memory_space<vmem_shared>> -> memref<8192x128xf32, #tpu.memory_space<vmem_shared>>
        tpu.enqueue_indirect_dma source(%arg6 : memref<128x128xf32, #tpu.memory_space<vmem>>) target(%dma_start3A_107 : memref<8192x128xf32, #tpu.memory_space<vmem_shared>>) offsets(%dma_start3A_104 : memref<128xi32, #tpu.memory_space<vmem>>) semaphore(%run_scoped3A : memref<!tpu.dma_semaphore, #tpu.memory_space<semaphore_mem>>) {add = true}
        %dma_wait3A_108 = arith.constant 0 : i32
        %dma_wait3A_109 = tpu.memref_slice %arg5[%add3A_41, %dma_wait3A_108] : memref<26x128xi32, #tpu.memory_space<vmem>> -> memref<1x128xi32, #tpu.memory_space<vmem>>
        %dma_wait3A_110 = tpu.memref_squeeze %dma_wait3A_109 : memref<1x128xi32, #tpu.memory_space<vmem>> -> memref<128xi32, #tpu.memory_space<vmem>>
        %dma_wait3A_111 = arith.constant 0 : i32
        %dma_wait3A_112 = arith.constant 0 : i32
        %dma_wait3A_113 = tpu.memref_slice %arg9[%dma_wait3A_111, %dma_wait3A_112] : memref<8192x128xf32, #tpu.memory_space<vmem_shared>> -> memref<8192x128xf32, #tpu.memory_space<vmem_shared>>
        tpu.wait_indirect_dma semaphore(%run_scoped3A : memref<!tpu.dma_semaphore, #tpu.memory_space<semaphore_mem>>) src(%arg6 : memref<128x128xf32, #tpu.memory_space<vmem>>) dst(%dma_wait3A_113 : memref<8192x128xf32, #tpu.memory_space<vmem_shared>>)
        tpu.yield
      }) : () -> ()
      %add3A_77 = arith.constant 2 : i32
      %add3A_78 = arith.addi %add3A_41, %add3A_77 : i32
      %lt3A = arith.constant 26 : i32
      %lt3A_79 = arith.cmpi slt, %add3A_78, %lt3A : i32
      %convert_element_type3A = arith.extui %lt3A_79 : i1 to i32
      %cond3A = arith.constant 0 : i32
      %cond3A_80 = arith.cmpi ne, %convert_element_type3A, %cond3A : i32
      scf.if %cond3A_80 {
        %add3A_102 = arith.constant 2 : i32
        %add3A_103 = arith.addi %add3A_41, %add3A_102 : i32
        %mul3A_104 = arith.constant 26 : i32
        %mul3A_105 = arith.muli %arg1, %mul3A_104 : i32
        %add3A_106 = arith.addi %mul3A_105, %add3A_103 : i32
        %mul3A_107 = arith.constant 128 : i32
        %mul3A_108 = arith.muli %add3A_106, %mul3A_107 : i32
        %dma_start3A_109 = arith.constant 0 : i32
        %dma_start3A_110 = arith.constant 0 : i32
        %dma_start3A_111 = tpu.memref_slice %arg2[%arg0, %dma_start3A_109, %dma_start3A_110] : memref<2x53248x128xf32, #tpu.memory_space<hbm>> -> memref<1x53248x128xf32, #tpu.memory_space<hbm>>
        %dma_start3A_112 = tpu.memref_squeeze %dma_start3A_111 : memref<1x53248x128xf32, #tpu.memory_space<hbm>> -> memref<53248x128xf32, #tpu.memory_space<hbm>>
        %dma_start3A_113 = arith.constant 0 : i32
        %dma_start3A_114 = tpu.memref_slice %dma_start3A_112[%mul3A_108, %dma_start3A_113] : memref<53248x128xf32, #tpu.memory_space<hbm>> -> memref<128x128xf32, #tpu.memory_space<hbm>>
        %dma_start3A_115 = arith.constant 0 : i32
        %dma_start3A_116 = arith.constant 0 : i32
        %dma_start3A_117 = tpu.memref_slice %arg2[%arg0, %dma_start3A_115, %dma_start3A_116] : memref<2x53248x128xf32, #tpu.memory_space<hbm>> -> memref<1x53248x128xf32, #tpu.memory_space<hbm>>
        %dma_start3A_118 = tpu.memref_squeeze %dma_start3A_117 : memref<1x53248x128xf32, #tpu.memory_space<hbm>> -> memref<53248x128xf32, #tpu.memory_space<hbm>>
        %dma_start3A_119 = arith.constant 0 : i32
        %dma_start3A_120 = tpu.memref_slice %dma_start3A_118[%mul3A_108, %dma_start3A_119] : memref<53248x128xf32, #tpu.memory_space<hbm>> -> memref<128x128xf32, #tpu.memory_space<hbm>>
        tpu.enqueue_dma source(%dma_start3A_120 : memref<128x128xf32, #tpu.memory_space<hbm>>) target(%arg6 : memref<128x128xf32, #tpu.memory_space<vmem>>) target_semaphore(%arg10 : memref<!tpu.dma_semaphore, #tpu.memory_space<semaphore_mem>>)
      } else {
      }
      %add3A_81 = arith.constant 1 : i32
      %add3A_82 = arith.addi %add3A_41, %add3A_81 : i32
      %mul3A_83 = arith.constant 26 : i32
      %mul3A_84 = arith.muli %arg1, %mul3A_83 : i32
      %add3A_85 = arith.addi %mul3A_84, %add3A_82 : i32
      %mul3A_86 = arith.constant 128 : i32
      %mul3A_87 = arith.muli %add3A_85, %mul3A_86 : i32
      %dma_wait3A_88 = arith.constant 0 : i32
      %dma_wait3A_89 = arith.constant 0 : i32
      %dma_wait3A_90 = tpu.memref_slice %arg2[%arg0, %dma_wait3A_88, %dma_wait3A_89] : memref<2x53248x128xf32, #tpu.memory_space<hbm>> -> memref<1x53248x128xf32, #tpu.memory_space<hbm>>
      %dma_wait3A_91 = tpu.memref_squeeze %dma_wait3A_90 : memref<1x53248x128xf32, #tpu.memory_space<hbm>> -> memref<53248x128xf32, #tpu.memory_space<hbm>>
      %dma_wait3A_92 = arith.constant 0 : i32
      %dma_wait3A_93 = tpu.memref_slice %dma_wait3A_91[%mul3A_87, %dma_wait3A_92] : memref<53248x128xf32, #tpu.memory_space<hbm>> -> memref<128x128xf32, #tpu.memory_space<hbm>>
      %dma_wait3A_94 = arith.constant 0 : i32
      %dma_wait3A_95 = arith.constant 0 : i32
      %dma_wait3A_96 = tpu.memref_slice %arg2[%arg0, %dma_wait3A_94, %dma_wait3A_95] : memref<2x53248x128xf32, #tpu.memory_space<hbm>> -> memref<1x53248x128xf32, #tpu.memory_space<hbm>>
      %dma_wait3A_97 = tpu.memref_squeeze %dma_wait3A_96 : memref<1x53248x128xf32, #tpu.memory_space<hbm>> -> memref<53248x128xf32, #tpu.memory_space<hbm>>
      %dma_wait3A_98 = arith.constant 0 : i32
      %dma_wait3A_99 = tpu.memref_slice %dma_wait3A_97[%mul3A_87, %dma_wait3A_98] : memref<53248x128xf32, #tpu.memory_space<hbm>> -> memref<128x128xf32, #tpu.memory_space<hbm>>
      tpu.wait_dma2 semaphore(%arg11 : memref<!tpu.dma_semaphore, #tpu.memory_space<semaphore_mem>>) src(%dma_wait3A_99 : memref<128x128xf32, #tpu.memory_space<hbm>>) dst(%arg7 : memref<128x128xf32, #tpu.memory_space<vmem>>)
      %add3A_100 = arith.constant 1 : i32
      %add3A_101 = arith.addi %add3A_41, %add3A_100 : i32
      "tpu.region"() ({
        %run_scoped3A = tpu.sem_alloc : memref<!tpu.dma_semaphore, #tpu.memory_space<semaphore_mem>>
        %dma_start3A_102 = arith.constant 0 : i32
        %dma_start3A_103 = tpu.memref_slice %arg5[%add3A_101, %dma_start3A_102] : memref<26x128xi32, #tpu.memory_space<vmem>> -> memref<1x128xi32, #tpu.memory_space<vmem>>
        %dma_start3A_104 = tpu.memref_squeeze %dma_start3A_103 : memref<1x128xi32, #tpu.memory_space<vmem>> -> memref<128xi32, #tpu.memory_space<vmem>>
        %dma_start3A_105 = arith.constant 0 : i32
        %dma_start3A_106 = arith.constant 0 : i32
        %dma_start3A_107 = tpu.memref_slice %arg9[%dma_start3A_105, %dma_start3A_106] : memref<8192x128xf32, #tpu.memory_space<vmem_shared>> -> memref<8192x128xf32, #tpu.memory_space<vmem_shared>>
        tpu.enqueue_indirect_dma source(%arg7 : memref<128x128xf32, #tpu.memory_space<vmem>>) target(%dma_start3A_107 : memref<8192x128xf32, #tpu.memory_space<vmem_shared>>) offsets(%dma_start3A_104 : memref<128xi32, #tpu.memory_space<vmem>>) semaphore(%run_scoped3A : memref<!tpu.dma_semaphore, #tpu.memory_space<semaphore_mem>>) {add = true}
        %dma_wait3A_108 = arith.constant 0 : i32
        %dma_wait3A_109 = tpu.memref_slice %arg5[%add3A_101, %dma_wait3A_108] : memref<26x128xi32, #tpu.memory_space<vmem>> -> memref<1x128xi32, #tpu.memory_space<vmem>>
        %dma_wait3A_110 = tpu.memref_squeeze %dma_wait3A_109 : memref<1x128xi32, #tpu.memory_space<vmem>> -> memref<128xi32, #tpu.memory_space<vmem>>
        %dma_wait3A_111 = arith.constant 0 : i32
        %dma_wait3A_112 = arith.constant 0 : i32
        %dma_wait3A_113 = tpu.memref_slice %arg9[%dma_wait3A_111, %dma_wait3A_112] : memref<8192x128xf32, #tpu.memory_space<vmem_shared>> -> memref<8192x128xf32, #tpu.memory_space<vmem_shared>>
        tpu.wait_indirect_dma semaphore(%run_scoped3A : memref<!tpu.dma_semaphore, #tpu.memory_space<semaphore_mem>>) src(%arg7 : memref<128x128xf32, #tpu.memory_space<vmem>>) dst(%dma_wait3A_113 : memref<8192x128xf32, #tpu.memory_space<vmem_shared>>)
        tpu.yield
      }) : () -> ()
    }
    %scan3A_30 = arith.constant 13 : i32
    %barrier3A_31 = arith.constant 0 : index
    tpu.barrier barrier_id(%barrier3A_31)
    %scan3A_32 = arith.constant 0 : i32
    %scan3A_33 = arith.constant 26 : i32
    %scan3A_34 = arith.addi %scan3A_32, %scan3A_33 : i32
    %scan3A_35 = arith.constant 1 : i32
    scf.for %scan3A_37 = %scan3A_32 to %scan3A_34 step %scan3A_35  : i32 {
      %mul3A_38 = arith.constant 1 : i32
      %mul3A_39 = arith.muli %scan3A_37, %mul3A_38 : i32
      %add3A_40 = arith.constant 0 : i32
      %add3A_41 = arith.addi %add3A_40, %mul3A_39 : i32
      "tpu.region"() ({
        %run_scoped3A = tpu.sem_alloc : memref<!tpu.dma_semaphore, #tpu.memory_space<semaphore_mem>>
        %dma_start3A_47 = arith.constant 0 : i32
        %dma_start3A_48 = tpu.memref_slice %arg5[%add3A_41, %dma_start3A_47] : memref<26x128xi32, #tpu.memory_space<vmem>> -> memref<1x128xi32, #tpu.memory_space<vmem>>
        %dma_start3A_49 = tpu.memref_squeeze %dma_start3A_48 : memref<1x128xi32, #tpu.memory_space<vmem>> -> memref<128xi32, #tpu.memory_space<vmem>>
        %dma_start3A_50 = arith.constant 0 : i32
        %dma_start3A_51 = arith.constant 0 : i32
        %dma_start3A_52 = tpu.memref_slice %arg9[%dma_start3A_50, %dma_start3A_51] : memref<8192x128xf32, #tpu.memory_space<vmem_shared>> -> memref<8192x128xf32, #tpu.memory_space<vmem_shared>>
        tpu.enqueue_indirect_dma source(%dma_start3A_52 : memref<8192x128xf32, #tpu.memory_space<vmem_shared>>) target(%arg6 : memref<128x128xf32, #tpu.memory_space<vmem>>) offsets(%dma_start3A_49 : memref<128xi32, #tpu.memory_space<vmem>>) semaphore(%run_scoped3A : memref<!tpu.dma_semaphore, #tpu.memory_space<semaphore_mem>>)
        %dma_wait3A = arith.constant 0 : i32
        %dma_wait3A_53 = tpu.memref_slice %arg5[%add3A_41, %dma_wait3A] : memref<26x128xi32, #tpu.memory_space<vmem>> -> memref<1x128xi32, #tpu.memory_space<vmem>>
        %dma_wait3A_54 = tpu.memref_squeeze %dma_wait3A_53 : memref<1x128xi32, #tpu.memory_space<vmem>> -> memref<128xi32, #tpu.memory_space<vmem>>
        %dma_wait3A_55 = arith.constant 0 : i32
        %dma_wait3A_56 = arith.constant 0 : i32
        %dma_wait3A_57 = tpu.memref_slice %arg9[%dma_wait3A_55, %dma_wait3A_56] : memref<8192x128xf32, #tpu.memory_space<vmem_shared>> -> memref<8192x128xf32, #tpu.memory_space<vmem_shared>>
        tpu.wait_indirect_dma semaphore(%run_scoped3A : memref<!tpu.dma_semaphore, #tpu.memory_space<semaphore_mem>>) src(%dma_wait3A_57 : memref<8192x128xf32, #tpu.memory_space<vmem_shared>>) dst(%arg6 : memref<128x128xf32, #tpu.memory_space<vmem>>)
        tpu.yield
      }) : () -> ()
      %mul3A_42 = arith.constant 26 : i32
      %mul3A_43 = arith.muli %arg1, %mul3A_42 : i32
      %add3A_44 = arith.addi %mul3A_43, %add3A_41 : i32
      %mul3A_45 = arith.constant 128 : i32
      %mul3A_46 = arith.muli %add3A_44, %mul3A_45 : i32
      "tpu.region"() ({
        %run_scoped3A = tpu.sem_alloc : memref<!tpu.dma_semaphore, #tpu.memory_space<semaphore_mem>>
        %dma_start3A_47 = arith.constant 0 : i32
        %dma_start3A_48 = arith.constant 0 : i32
        %dma_start3A_49 = tpu.memref_slice %arg4[%arg0, %dma_start3A_47, %dma_start3A_48] : memref<2x53248x128xf32, #tpu.memory_space<hbm>> -> memref<1x53248x128xf32, #tpu.memory_space<hbm>>
        %dma_start3A_50 = tpu.memref_squeeze %dma_start3A_49 : memref<1x53248x128xf32, #tpu.memory_space<hbm>> -> memref<53248x128xf32, #tpu.memory_space<hbm>>
        %dma_start3A_51 = arith.constant 0 : i32
        %dma_start3A_52 = tpu.memref_slice %dma_start3A_50[%mul3A_46, %dma_start3A_51] : memref<53248x128xf32, #tpu.memory_space<hbm>> -> memref<128x128xf32, #tpu.memory_space<hbm>>
        %dma_start3A_53 = arith.constant 0 : i32
        %dma_start3A_54 = arith.constant 0 : i32
        %dma_start3A_55 = tpu.memref_slice %arg4[%arg0, %dma_start3A_53, %dma_start3A_54] : memref<2x53248x128xf32, #tpu.memory_space<hbm>> -> memref<1x53248x128xf32, #tpu.memory_space<hbm>>
        %dma_start3A_56 = tpu.memref_squeeze %dma_start3A_55 : memref<1x53248x128xf32, #tpu.memory_space<hbm>> -> memref<53248x128xf32, #tpu.memory_space<hbm>>
        %dma_start3A_57 = arith.constant 0 : i32
        %dma_start3A_58 = tpu.memref_slice %dma_start3A_56[%mul3A_46, %dma_start3A_57] : memref<53248x128xf32, #tpu.memory_space<hbm>> -> memref<128x128xf32, #tpu.memory_space<hbm>>
        tpu.enqueue_dma source(%arg6 : memref<128x128xf32, #tpu.memory_space<vmem>>) target(%dma_start3A_58 : memref<128x128xf32, #tpu.memory_space<hbm>>) target_semaphore(%run_scoped3A : memref<!tpu.dma_semaphore, #tpu.memory_space<semaphore_mem>>)
        %dma_wait3A = arith.constant 0 : i32
        %dma_wait3A_59 = arith.constant 0 : i32
        %dma_wait3A_60 = tpu.memref_slice %arg4[%arg0, %dma_wait3A, %dma_wait3A_59] : memref<2x53248x128xf32, #tpu.memory_space<hbm>> -> memref<1x53248x128xf32, #tpu.memory_space<hbm>>
        %dma_wait3A_61 = tpu.memref_squeeze %dma_wait3A_60 : memref<1x53248x128xf32, #tpu.memory_space<hbm>> -> memref<53248x128xf32, #tpu.memory_space<hbm>>
        %dma_wait3A_62 = arith.constant 0 : i32
        %dma_wait3A_63 = tpu.memref_slice %dma_wait3A_61[%mul3A_46, %dma_wait3A_62] : memref<53248x128xf32, #tpu.memory_space<hbm>> -> memref<128x128xf32, #tpu.memory_space<hbm>>
        %dma_wait3A_64 = arith.constant 0 : i32
        %dma_wait3A_65 = arith.constant 0 : i32
        %dma_wait3A_66 = tpu.memref_slice %arg4[%arg0, %dma_wait3A_64, %dma_wait3A_65] : memref<2x53248x128xf32, #tpu.memory_space<hbm>> -> memref<1x53248x128xf32, #tpu.memory_space<hbm>>
        %dma_wait3A_67 = tpu.memref_squeeze %dma_wait3A_66 : memref<1x53248x128xf32, #tpu.memory_space<hbm>> -> memref<53248x128xf32, #tpu.memory_space<hbm>>
        %dma_wait3A_68 = arith.constant 0 : i32
        %dma_wait3A_69 = tpu.memref_slice %dma_wait3A_67[%mul3A_46, %dma_wait3A_68] : memref<53248x128xf32, #tpu.memory_space<hbm>> -> memref<128x128xf32, #tpu.memory_space<hbm>>
        tpu.wait_dma2 semaphore(%run_scoped3A : memref<!tpu.dma_semaphore, #tpu.memory_space<semaphore_mem>>) src(%arg6 : memref<128x128xf32, #tpu.memory_space<vmem>>) dst(%dma_wait3A_69 : memref<128x128xf32, #tpu.memory_space<hbm>>)
        tpu.yield
      }) : () -> ()
    }
    %scan3A_36 = arith.constant 26 : i32
    return
  }
}

#map = affine_map<(d0, d1) -> (0, 0, 0)>
#map1 = affine_map<(d0, d1) -> (0, 0)>
module attributes {stable_mosaic.version = 14 : i64} {
  func.func @_scb_body(%arg0: i32, %arg1: i32, %arg2: memref<4x50000x16xf32, #tpu.memory_space<hbm>>, %arg3: memref<16x50176xi32, #tpu.memory_space<hbm>>, %arg4: memref<16x50176xi32, #tpu.memory_space<hbm>>, %arg5: memref<4x51200x16xf32, #tpu.memory_space<hbm>>, %arg6: memref<51200x16xf32, #tpu.memory_space<hbm>>, %arg7: memref<7168xi32, #tpu.memory_space<vmem>>, %arg8: memref<7168xi32, #tpu.memory_space<vmem>>, %arg9: memref<896x16xf32, #tpu.memory_space<vmem>>, %arg10: memref<896x16xf32, #tpu.memory_space<vmem>>, %arg11: memref<896x16xf32, #tpu.memory_space<vmem>>, %arg12: memref<896x16xf32, #tpu.memory_space<vmem>>, %arg13: memref<128x16xf32, #tpu.memory_space<vmem>>, %arg14: memref<51200x16xf32, #tpu.memory_space<vmem_shared>>, %arg15: memref<!tpu.dma_semaphore, #tpu.memory_space<semaphore_mem>>, %arg16: memref<!tpu.dma_semaphore, #tpu.memory_space<semaphore_mem>>, %arg17: memref<!tpu.dma_semaphore, #tpu.memory_space<semaphore_mem>>, %arg18: memref<!tpu.dma_semaphore, #tpu.memory_space<semaphore_mem>>, %arg19: memref<!tpu.dma_semaphore, #tpu.memory_space<semaphore_mem>>, %arg20: memref<!tpu.dma_semaphore, #tpu.memory_space<semaphore_mem>>, %arg21: memref<!tpu.dma_semaphore, #tpu.memory_space<semaphore_mem>>, %arg22: memref<!tpu.dma_semaphore, #tpu.memory_space<semaphore_mem>>) attributes {dimension_semantics = [#tpu.dimension_semantics<core_parallel>, #tpu.dimension_semantics<subcore_parallel>], iteration_bounds = array<i64: 2, 16>, scalar_prefetch = 0 : i64, scratch_operands = 16 : i64, tpu.core_type = #tpu.core_type<sc_vector_subcore>, window_params = [{transform_indices = #map}, {transform_indices = #map1}, {transform_indices = #map1}, {transform_indices = #map}, {transform_indices = #map1}]} {
    %mul3A = arith.constant 3200 : i32
    %mul3A_0 = arith.muli %arg1, %mul3A : i32
    %scan3A = arith.constant 0 : i32
    %scan3A_1 = arith.constant 128 : i32
    %scan3A_2 = arith.addi %scan3A, %scan3A_1 : i32
    %scan3A_3 = arith.constant 1 : i32
    scf.for %scan3A_54 = %scan3A to %scan3A_2 step %scan3A_3  : i32 {
      %mul3A_55 = arith.constant 1 : i32
      %mul3A_56 = arith.muli %scan3A_54, %mul3A_55 : i32
      %add3A_57 = arith.constant 0 : i32
      %add3A_58 = arith.addi %add3A_57, %mul3A_56 : i32
      %broadcast_in_dim3A = arith.constant 0.000000e+00 : f32
      %broadcast_in_dim3A_59 = vector.broadcast %broadcast_in_dim3A : f32 to vector<16xf32>
      %swap3A = arith.constant 0 : i32
      %swap3A_60 = tpu.memref_slice %arg13[%add3A_58, %swap3A] : memref<128x16xf32, #tpu.memory_space<vmem>> -> memref<1x16xf32, #tpu.memory_space<vmem>>
      %swap3A_61 = tpu.memref_squeeze %swap3A_60 : memref<1x16xf32, #tpu.memory_space<vmem>> -> memref<16xf32, #tpu.memory_space<vmem>>
      %swap3A_62 = arith.constant 0 : index
      %swap3A_63 = tpu.vector_load %swap3A_61[%swap3A_62] {strides = array<i32>} : memref<16xf32, #tpu.memory_space<vmem>>, vector<16xf32>,
      %swap3A_64 = vector.shape_cast %swap3A_63 : vector<16xf32> to vector<16xf32>
      %swap3A_65 = vector.shape_cast %broadcast_in_dim3A_59 : vector<16xf32> to vector<16xf32>
      tpu.vector_store %swap3A_61[%swap3A_62], %swap3A_65 {strides = array<i32>} : memref<16xf32, #tpu.memory_space<vmem>>, vector<16xf32>,
    }
    %scan3A_4 = arith.constant 128 : i32
    %add3A = arith.constant 0 : i32
    %add3A_5 = arith.addi %add3A, %arg0 : i32
    %mul3A_6 = arith.constant 3200 : i32
    %mul3A_7 = arith.muli %arg1, %mul3A_6 : i32
    %scan3A_8 = arith.constant 0 : i32
    %scan3A_9 = arith.constant 25 : i32
    %scan3A_10 = arith.addi %scan3A_8, %scan3A_9 : i32
    %scan3A_11 = arith.constant 1 : i32
    scf.for %scan3A_54 = %scan3A_8 to %scan3A_10 step %scan3A_11  : i32 {
      %mul3A_55 = arith.constant 1 : i32
      %mul3A_56 = arith.muli %scan3A_54, %mul3A_55 : i32
      %add3A_57 = arith.constant 0 : i32
      %add3A_58 = arith.addi %add3A_57, %mul3A_56 : i32
      %mul3A_59 = arith.constant 128 : i32
      %mul3A_60 = arith.muli %add3A_58, %mul3A_59 : i32
      %add3A_61 = arith.addi %mul3A_7, %mul3A_60 : i32
      "tpu.region"() ({
        %run_scoped3A = tpu.sem_alloc : memref<!tpu.dma_semaphore, #tpu.memory_space<semaphore_mem>>
        %dma_start3A = arith.constant 0 : i32
        %dma_start3A_62 = tpu.memref_slice %arg14[%add3A_61, %dma_start3A] : memref<51200x16xf32, #tpu.memory_space<vmem_shared>> -> memref<128x16xf32, #tpu.memory_space<vmem_shared>>
        %dma_start3A_63 = arith.constant 0 : i32
        %dma_start3A_64 = tpu.memref_slice %arg14[%add3A_61, %dma_start3A_63] : memref<51200x16xf32, #tpu.memory_space<vmem_shared>> -> memref<128x16xf32, #tpu.memory_space<vmem_shared>>
        tpu.enqueue_dma source(%arg13 : memref<128x16xf32, #tpu.memory_space<vmem>>) target(%dma_start3A_64 : memref<128x16xf32, #tpu.memory_space<vmem_shared>>) target_semaphore(%run_scoped3A : memref<!tpu.dma_semaphore, #tpu.memory_space<semaphore_mem>>)
        %dma_wait3A = arith.constant 0 : i32
        %dma_wait3A_65 = tpu.memref_slice %arg14[%add3A_61, %dma_wait3A] : memref<51200x16xf32, #tpu.memory_space<vmem_shared>> -> memref<128x16xf32, #tpu.memory_space<vmem_shared>>
        %dma_wait3A_66 = arith.constant 0 : i32
        %dma_wait3A_67 = tpu.memref_slice %arg14[%add3A_61, %dma_wait3A_66] : memref<51200x16xf32, #tpu.memory_space<vmem_shared>> -> memref<128x16xf32, #tpu.memory_space<vmem_shared>>
        tpu.wait_dma2 semaphore(%run_scoped3A : memref<!tpu.dma_semaphore, #tpu.memory_space<semaphore_mem>>) src(%arg13 : memref<128x16xf32, #tpu.memory_space<vmem>>) dst(%dma_wait3A_67 : memref<128x16xf32, #tpu.memory_space<vmem_shared>>)
        tpu.yield
      }) : () -> ()
    }
    %scan3A_12 = arith.constant 25 : i32
    %barrier3A = arith.constant 0 : index
    tpu.barrier barrier_id(%barrier3A)
    %scan3A_13 = arith.constant 0 : i32
    %scan3A_14 = arith.constant 7 : i32
    %scan3A_15 = arith.addi %scan3A_13, %scan3A_14 : i32
    %scan3A_16 = arith.constant 1 : i32
    scf.for %scan3A_54 = %scan3A_13 to %scan3A_15 step %scan3A_16  : i32 {
      %mul3A_55 = arith.constant 1 : i32
      %mul3A_56 = arith.muli %scan3A_54, %mul3A_55 : i32
      %add3A_57 = arith.constant 0 : i32
      %add3A_58 = arith.addi %add3A_57, %mul3A_56 : i32
      %mul3A_59 = arith.constant 56 : i32
      %mul3A_60 = arith.muli %add3A_58, %mul3A_59 : i32
      %mul3A_61 = arith.constant 128 : i32
      %mul3A_62 = arith.muli %mul3A_60, %mul3A_61 : i32
      "tpu.region"() ({
        %run_scoped3A = tpu.sem_alloc : memref<!tpu.dma_semaphore, #tpu.memory_space<semaphore_mem>>
        %dma_start3A_289 = arith.constant 0 : i32
        %dma_start3A_290 = tpu.memref_slice %arg3[%arg1, %dma_start3A_289] : memref<16x50176xi32, #tpu.memory_space<hbm>> -> memref<1x50176xi32, #tpu.memory_space<hbm>>
        %dma_start3A_291 = tpu.memref_squeeze %dma_start3A_290 : memref<1x50176xi32, #tpu.memory_space<hbm>> -> memref<50176xi32, #tpu.memory_space<hbm>>
        %dma_start3A_292 = tpu.memref_slice %dma_start3A_291[%mul3A_62] : memref<50176xi32, #tpu.memory_space<hbm>> -> memref<7168xi32, #tpu.memory_space<hbm>>
        %dma_start3A_293 = arith.constant 0 : i32
        %dma_start3A_294 = tpu.memref_slice %arg3[%arg1, %dma_start3A_293] : memref<16x50176xi32, #tpu.memory_space<hbm>> -> memref<1x50176xi32, #tpu.memory_space<hbm>>
        %dma_start3A_295 = tpu.memref_squeeze %dma_start3A_294 : memref<1x50176xi32, #tpu.memory_space<hbm>> -> memref<50176xi32, #tpu.memory_space<hbm>>
        %dma_start3A_296 = tpu.memref_slice %dma_start3A_295[%mul3A_62] : memref<50176xi32, #tpu.memory_space<hbm>> -> memref<7168xi32, #tpu.memory_space<hbm>>
        tpu.enqueue_dma source(%dma_start3A_296 : memref<7168xi32, #tpu.memory_space<hbm>>) target(%arg7 : memref<7168xi32, #tpu.memory_space<vmem>>) target_semaphore(%run_scoped3A : memref<!tpu.dma_semaphore, #tpu.memory_space<semaphore_mem>>)
        %dma_wait3A_297 = arith.constant 0 : i32
        %dma_wait3A_298 = tpu.memref_slice %arg3[%arg1, %dma_wait3A_297] : memref<16x50176xi32, #tpu.memory_space<hbm>> -> memref<1x50176xi32, #tpu.memory_space<hbm>>
        %dma_wait3A_299 = tpu.memref_squeeze %dma_wait3A_298 : memref<1x50176xi32, #tpu.memory_space<hbm>> -> memref<50176xi32, #tpu.memory_space<hbm>>
        %dma_wait3A_300 = tpu.memref_slice %dma_wait3A_299[%mul3A_62] : memref<50176xi32, #tpu.memory_space<hbm>> -> memref<7168xi32, #tpu.memory_space<hbm>>
        %dma_wait3A_301 = arith.constant 0 : i32
        %dma_wait3A_302 = tpu.memref_slice %arg3[%arg1, %dma_wait3A_301] : memref<16x50176xi32, #tpu.memory_space<hbm>> -> memref<1x50176xi32, #tpu.memory_space<hbm>>
        %dma_wait3A_303 = tpu.memref_squeeze %dma_wait3A_302 : memref<1x50176xi32, #tpu.memory_space<hbm>> -> memref<50176xi32, #tpu.memory_space<hbm>>
        %dma_wait3A_304 = tpu.memref_slice %dma_wait3A_303[%mul3A_62] : memref<50176xi32, #tpu.memory_space<hbm>> -> memref<7168xi32, #tpu.memory_space<hbm>>
        tpu.wait_dma2 semaphore(%run_scoped3A : memref<!tpu.dma_semaphore, #tpu.memory_space<semaphore_mem>>) src(%dma_wait3A_304 : memref<7168xi32, #tpu.memory_space<hbm>>) dst(%arg7 : memref<7168xi32, #tpu.memory_space<vmem>>)
        tpu.yield
      }) : () -> ()
      %mul3A_63 = arith.constant 56 : i32
      %mul3A_64 = arith.muli %add3A_58, %mul3A_63 : i32
      %mul3A_65 = arith.constant 128 : i32
      %mul3A_66 = arith.muli %mul3A_64, %mul3A_65 : i32
      "tpu.region"() ({
        %run_scoped3A = tpu.sem_alloc : memref<!tpu.dma_semaphore, #tpu.memory_space<semaphore_mem>>
        %dma_start3A_289 = arith.constant 0 : i32
        %dma_start3A_290 = tpu.memref_slice %arg4[%arg1, %dma_start3A_289] : memref<16x50176xi32, #tpu.memory_space<hbm>> -> memref<1x50176xi32, #tpu.memory_space<hbm>>
        %dma_start3A_291 = tpu.memref_squeeze %dma_start3A_290 : memref<1x50176xi32, #tpu.memory_space<hbm>> -> memref<50176xi32, #tpu.memory_space<hbm>>
        %dma_start3A_292 = tpu.memref_slice %dma_start3A_291[%mul3A_66] : memref<50176xi32, #tpu.memory_space<hbm>> -> memref<7168xi32, #tpu.memory_space<hbm>>
        %dma_start3A_293 = arith.constant 0 : i32
        %dma_start3A_294 = tpu.memref_slice %arg4[%arg1, %dma_start3A_293] : memref<16x50176xi32, #tpu.memory_space<hbm>> -> memref<1x50176xi32, #tpu.memory_space<hbm>>
        %dma_start3A_295 = tpu.memref_squeeze %dma_start3A_294 : memref<1x50176xi32, #tpu.memory_space<hbm>> -> memref<50176xi32, #tpu.memory_space<hbm>>
        %dma_start3A_296 = tpu.memref_slice %dma_start3A_295[%mul3A_66] : memref<50176xi32, #tpu.memory_space<hbm>> -> memref<7168xi32, #tpu.memory_space<hbm>>
        tpu.enqueue_dma source(%dma_start3A_296 : memref<7168xi32, #tpu.memory_space<hbm>>) target(%arg8 : memref<7168xi32, #tpu.memory_space<vmem>>) target_semaphore(%run_scoped3A : memref<!tpu.dma_semaphore, #tpu.memory_space<semaphore_mem>>)
        %dma_wait3A_297 = arith.constant 0 : i32
        %dma_wait3A_298 = tpu.memref_slice %arg4[%arg1, %dma_wait3A_297] : memref<16x50176xi32, #tpu.memory_space<hbm>> -> memref<1x50176xi32, #tpu.memory_space<hbm>>
        %dma_wait3A_299 = tpu.memref_squeeze %dma_wait3A_298 : memref<1x50176xi32, #tpu.memory_space<hbm>> -> memref<50176xi32, #tpu.memory_space<hbm>>
        %dma_wait3A_300 = tpu.memref_slice %dma_wait3A_299[%mul3A_66] : memref<50176xi32, #tpu.memory_space<hbm>> -> memref<7168xi32, #tpu.memory_space<hbm>>
        %dma_wait3A_301 = arith.constant 0 : i32
        %dma_wait3A_302 = tpu.memref_slice %arg4[%arg1, %dma_wait3A_301] : memref<16x50176xi32, #tpu.memory_space<hbm>> -> memref<1x50176xi32, #tpu.memory_space<hbm>>
        %dma_wait3A_303 = tpu.memref_squeeze %dma_wait3A_302 : memref<1x50176xi32, #tpu.memory_space<hbm>> -> memref<50176xi32, #tpu.memory_space<hbm>>
        %dma_wait3A_304 = tpu.memref_slice %dma_wait3A_303[%mul3A_66] : memref<50176xi32, #tpu.memory_space<hbm>> -> memref<7168xi32, #tpu.memory_space<hbm>>
        tpu.wait_dma2 semaphore(%run_scoped3A : memref<!tpu.dma_semaphore, #tpu.memory_space<semaphore_mem>>) src(%dma_wait3A_304 : memref<7168xi32, #tpu.memory_space<hbm>>) dst(%arg8 : memref<7168xi32, #tpu.memory_space<vmem>>)
        tpu.yield
      }) : () -> ()
      %dma_start3A = arith.constant 0 : i32
      %dma_start3A_67 = tpu.memref_slice %arg7[%dma_start3A] : memref<7168xi32, #tpu.memory_space<vmem>> -> memref<896xi32, #tpu.memory_space<vmem>>
      %dma_start3A_68 = arith.constant 0 : i32
      %dma_start3A_69 = arith.constant 0 : i32
      %dma_start3A_70 = tpu.memref_slice %arg2[%add3A_5, %dma_start3A_68, %dma_start3A_69] : memref<4x50000x16xf32, #tpu.memory_space<hbm>> -> memref<1x50000x16xf32, #tpu.memory_space<hbm>>
      %dma_start3A_71 = tpu.memref_squeeze %dma_start3A_70 : memref<1x50000x16xf32, #tpu.memory_space<hbm>> -> memref<50000x16xf32, #tpu.memory_space<hbm>>
      %dma_start3A_72 = arith.constant 0 : i32
      %dma_start3A_73 = arith.constant 0 : i32
      %dma_start3A_74 = tpu.memref_slice %dma_start3A_71[%dma_start3A_72, %dma_start3A_73] : memref<50000x16xf32, #tpu.memory_space<hbm>> -> memref<50000x16xf32, #tpu.memory_space<hbm>>
      tpu.enqueue_indirect_dma source(%dma_start3A_74 : memref<50000x16xf32, #tpu.memory_space<hbm>>) target(%arg9 : memref<896x16xf32, #tpu.memory_space<vmem>>) offsets(%dma_start3A_67 : memref<896xi32, #tpu.memory_space<vmem>>) semaphore(%arg15 : memref<!tpu.dma_semaphore, #tpu.memory_space<semaphore_mem>>)
      %dma_start3A_75 = arith.constant 896 : i32
      %dma_start3A_76 = tpu.memref_slice %arg7[%dma_start3A_75] : memref<7168xi32, #tpu.memory_space<vmem>> -> memref<896xi32, #tpu.memory_space<vmem>>
      %dma_start3A_77 = arith.constant 0 : i32
      %dma_start3A_78 = arith.constant 0 : i32
      %dma_start3A_79 = tpu.memref_slice %arg2[%add3A_5, %dma_start3A_77, %dma_start3A_78] : memref<4x50000x16xf32, #tpu.memory_space<hbm>> -> memref<1x50000x16xf32, #tpu.memory_space<hbm>>
      %dma_start3A_80 = tpu.memref_squeeze %dma_start3A_79 : memref<1x50000x16xf32, #tpu.memory_space<hbm>> -> memref<50000x16xf32, #tpu.memory_space<hbm>>
      %dma_start3A_81 = arith.constant 0 : i32
      %dma_start3A_82 = arith.constant 0 : i32
      %dma_start3A_83 = tpu.memref_slice %dma_start3A_80[%dma_start3A_81, %dma_start3A_82] : memref<50000x16xf32, #tpu.memory_space<hbm>> -> memref<50000x16xf32, #tpu.memory_space<hbm>>
      tpu.enqueue_indirect_dma source(%dma_start3A_83 : memref<50000x16xf32, #tpu.memory_space<hbm>>) target(%arg10 : memref<896x16xf32, #tpu.memory_space<vmem>>) offsets(%dma_start3A_76 : memref<896xi32, #tpu.memory_space<vmem>>) semaphore(%arg16 : memref<!tpu.dma_semaphore, #tpu.memory_space<semaphore_mem>>)
      %dma_start3A_84 = arith.constant 1792 : i32
      %dma_start3A_85 = tpu.memref_slice %arg7[%dma_start3A_84] : memref<7168xi32, #tpu.memory_space<vmem>> -> memref<896xi32, #tpu.memory_space<vmem>>
      %dma_start3A_86 = arith.constant 0 : i32
      %dma_start3A_87 = arith.constant 0 : i32
      %dma_start3A_88 = tpu.memref_slice %arg2[%add3A_5, %dma_start3A_86, %dma_start3A_87] : memref<4x50000x16xf32, #tpu.memory_space<hbm>> -> memref<1x50000x16xf32, #tpu.memory_space<hbm>>
      %dma_start3A_89 = tpu.memref_squeeze %dma_start3A_88 : memref<1x50000x16xf32, #tpu.memory_space<hbm>> -> memref<50000x16xf32, #tpu.memory_space<hbm>>
      %dma_start3A_90 = arith.constant 0 : i32
      %dma_start3A_91 = arith.constant 0 : i32
      %dma_start3A_92 = tpu.memref_slice %dma_start3A_89[%dma_start3A_90, %dma_start3A_91] : memref<50000x16xf32, #tpu.memory_space<hbm>> -> memref<50000x16xf32, #tpu.memory_space<hbm>>
      tpu.enqueue_indirect_dma source(%dma_start3A_92 : memref<50000x16xf32, #tpu.memory_space<hbm>>) target(%arg11 : memref<896x16xf32, #tpu.memory_space<vmem>>) offsets(%dma_start3A_85 : memref<896xi32, #tpu.memory_space<vmem>>) semaphore(%arg17 : memref<!tpu.dma_semaphore, #tpu.memory_space<semaphore_mem>>)
      %dma_start3A_93 = arith.constant 2688 : i32
      %dma_start3A_94 = tpu.memref_slice %arg7[%dma_start3A_93] : memref<7168xi32, #tpu.memory_space<vmem>> -> memref<896xi32, #tpu.memory_space<vmem>>
      %dma_start3A_95 = arith.constant 0 : i32
      %dma_start3A_96 = arith.constant 0 : i32
      %dma_start3A_97 = tpu.memref_slice %arg2[%add3A_5, %dma_start3A_95, %dma_start3A_96] : memref<4x50000x16xf32, #tpu.memory_space<hbm>> -> memref<1x50000x16xf32, #tpu.memory_space<hbm>>
      %dma_start3A_98 = tpu.memref_squeeze %dma_start3A_97 : memref<1x50000x16xf32, #tpu.memory_space<hbm>> -> memref<50000x16xf32, #tpu.memory_space<hbm>>
      %dma_start3A_99 = arith.constant 0 : i32
      %dma_start3A_100 = arith.constant 0 : i32
      %dma_start3A_101 = tpu.memref_slice %dma_start3A_98[%dma_start3A_99, %dma_start3A_100] : memref<50000x16xf32, #tpu.memory_space<hbm>> -> memref<50000x16xf32, #tpu.memory_space<hbm>>
      tpu.enqueue_indirect_dma source(%dma_start3A_101 : memref<50000x16xf32, #tpu.memory_space<hbm>>) target(%arg12 : memref<896x16xf32, #tpu.memory_space<vmem>>) offsets(%dma_start3A_94 : memref<896xi32, #tpu.memory_space<vmem>>) semaphore(%arg18 : memref<!tpu.dma_semaphore, #tpu.memory_space<semaphore_mem>>)
      %dma_wait3A = arith.constant 0 : i32
      %dma_wait3A_102 = tpu.memref_slice %arg7[%dma_wait3A] : memref<7168xi32, #tpu.memory_space<vmem>> -> memref<896xi32, #tpu.memory_space<vmem>>
      %dma_wait3A_103 = arith.constant 0 : i32
      %dma_wait3A_104 = arith.constant 0 : i32
      %dma_wait3A_105 = tpu.memref_slice %arg2[%add3A_5, %dma_wait3A_103, %dma_wait3A_104] : memref<4x50000x16xf32, #tpu.memory_space<hbm>> -> memref<1x50000x16xf32, #tpu.memory_space<hbm>>
      %dma_wait3A_106 = tpu.memref_squeeze %dma_wait3A_105 : memref<1x50000x16xf32, #tpu.memory_space<hbm>> -> memref<50000x16xf32, #tpu.memory_space<hbm>>
      %dma_wait3A_107 = arith.constant 0 : i32
      %dma_wait3A_108 = arith.constant 0 : i32
      %dma_wait3A_109 = tpu.memref_slice %dma_wait3A_106[%dma_wait3A_107, %dma_wait3A_108] : memref<50000x16xf32, #tpu.memory_space<hbm>> -> memref<50000x16xf32, #tpu.memory_space<hbm>>
      tpu.wait_indirect_dma semaphore(%arg15 : memref<!tpu.dma_semaphore, #tpu.memory_space<semaphore_mem>>) src(%dma_wait3A_109 : memref<50000x16xf32, #tpu.memory_space<hbm>>) dst(%arg9 : memref<896x16xf32, #tpu.memory_space<vmem>>)
      %dma_start3A_110 = arith.constant 0 : i32
      %dma_start3A_111 = tpu.memref_slice %arg8[%dma_start3A_110] : memref<7168xi32, #tpu.memory_space<vmem>> -> memref<896xi32, #tpu.memory_space<vmem>>
      %dma_start3A_112 = arith.constant 0 : i32
      %dma_start3A_113 = arith.constant 0 : i32
      %dma_start3A_114 = tpu.memref_slice %arg14[%dma_start3A_112, %dma_start3A_113] : memref<51200x16xf32, #tpu.memory_space<vmem_shared>> -> memref<51200x16xf32, #tpu.memory_space<vmem_shared>>
      tpu.enqueue_indirect_dma source(%arg9 : memref<896x16xf32, #tpu.memory_space<vmem>>) target(%dma_start3A_114 : memref<51200x16xf32, #tpu.memory_space<vmem_shared>>) offsets(%dma_start3A_111 : memref<896xi32, #tpu.memory_space<vmem>>) semaphore(%arg19 : memref<!tpu.dma_semaphore, #tpu.memory_space<semaphore_mem>>) {add = true}
      %dma_wait3A_115 = arith.constant 896 : i32
      %dma_wait3A_116 = tpu.memref_slice %arg7[%dma_wait3A_115] : memref<7168xi32, #tpu.memory_space<vmem>> -> memref<896xi32, #tpu.memory_space<vmem>>
      %dma_wait3A_117 = arith.constant 0 : i32
      %dma_wait3A_118 = arith.constant 0 : i32
      %dma_wait3A_119 = tpu.memref_slice %arg2[%add3A_5, %dma_wait3A_117, %dma_wait3A_118] : memref<4x50000x16xf32, #tpu.memory_space<hbm>> -> memref<1x50000x16xf32, #tpu.memory_space<hbm>>
      %dma_wait3A_120 = tpu.memref_squeeze %dma_wait3A_119 : memref<1x50000x16xf32, #tpu.memory_space<hbm>> -> memref<50000x16xf32, #tpu.memory_space<hbm>>
      %dma_wait3A_121 = arith.constant 0 : i32
      %dma_wait3A_122 = arith.constant 0 : i32
      %dma_wait3A_123 = tpu.memref_slice %dma_wait3A_120[%dma_wait3A_121, %dma_wait3A_122] : memref<50000x16xf32, #tpu.memory_space<hbm>> -> memref<50000x16xf32, #tpu.memory_space<hbm>>
      tpu.wait_indirect_dma semaphore(%arg16 : memref<!tpu.dma_semaphore, #tpu.memory_space<semaphore_mem>>) src(%dma_wait3A_123 : memref<50000x16xf32, #tpu.memory_space<hbm>>) dst(%arg10 : memref<896x16xf32, #tpu.memory_space<vmem>>)
      %dma_start3A_124 = arith.constant 896 : i32
      %dma_start3A_125 = tpu.memref_slice %arg8[%dma_start3A_124] : memref<7168xi32, #tpu.memory_space<vmem>> -> memref<896xi32, #tpu.memory_space<vmem>>
      %dma_start3A_126 = arith.constant 0 : i32
      %dma_start3A_127 = arith.constant 0 : i32
      %dma_start3A_128 = tpu.memref_slice %arg14[%dma_start3A_126, %dma_start3A_127] : memref<51200x16xf32, #tpu.memory_space<vmem_shared>> -> memref<51200x16xf32, #tpu.memory_space<vmem_shared>>
      tpu.enqueue_indirect_dma source(%arg10 : memref<896x16xf32, #tpu.memory_space<vmem>>) target(%dma_start3A_128 : memref<51200x16xf32, #tpu.memory_space<vmem_shared>>) offsets(%dma_start3A_125 : memref<896xi32, #tpu.memory_space<vmem>>) semaphore(%arg20 : memref<!tpu.dma_semaphore, #tpu.memory_space<semaphore_mem>>) {add = true}
      %dma_wait3A_129 = arith.constant 1792 : i32
      %dma_wait3A_130 = tpu.memref_slice %arg7[%dma_wait3A_129] : memref<7168xi32, #tpu.memory_space<vmem>> -> memref<896xi32, #tpu.memory_space<vmem>>
      %dma_wait3A_131 = arith.constant 0 : i32
      %dma_wait3A_132 = arith.constant 0 : i32
      %dma_wait3A_133 = tpu.memref_slice %arg2[%add3A_5, %dma_wait3A_131, %dma_wait3A_132] : memref<4x50000x16xf32, #tpu.memory_space<hbm>> -> memref<1x50000x16xf32, #tpu.memory_space<hbm>>
      %dma_wait3A_134 = tpu.memref_squeeze %dma_wait3A_133 : memref<1x50000x16xf32, #tpu.memory_space<hbm>> -> memref<50000x16xf32, #tpu.memory_space<hbm>>
      %dma_wait3A_135 = arith.constant 0 : i32
      %dma_wait3A_136 = arith.constant 0 : i32
      %dma_wait3A_137 = tpu.memref_slice %dma_wait3A_134[%dma_wait3A_135, %dma_wait3A_136] : memref<50000x16xf32, #tpu.memory_space<hbm>> -> memref<50000x16xf32, #tpu.memory_space<hbm>>
      tpu.wait_indirect_dma semaphore(%arg17 : memref<!tpu.dma_semaphore, #tpu.memory_space<semaphore_mem>>) src(%dma_wait3A_137 : memref<50000x16xf32, #tpu.memory_space<hbm>>) dst(%arg11 : memref<896x16xf32, #tpu.memory_space<vmem>>)
      %dma_start3A_138 = arith.constant 1792 : i32
      %dma_start3A_139 = tpu.memref_slice %arg8[%dma_start3A_138] : memref<7168xi32, #tpu.memory_space<vmem>> -> memref<896xi32, #tpu.memory_space<vmem>>
      %dma_start3A_140 = arith.constant 0 : i32
      %dma_start3A_141 = arith.constant 0 : i32
      %dma_start3A_142 = tpu.memref_slice %arg14[%dma_start3A_140, %dma_start3A_141] : memref<51200x16xf32, #tpu.memory_space<vmem_shared>> -> memref<51200x16xf32, #tpu.memory_space<vmem_shared>>
      tpu.enqueue_indirect_dma source(%arg11 : memref<896x16xf32, #tpu.memory_space<vmem>>) target(%dma_start3A_142 : memref<51200x16xf32, #tpu.memory_space<vmem_shared>>) offsets(%dma_start3A_139 : memref<896xi32, #tpu.memory_space<vmem>>) semaphore(%arg21 : memref<!tpu.dma_semaphore, #tpu.memory_space<semaphore_mem>>) {add = true}
      %dma_wait3A_143 = arith.constant 2688 : i32
      %dma_wait3A_144 = tpu.memref_slice %arg7[%dma_wait3A_143] : memref<7168xi32, #tpu.memory_space<vmem>> -> memref<896xi32, #tpu.memory_space<vmem>>
      %dma_wait3A_145 = arith.constant 0 : i32
      %dma_wait3A_146 = arith.constant 0 : i32
      %dma_wait3A_147 = tpu.memref_slice %arg2[%add3A_5, %dma_wait3A_145, %dma_wait3A_146] : memref<4x50000x16xf32, #tpu.memory_space<hbm>> -> memref<1x50000x16xf32, #tpu.memory_space<hbm>>
      %dma_wait3A_148 = tpu.memref_squeeze %dma_wait3A_147 : memref<1x50000x16xf32, #tpu.memory_space<hbm>> -> memref<50000x16xf32, #tpu.memory_space<hbm>>
      %dma_wait3A_149 = arith.constant 0 : i32
      %dma_wait3A_150 = arith.constant 0 : i32
      %dma_wait3A_151 = tpu.memref_slice %dma_wait3A_148[%dma_wait3A_149, %dma_wait3A_150] : memref<50000x16xf32, #tpu.memory_space<hbm>> -> memref<50000x16xf32, #tpu.memory_space<hbm>>
      tpu.wait_indirect_dma semaphore(%arg18 : memref<!tpu.dma_semaphore, #tpu.memory_space<semaphore_mem>>) src(%dma_wait3A_151 : memref<50000x16xf32, #tpu.memory_space<hbm>>) dst(%arg12 : memref<896x16xf32, #tpu.memory_space<vmem>>)
      %dma_start3A_152 = arith.constant 2688 : i32
      %dma_start3A_153 = tpu.memref_slice %arg8[%dma_start3A_152] : memref<7168xi32, #tpu.memory_space<vmem>> -> memref<896xi32, #tpu.memory_space<vmem>>
      %dma_start3A_154 = arith.constant 0 : i32
      %dma_start3A_155 = arith.constant 0 : i32
      %dma_start3A_156 = tpu.memref_slice %arg14[%dma_start3A_154, %dma_start3A_155] : memref<51200x16xf32, #tpu.memory_space<vmem_shared>> -> memref<51200x16xf32, #tpu.memory_space<vmem_shared>>
      tpu.enqueue_indirect_dma source(%arg12 : memref<896x16xf32, #tpu.memory_space<vmem>>) target(%dma_start3A_156 : memref<51200x16xf32, #tpu.memory_space<vmem_shared>>) offsets(%dma_start3A_153 : memref<896xi32, #tpu.memory_space<vmem>>) semaphore(%arg22 : memref<!tpu.dma_semaphore, #tpu.memory_space<semaphore_mem>>) {add = true}
      %dma_wait3A_157 = arith.constant 0 : i32
      %dma_wait3A_158 = tpu.memref_slice %arg8[%dma_wait3A_157] : memref<7168xi32, #tpu.memory_space<vmem>> -> memref<896xi32, #tpu.memory_space<vmem>>
      %dma_wait3A_159 = arith.constant 0 : i32
      %dma_wait3A_160 = arith.constant 0 : i32
      %dma_wait3A_161 = tpu.memref_slice %arg14[%dma_wait3A_159, %dma_wait3A_160] : memref<51200x16xf32, #tpu.memory_space<vmem_shared>> -> memref<51200x16xf32, #tpu.memory_space<vmem_shared>>
      tpu.wait_indirect_dma semaphore(%arg19 : memref<!tpu.dma_semaphore, #tpu.memory_space<semaphore_mem>>) src(%arg9 : memref<896x16xf32, #tpu.memory_space<vmem>>) dst(%dma_wait3A_161 : memref<51200x16xf32, #tpu.memory_space<vmem_shared>>)
      %dma_start3A_162 = arith.constant 3584 : i32
      %dma_start3A_163 = tpu.memref_slice %arg7[%dma_start3A_162] : memref<7168xi32, #tpu.memory_space<vmem>> -> memref<896xi32, #tpu.memory_space<vmem>>
      %dma_start3A_164 = arith.constant 0 : i32
      %dma_start3A_165 = arith.constant 0 : i32
      %dma_start3A_166 = tpu.memref_slice %arg2[%add3A_5, %dma_start3A_164, %dma_start3A_165] : memref<4x50000x16xf32, #tpu.memory_space<hbm>> -> memref<1x50000x16xf32, #tpu.memory_space<hbm>>
      %dma_start3A_167 = tpu.memref_squeeze %dma_start3A_166 : memref<1x50000x16xf32, #tpu.memory_space<hbm>> -> memref<50000x16xf32, #tpu.memory_space<hbm>>
      %dma_start3A_168 = arith.constant 0 : i32
      %dma_start3A_169 = arith.constant 0 : i32
      %dma_start3A_170 = tpu.memref_slice %dma_start3A_167[%dma_start3A_168, %dma_start3A_169] : memref<50000x16xf32, #tpu.memory_space<hbm>> -> memref<50000x16xf32, #tpu.memory_space<hbm>>
      tpu.enqueue_indirect_dma source(%dma_start3A_170 : memref<50000x16xf32, #tpu.memory_space<hbm>>) target(%arg9 : memref<896x16xf32, #tpu.memory_space<vmem>>) offsets(%dma_start3A_163 : memref<896xi32, #tpu.memory_space<vmem>>) semaphore(%arg15 : memref<!tpu.dma_semaphore, #tpu.memory_space<semaphore_mem>>)
      %dma_wait3A_171 = arith.constant 896 : i32
      %dma_wait3A_172 = tpu.memref_slice %arg8[%dma_wait3A_171] : memref<7168xi32, #tpu.memory_space<vmem>> -> memref<896xi32, #tpu.memory_space<vmem>>
      %dma_wait3A_173 = arith.constant 0 : i32
      %dma_wait3A_174 = arith.constant 0 : i32
      %dma_wait3A_175 = tpu.memref_slice %arg14[%dma_wait3A_173, %dma_wait3A_174] : memref<51200x16xf32, #tpu.memory_space<vmem_shared>> -> memref<51200x16xf32, #tpu.memory_space<vmem_shared>>
      tpu.wait_indirect_dma semaphore(%arg20 : memref<!tpu.dma_semaphore, #tpu.memory_space<semaphore_mem>>) src(%arg10 : memref<896x16xf32, #tpu.memory_space<vmem>>) dst(%dma_wait3A_175 : memref<51200x16xf32, #tpu.memory_space<vmem_shared>>)
      %dma_start3A_176 = arith.constant 4480 : i32
      %dma_start3A_177 = tpu.memref_slice %arg7[%dma_start3A_176] : memref<7168xi32, #tpu.memory_space<vmem>> -> memref<896xi32, #tpu.memory_space<vmem>>
      %dma_start3A_178 = arith.constant 0 : i32
      %dma_start3A_179 = arith.constant 0 : i32
      %dma_start3A_180 = tpu.memref_slice %arg2[%add3A_5, %dma_start3A_178, %dma_start3A_179] : memref<4x50000x16xf32, #tpu.memory_space<hbm>> -> memref<1x50000x16xf32, #tpu.memory_space<hbm>>
      %dma_start3A_181 = tpu.memref_squeeze %dma_start3A_180 : memref<1x50000x16xf32, #tpu.memory_space<hbm>> -> memref<50000x16xf32, #tpu.memory_space<hbm>>
      %dma_start3A_182 = arith.constant 0 : i32
      %dma_start3A_183 = arith.constant 0 : i32
      %dma_start3A_184 = tpu.memref_slice %dma_start3A_181[%dma_start3A_182, %dma_start3A_183] : memref<50000x16xf32, #tpu.memory_space<hbm>> -> memref<50000x16xf32, #tpu.memory_space<hbm>>
      tpu.enqueue_indirect_dma source(%dma_start3A_184 : memref<50000x16xf32, #tpu.memory_space<hbm>>) target(%arg10 : memref<896x16xf32, #tpu.memory_space<vmem>>) offsets(%dma_start3A_177 : memref<896xi32, #tpu.memory_space<vmem>>) semaphore(%arg16 : memref<!tpu.dma_semaphore, #tpu.memory_space<semaphore_mem>>)
      %dma_wait3A_185 = arith.constant 1792 : i32
      %dma_wait3A_186 = tpu.memref_slice %arg8[%dma_wait3A_185] : memref<7168xi32, #tpu.memory_space<vmem>> -> memref<896xi32, #tpu.memory_space<vmem>>
      %dma_wait3A_187 = arith.constant 0 : i32
      %dma_wait3A_188 = arith.constant 0 : i32
      %dma_wait3A_189 = tpu.memref_slice %arg14[%dma_wait3A_187, %dma_wait3A_188] : memref<51200x16xf32, #tpu.memory_space<vmem_shared>> -> memref<51200x16xf32, #tpu.memory_space<vmem_shared>>
      tpu.wait_indirect_dma semaphore(%arg21 : memref<!tpu.dma_semaphore, #tpu.memory_space<semaphore_mem>>) src(%arg11 : memref<896x16xf32, #tpu.memory_space<vmem>>) dst(%dma_wait3A_189 : memref<51200x16xf32, #tpu.memory_space<vmem_shared>>)
      %dma_start3A_190 = arith.constant 5376 : i32
      %dma_start3A_191 = tpu.memref_slice %arg7[%dma_start3A_190] : memref<7168xi32, #tpu.memory_space<vmem>> -> memref<896xi32, #tpu.memory_space<vmem>>
      %dma_start3A_192 = arith.constant 0 : i32
      %dma_start3A_193 = arith.constant 0 : i32
      %dma_start3A_194 = tpu.memref_slice %arg2[%add3A_5, %dma_start3A_192, %dma_start3A_193] : memref<4x50000x16xf32, #tpu.memory_space<hbm>> -> memref<1x50000x16xf32, #tpu.memory_space<hbm>>
      %dma_start3A_195 = tpu.memref_squeeze %dma_start3A_194 : memref<1x50000x16xf32, #tpu.memory_space<hbm>> -> memref<50000x16xf32, #tpu.memory_space<hbm>>
      %dma_start3A_196 = arith.constant 0 : i32
      %dma_start3A_197 = arith.constant 0 : i32
      %dma_start3A_198 = tpu.memref_slice %dma_start3A_195[%dma_start3A_196, %dma_start3A_197] : memref<50000x16xf32, #tpu.memory_space<hbm>> -> memref<50000x16xf32, #tpu.memory_space<hbm>>
      tpu.enqueue_indirect_dma source(%dma_start3A_198 : memref<50000x16xf32, #tpu.memory_space<hbm>>) target(%arg11 : memref<896x16xf32, #tpu.memory_space<vmem>>) offsets(%dma_start3A_191 : memref<896xi32, #tpu.memory_space<vmem>>) semaphore(%arg17 : memref<!tpu.dma_semaphore, #tpu.memory_space<semaphore_mem>>)
      %dma_wait3A_199 = arith.constant 2688 : i32
      %dma_wait3A_200 = tpu.memref_slice %arg8[%dma_wait3A_199] : memref<7168xi32, #tpu.memory_space<vmem>> -> memref<896xi32, #tpu.memory_space<vmem>>
      %dma_wait3A_201 = arith.constant 0 : i32
      %dma_wait3A_202 = arith.constant 0 : i32
      %dma_wait3A_203 = tpu.memref_slice %arg14[%dma_wait3A_201, %dma_wait3A_202] : memref<51200x16xf32, #tpu.memory_space<vmem_shared>> -> memref<51200x16xf32, #tpu.memory_space<vmem_shared>>
      tpu.wait_indirect_dma semaphore(%arg22 : memref<!tpu.dma_semaphore, #tpu.memory_space<semaphore_mem>>) src(%arg12 : memref<896x16xf32, #tpu.memory_space<vmem>>) dst(%dma_wait3A_203 : memref<51200x16xf32, #tpu.memory_space<vmem_shared>>)
      %dma_start3A_204 = arith.constant 6272 : i32
      %dma_start3A_205 = tpu.memref_slice %arg7[%dma_start3A_204] : memref<7168xi32, #tpu.memory_space<vmem>> -> memref<896xi32, #tpu.memory_space<vmem>>
      %dma_start3A_206 = arith.constant 0 : i32
      %dma_start3A_207 = arith.constant 0 : i32
      %dma_start3A_208 = tpu.memref_slice %arg2[%add3A_5, %dma_start3A_206, %dma_start3A_207] : memref<4x50000x16xf32, #tpu.memory_space<hbm>> -> memref<1x50000x16xf32, #tpu.memory_space<hbm>>
      %dma_start3A_209 = tpu.memref_squeeze %dma_start3A_208 : memref<1x50000x16xf32, #tpu.memory_space<hbm>> -> memref<50000x16xf32, #tpu.memory_space<hbm>>
      %dma_start3A_210 = arith.constant 0 : i32
      %dma_start3A_211 = arith.constant 0 : i32
      %dma_start3A_212 = tpu.memref_slice %dma_start3A_209[%dma_start3A_210, %dma_start3A_211] : memref<50000x16xf32, #tpu.memory_space<hbm>> -> memref<50000x16xf32, #tpu.memory_space<hbm>>
      tpu.enqueue_indirect_dma source(%dma_start3A_212 : memref<50000x16xf32, #tpu.memory_space<hbm>>) target(%arg12 : memref<896x16xf32, #tpu.memory_space<vmem>>) offsets(%dma_start3A_205 : memref<896xi32, #tpu.memory_space<vmem>>) semaphore(%arg18 : memref<!tpu.dma_semaphore, #tpu.memory_space<semaphore_mem>>)
      %dma_wait3A_213 = arith.constant 3584 : i32
      %dma_wait3A_214 = tpu.memref_slice %arg7[%dma_wait3A_213] : memref<7168xi32, #tpu.memory_space<vmem>> -> memref<896xi32, #tpu.memory_space<vmem>>
      %dma_wait3A_215 = arith.constant 0 : i32
      %dma_wait3A_216 = arith.constant 0 : i32
      %dma_wait3A_217 = tpu.memref_slice %arg2[%add3A_5, %dma_wait3A_215, %dma_wait3A_216] : memref<4x50000x16xf32, #tpu.memory_space<hbm>> -> memref<1x50000x16xf32, #tpu.memory_space<hbm>>
      %dma_wait3A_218 = tpu.memref_squeeze %dma_wait3A_217 : memref<1x50000x16xf32, #tpu.memory_space<hbm>> -> memref<50000x16xf32, #tpu.memory_space<hbm>>
      %dma_wait3A_219 = arith.constant 0 : i32
      %dma_wait3A_220 = arith.constant 0 : i32
      %dma_wait3A_221 = tpu.memref_slice %dma_wait3A_218[%dma_wait3A_219, %dma_wait3A_220] : memref<50000x16xf32, #tpu.memory_space<hbm>> -> memref<50000x16xf32, #tpu.memory_space<hbm>>
      tpu.wait_indirect_dma semaphore(%arg15 : memref<!tpu.dma_semaphore, #tpu.memory_space<semaphore_mem>>) src(%dma_wait3A_221 : memref<50000x16xf32, #tpu.memory_space<hbm>>) dst(%arg9 : memref<896x16xf32, #tpu.memory_space<vmem>>)
      %dma_start3A_222 = arith.constant 3584 : i32
      %dma_start3A_223 = tpu.memref_slice %arg8[%dma_start3A_222] : memref<7168xi32, #tpu.memory_space<vmem>> -> memref<896xi32, #tpu.memory_space<vmem>>
      %dma_start3A_224 = arith.constant 0 : i32
      %dma_start3A_225 = arith.constant 0 : i32
      %dma_start3A_226 = tpu.memref_slice %arg14[%dma_start3A_224, %dma_start3A_225] : memref<51200x16xf32, #tpu.memory_space<vmem_shared>> -> memref<51200x16xf32, #tpu.memory_space<vmem_shared>>
      tpu.enqueue_indirect_dma source(%arg9 : memref<896x16xf32, #tpu.memory_space<vmem>>) target(%dma_start3A_226 : memref<51200x16xf32, #tpu.memory_space<vmem_shared>>) offsets(%dma_start3A_223 : memref<896xi32, #tpu.memory_space<vmem>>) semaphore(%arg19 : memref<!tpu.dma_semaphore, #tpu.memory_space<semaphore_mem>>) {add = true}
      %dma_wait3A_227 = arith.constant 4480 : i32
      %dma_wait3A_228 = tpu.memref_slice %arg7[%dma_wait3A_227] : memref<7168xi32, #tpu.memory_space<vmem>> -> memref<896xi32, #tpu.memory_space<vmem>>
      %dma_wait3A_229 = arith.constant 0 : i32
      %dma_wait3A_230 = arith.constant 0 : i32
      %dma_wait3A_231 = tpu.memref_slice %arg2[%add3A_5, %dma_wait3A_229, %dma_wait3A_230] : memref<4x50000x16xf32, #tpu.memory_space<hbm>> -> memref<1x50000x16xf32, #tpu.memory_space<hbm>>
      %dma_wait3A_232 = tpu.memref_squeeze %dma_wait3A_231 : memref<1x50000x16xf32, #tpu.memory_space<hbm>> -> memref<50000x16xf32, #tpu.memory_space<hbm>>
      %dma_wait3A_233 = arith.constant 0 : i32
      %dma_wait3A_234 = arith.constant 0 : i32
      %dma_wait3A_235 = tpu.memref_slice %dma_wait3A_232[%dma_wait3A_233, %dma_wait3A_234] : memref<50000x16xf32, #tpu.memory_space<hbm>> -> memref<50000x16xf32, #tpu.memory_space<hbm>>
      tpu.wait_indirect_dma semaphore(%arg16 : memref<!tpu.dma_semaphore, #tpu.memory_space<semaphore_mem>>) src(%dma_wait3A_235 : memref<50000x16xf32, #tpu.memory_space<hbm>>) dst(%arg10 : memref<896x16xf32, #tpu.memory_space<vmem>>)
      %dma_start3A_236 = arith.constant 4480 : i32
      %dma_start3A_237 = tpu.memref_slice %arg8[%dma_start3A_236] : memref<7168xi32, #tpu.memory_space<vmem>> -> memref<896xi32, #tpu.memory_space<vmem>>
      %dma_start3A_238 = arith.constant 0 : i32
      %dma_start3A_239 = arith.constant 0 : i32
      %dma_start3A_240 = tpu.memref_slice %arg14[%dma_start3A_238, %dma_start3A_239] : memref<51200x16xf32, #tpu.memory_space<vmem_shared>> -> memref<51200x16xf32, #tpu.memory_space<vmem_shared>>
      tpu.enqueue_indirect_dma source(%arg10 : memref<896x16xf32, #tpu.memory_space<vmem>>) target(%dma_start3A_240 : memref<51200x16xf32, #tpu.memory_space<vmem_shared>>) offsets(%dma_start3A_237 : memref<896xi32, #tpu.memory_space<vmem>>) semaphore(%arg20 : memref<!tpu.dma_semaphore, #tpu.memory_space<semaphore_mem>>) {add = true}
      %dma_wait3A_241 = arith.constant 5376 : i32
      %dma_wait3A_242 = tpu.memref_slice %arg7[%dma_wait3A_241] : memref<7168xi32, #tpu.memory_space<vmem>> -> memref<896xi32, #tpu.memory_space<vmem>>
      %dma_wait3A_243 = arith.constant 0 : i32
      %dma_wait3A_244 = arith.constant 0 : i32
      %dma_wait3A_245 = tpu.memref_slice %arg2[%add3A_5, %dma_wait3A_243, %dma_wait3A_244] : memref<4x50000x16xf32, #tpu.memory_space<hbm>> -> memref<1x50000x16xf32, #tpu.memory_space<hbm>>
      %dma_wait3A_246 = tpu.memref_squeeze %dma_wait3A_245 : memref<1x50000x16xf32, #tpu.memory_space<hbm>> -> memref<50000x16xf32, #tpu.memory_space<hbm>>
      %dma_wait3A_247 = arith.constant 0 : i32
      %dma_wait3A_248 = arith.constant 0 : i32
      %dma_wait3A_249 = tpu.memref_slice %dma_wait3A_246[%dma_wait3A_247, %dma_wait3A_248] : memref<50000x16xf32, #tpu.memory_space<hbm>> -> memref<50000x16xf32, #tpu.memory_space<hbm>>
      tpu.wait_indirect_dma semaphore(%arg17 : memref<!tpu.dma_semaphore, #tpu.memory_space<semaphore_mem>>) src(%dma_wait3A_249 : memref<50000x16xf32, #tpu.memory_space<hbm>>) dst(%arg11 : memref<896x16xf32, #tpu.memory_space<vmem>>)
      %dma_start3A_250 = arith.constant 5376 : i32
      %dma_start3A_251 = tpu.memref_slice %arg8[%dma_start3A_250] : memref<7168xi32, #tpu.memory_space<vmem>> -> memref<896xi32, #tpu.memory_space<vmem>>
      %dma_start3A_252 = arith.constant 0 : i32
      %dma_start3A_253 = arith.constant 0 : i32
      %dma_start3A_254 = tpu.memref_slice %arg14[%dma_start3A_252, %dma_start3A_253] : memref<51200x16xf32, #tpu.memory_space<vmem_shared>> -> memref<51200x16xf32, #tpu.memory_space<vmem_shared>>
      tpu.enqueue_indirect_dma source(%arg11 : memref<896x16xf32, #tpu.memory_space<vmem>>) target(%dma_start3A_254 : memref<51200x16xf32, #tpu.memory_space<vmem_shared>>) offsets(%dma_start3A_251 : memref<896xi32, #tpu.memory_space<vmem>>) semaphore(%arg21 : memref<!tpu.dma_semaphore, #tpu.memory_space<semaphore_mem>>) {add = true}
      %dma_wait3A_255 = arith.constant 6272 : i32
      %dma_wait3A_256 = tpu.memref_slice %arg7[%dma_wait3A_255] : memref<7168xi32, #tpu.memory_space<vmem>> -> memref<896xi32, #tpu.memory_space<vmem>>
      %dma_wait3A_257 = arith.constant 0 : i32
      %dma_wait3A_258 = arith.constant 0 : i32
      %dma_wait3A_259 = tpu.memref_slice %arg2[%add3A_5, %dma_wait3A_257, %dma_wait3A_258] : memref<4x50000x16xf32, #tpu.memory_space<hbm>> -> memref<1x50000x16xf32, #tpu.memory_space<hbm>>
      %dma_wait3A_260 = tpu.memref_squeeze %dma_wait3A_259 : memref<1x50000x16xf32, #tpu.memory_space<hbm>> -> memref<50000x16xf32, #tpu.memory_space<hbm>>
      %dma_wait3A_261 = arith.constant 0 : i32
      %dma_wait3A_262 = arith.constant 0 : i32
      %dma_wait3A_263 = tpu.memref_slice %dma_wait3A_260[%dma_wait3A_261, %dma_wait3A_262] : memref<50000x16xf32, #tpu.memory_space<hbm>> -> memref<50000x16xf32, #tpu.memory_space<hbm>>
      tpu.wait_indirect_dma semaphore(%arg18 : memref<!tpu.dma_semaphore, #tpu.memory_space<semaphore_mem>>) src(%dma_wait3A_263 : memref<50000x16xf32, #tpu.memory_space<hbm>>) dst(%arg12 : memref<896x16xf32, #tpu.memory_space<vmem>>)
      %dma_start3A_264 = arith.constant 6272 : i32
      %dma_start3A_265 = tpu.memref_slice %arg8[%dma_start3A_264] : memref<7168xi32, #tpu.memory_space<vmem>> -> memref<896xi32, #tpu.memory_space<vmem>>
      %dma_start3A_266 = arith.constant 0 : i32
      %dma_start3A_267 = arith.constant 0 : i32
      %dma_start3A_268 = tpu.memref_slice %arg14[%dma_start3A_266, %dma_start3A_267] : memref<51200x16xf32, #tpu.memory_space<vmem_shared>> -> memref<51200x16xf32, #tpu.memory_space<vmem_shared>>
      tpu.enqueue_indirect_dma source(%arg12 : memref<896x16xf32, #tpu.memory_space<vmem>>) target(%dma_start3A_268 : memref<51200x16xf32, #tpu.memory_space<vmem_shared>>) offsets(%dma_start3A_265 : memref<896xi32, #tpu.memory_space<vmem>>) semaphore(%arg22 : memref<!tpu.dma_semaphore, #tpu.memory_space<semaphore_mem>>) {add = true}
      %dma_wait3A_269 = arith.constant 3584 : i32
      %dma_wait3A_270 = tpu.memref_slice %arg8[%dma_wait3A_269] : memref<7168xi32, #tpu.memory_space<vmem>> -> memref<896xi32, #tpu.memory_space<vmem>>
      %dma_wait3A_271 = arith.constant 0 : i32
      %dma_wait3A_272 = arith.constant 0 : i32
      %dma_wait3A_273 = tpu.memref_slice %arg14[%dma_wait3A_271, %dma_wait3A_272] : memref<51200x16xf32, #tpu.memory_space<vmem_shared>> -> memref<51200x16xf32, #tpu.memory_space<vmem_shared>>
      tpu.wait_indirect_dma semaphore(%arg19 : memref<!tpu.dma_semaphore, #tpu.memory_space<semaphore_mem>>) src(%arg9 : memref<896x16xf32, #tpu.memory_space<vmem>>) dst(%dma_wait3A_273 : memref<51200x16xf32, #tpu.memory_space<vmem_shared>>)
      %dma_wait3A_274 = arith.constant 4480 : i32
      %dma_wait3A_275 = tpu.memref_slice %arg8[%dma_wait3A_274] : memref<7168xi32, #tpu.memory_space<vmem>> -> memref<896xi32, #tpu.memory_space<vmem>>
      %dma_wait3A_276 = arith.constant 0 : i32
      %dma_wait3A_277 = arith.constant 0 : i32
      %dma_wait3A_278 = tpu.memref_slice %arg14[%dma_wait3A_276, %dma_wait3A_277] : memref<51200x16xf32, #tpu.memory_space<vmem_shared>> -> memref<51200x16xf32, #tpu.memory_space<vmem_shared>>
      tpu.wait_indirect_dma semaphore(%arg20 : memref<!tpu.dma_semaphore, #tpu.memory_space<semaphore_mem>>) src(%arg10 : memref<896x16xf32, #tpu.memory_space<vmem>>) dst(%dma_wait3A_278 : memref<51200x16xf32, #tpu.memory_space<vmem_shared>>)
      %dma_wait3A_279 = arith.constant 5376 : i32
      %dma_wait3A_280 = tpu.memref_slice %arg8[%dma_wait3A_279] : memref<7168xi32, #tpu.memory_space<vmem>> -> memref<896xi32, #tpu.memory_space<vmem>>
      %dma_wait3A_281 = arith.constant 0 : i32
      %dma_wait3A_282 = arith.constant 0 : i32
      %dma_wait3A_283 = tpu.memref_slice %arg14[%dma_wait3A_281, %dma_wait3A_282] : memref<51200x16xf32, #tpu.memory_space<vmem_shared>> -> memref<51200x16xf32, #tpu.memory_space<vmem_shared>>
      tpu.wait_indirect_dma semaphore(%arg21 : memref<!tpu.dma_semaphore, #tpu.memory_space<semaphore_mem>>) src(%arg11 : memref<896x16xf32, #tpu.memory_space<vmem>>) dst(%dma_wait3A_283 : memref<51200x16xf32, #tpu.memory_space<vmem_shared>>)
      %dma_wait3A_284 = arith.constant 6272 : i32
      %dma_wait3A_285 = tpu.memref_slice %arg8[%dma_wait3A_284] : memref<7168xi32, #tpu.memory_space<vmem>> -> memref<896xi32, #tpu.memory_space<vmem>>
      %dma_wait3A_286 = arith.constant 0 : i32
      %dma_wait3A_287 = arith.constant 0 : i32
      %dma_wait3A_288 = tpu.memref_slice %arg14[%dma_wait3A_286, %dma_wait3A_287] : memref<51200x16xf32, #tpu.memory_space<vmem_shared>> -> memref<51200x16xf32, #tpu.memory_space<vmem_shared>>
      tpu.wait_indirect_dma semaphore(%arg22 : memref<!tpu.dma_semaphore, #tpu.memory_space<semaphore_mem>>) src(%arg12 : memref<896x16xf32, #tpu.memory_space<vmem>>) dst(%dma_wait3A_288 : memref<51200x16xf32, #tpu.memory_space<vmem_shared>>)
    }
    %scan3A_17 = arith.constant 7 : i32
    %barrier3A_18 = arith.constant 0 : index
    tpu.barrier barrier_id(%barrier3A_18)
    "tpu.region"() ({
      %run_scoped3A = tpu.sem_alloc : memref<!tpu.dma_semaphore, #tpu.memory_space<semaphore_mem>>
      %dma_start3A = arith.constant 0 : i32
      %dma_start3A_54 = arith.constant 0 : i32
      %dma_start3A_55 = tpu.memref_slice %arg5[%add3A_5, %dma_start3A, %dma_start3A_54] : memref<4x51200x16xf32, #tpu.memory_space<hbm>> -> memref<1x51200x16xf32, #tpu.memory_space<hbm>>
      %dma_start3A_56 = tpu.memref_squeeze %dma_start3A_55 : memref<1x51200x16xf32, #tpu.memory_space<hbm>> -> memref<51200x16xf32, #tpu.memory_space<hbm>>
      %dma_start3A_57 = arith.constant 0 : i32
      %dma_start3A_58 = tpu.memref_slice %dma_start3A_56[%mul3A_0, %dma_start3A_57] : memref<51200x16xf32, #tpu.memory_space<hbm>> -> memref<3200x16xf32, #tpu.memory_space<hbm>>
      %dma_start3A_59 = arith.constant 0 : i32
      %dma_start3A_60 = tpu.memref_slice %arg14[%mul3A_0, %dma_start3A_59] : memref<51200x16xf32, #tpu.memory_space<vmem_shared>> -> memref<3200x16xf32, #tpu.memory_space<vmem_shared>>
      tpu.enqueue_dma source(%dma_start3A_60 : memref<3200x16xf32, #tpu.memory_space<vmem_shared>>) target(%dma_start3A_58 : memref<3200x16xf32, #tpu.memory_space<hbm>>) target_semaphore(%run_scoped3A : memref<!tpu.dma_semaphore, #tpu.memory_space<semaphore_mem>>)
      %dma_wait3A = arith.constant 0 : i32
      %dma_wait3A_61 = arith.constant 0 : i32
      %dma_wait3A_62 = tpu.memref_slice %arg5[%add3A_5, %dma_wait3A, %dma_wait3A_61] : memref<4x51200x16xf32, #tpu.memory_space<hbm>> -> memref<1x51200x16xf32, #tpu.memory_space<hbm>>
      %dma_wait3A_63 = tpu.memref_squeeze %dma_wait3A_62 : memref<1x51200x16xf32, #tpu.memory_space<hbm>> -> memref<51200x16xf32, #tpu.memory_space<hbm>>
      %dma_wait3A_64 = arith.constant 0 : i32
      %dma_wait3A_65 = tpu.memref_slice %dma_wait3A_63[%mul3A_0, %dma_wait3A_64] : memref<51200x16xf32, #tpu.memory_space<hbm>> -> memref<3200x16xf32, #tpu.memory_space<hbm>>
      %dma_wait3A_66 = arith.constant 0 : i32
      %dma_wait3A_67 = tpu.memref_slice %arg14[%mul3A_0, %dma_wait3A_66] : memref<51200x16xf32, #tpu.memory_space<vmem_shared>> -> memref<3200x16xf32, #tpu.memory_space<vmem_shared>>
      tpu.wait_dma2 semaphore(%run_scoped3A : memref<!tpu.dma_semaphore, #tpu.memory_space<semaphore_mem>>) src(%dma_wait3A_67 : memref<3200x16xf32, #tpu.memory_space<vmem_shared>>) dst(%dma_wait3A_65 : memref<3200x16xf32, #tpu.memory_space<hbm>>)
      tpu.yield
    }) : () -> ()
    %add3A_19 = arith.constant 2 : i32
    %add3A_20 = arith.addi %add3A_19, %arg0 : i32
    %mul3A_21 = arith.constant 3200 : i32
    %mul3A_22 = arith.muli %arg1, %mul3A_21 : i32
    %scan3A_23 = arith.constant 0 : i32
    %scan3A_24 = arith.constant 25 : i32
    %scan3A_25 = arith.addi %scan3A_23, %scan3A_24 : i32
    %scan3A_26 = arith.constant 1 : i32
    scf.for %scan3A_54 = %scan3A_23 to %scan3A_25 step %scan3A_26  : i32 {
      %mul3A_55 = arith.constant 1 : i32
      %mul3A_56 = arith.muli %scan3A_54, %mul3A_55 : i32
      %add3A_57 = arith.constant 0 : i32
      %add3A_58 = arith.addi %add3A_57, %mul3A_56 : i32
      %mul3A_59 = arith.constant 128 : i32
      %mul3A_60 = arith.muli %add3A_58, %mul3A_59 : i32
      %add3A_61 = arith.addi %mul3A_22, %mul3A_60 : i32
      "tpu.region"() ({
        %run_scoped3A = tpu.sem_alloc : memref<!tpu.dma_semaphore, #tpu.memory_space<semaphore_mem>>
        %dma_start3A = arith.constant 0 : i32
        %dma_start3A_62 = tpu.memref_slice %arg14[%add3A_61, %dma_start3A] : memref<51200x16xf32, #tpu.memory_space<vmem_shared>> -> memref<128x16xf32, #tpu.memory_space<vmem_shared>>
        %dma_start3A_63 = arith.constant 0 : i32
        %dma_start3A_64 = tpu.memref_slice %arg14[%add3A_61, %dma_start3A_63] : memref<51200x16xf32, #tpu.memory_space<vmem_shared>> -> memref<128x16xf32, #tpu.memory_space<vmem_shared>>
        tpu.enqueue_dma source(%arg13 : memref<128x16xf32, #tpu.memory_space<vmem>>) target(%dma_start3A_64 : memref<128x16xf32, #tpu.memory_space<vmem_shared>>) target_semaphore(%run_scoped3A : memref<!tpu.dma_semaphore, #tpu.memory_space<semaphore_mem>>)
        %dma_wait3A = arith.constant 0 : i32
        %dma_wait3A_65 = tpu.memref_slice %arg14[%add3A_61, %dma_wait3A] : memref<51200x16xf32, #tpu.memory_space<vmem_shared>> -> memref<128x16xf32, #tpu.memory_space<vmem_shared>>
        %dma_wait3A_66 = arith.constant 0 : i32
        %dma_wait3A_67 = tpu.memref_slice %arg14[%add3A_61, %dma_wait3A_66] : memref<51200x16xf32, #tpu.memory_space<vmem_shared>> -> memref<128x16xf32, #tpu.memory_space<vmem_shared>>
        tpu.wait_dma2 semaphore(%run_scoped3A : memref<!tpu.dma_semaphore, #tpu.memory_space<semaphore_mem>>) src(%arg13 : memref<128x16xf32, #tpu.memory_space<vmem>>) dst(%dma_wait3A_67 : memref<128x16xf32, #tpu.memory_space<vmem_shared>>)
        tpu.yield
      }) : () -> ()
    }
    %scan3A_27 = arith.constant 25 : i32
    %barrier3A_28 = arith.constant 0 : index
    tpu.barrier barrier_id(%barrier3A_28)
    %scan3A_29 = arith.constant 0 : i32
    %scan3A_30 = arith.constant 7 : i32
    %scan3A_31 = arith.addi %scan3A_29, %scan3A_30 : i32
    %scan3A_32 = arith.constant 1 : i32
    scf.for %scan3A_54 = %scan3A_29 to %scan3A_31 step %scan3A_32  : i32 {
      %mul3A_55 = arith.constant 1 : i32
      %mul3A_56 = arith.muli %scan3A_54, %mul3A_55 : i32
      %add3A_57 = arith.constant 0 : i32
      %add3A_58 = arith.addi %add3A_57, %mul3A_56 : i32
      %mul3A_59 = arith.constant 56 : i32
      %mul3A_60 = arith.muli %add3A_58, %mul3A_59 : i32
      %mul3A_61 = arith.constant 128 : i32
      %mul3A_62 = arith.muli %mul3A_60, %mul3A_61 : i32
      "tpu.region"() ({
        %run_scoped3A = tpu.sem_alloc : memref<!tpu.dma_semaphore, #tpu.memory_space<semaphore_mem>>
        %dma_start3A_289 = arith.constant 0 : i32
        %dma_start3A_290 = tpu.memref_slice %arg3[%arg1, %dma_start3A_289] : memref<16x50176xi32, #tpu.memory_space<hbm>> -> memref<1x50176xi32, #tpu.memory_space<hbm>>
        %dma_start3A_291 = tpu.memref_squeeze %dma_start3A_290 : memref<1x50176xi32, #tpu.memory_space<hbm>> -> memref<50176xi32, #tpu.memory_space<hbm>>
        %dma_start3A_292 = tpu.memref_slice %dma_start3A_291[%mul3A_62] : memref<50176xi32, #tpu.memory_space<hbm>> -> memref<7168xi32, #tpu.memory_space<hbm>>
        %dma_start3A_293 = arith.constant 0 : i32
        %dma_start3A_294 = tpu.memref_slice %arg3[%arg1, %dma_start3A_293] : memref<16x50176xi32, #tpu.memory_space<hbm>> -> memref<1x50176xi32, #tpu.memory_space<hbm>>
        %dma_start3A_295 = tpu.memref_squeeze %dma_start3A_294 : memref<1x50176xi32, #tpu.memory_space<hbm>> -> memref<50176xi32, #tpu.memory_space<hbm>>
        %dma_start3A_296 = tpu.memref_slice %dma_start3A_295[%mul3A_62] : memref<50176xi32, #tpu.memory_space<hbm>> -> memref<7168xi32, #tpu.memory_space<hbm>>
        tpu.enqueue_dma source(%dma_start3A_296 : memref<7168xi32, #tpu.memory_space<hbm>>) target(%arg7 : memref<7168xi32, #tpu.memory_space<vmem>>) target_semaphore(%run_scoped3A : memref<!tpu.dma_semaphore, #tpu.memory_space<semaphore_mem>>)
        %dma_wait3A_297 = arith.constant 0 : i32
        %dma_wait3A_298 = tpu.memref_slice %arg3[%arg1, %dma_wait3A_297] : memref<16x50176xi32, #tpu.memory_space<hbm>> -> memref<1x50176xi32, #tpu.memory_space<hbm>>
        %dma_wait3A_299 = tpu.memref_squeeze %dma_wait3A_298 : memref<1x50176xi32, #tpu.memory_space<hbm>> -> memref<50176xi32, #tpu.memory_space<hbm>>
        %dma_wait3A_300 = tpu.memref_slice %dma_wait3A_299[%mul3A_62] : memref<50176xi32, #tpu.memory_space<hbm>> -> memref<7168xi32, #tpu.memory_space<hbm>>
        %dma_wait3A_301 = arith.constant 0 : i32
        %dma_wait3A_302 = tpu.memref_slice %arg3[%arg1, %dma_wait3A_301] : memref<16x50176xi32, #tpu.memory_space<hbm>> -> memref<1x50176xi32, #tpu.memory_space<hbm>>
        %dma_wait3A_303 = tpu.memref_squeeze %dma_wait3A_302 : memref<1x50176xi32, #tpu.memory_space<hbm>> -> memref<50176xi32, #tpu.memory_space<hbm>>
        %dma_wait3A_304 = tpu.memref_slice %dma_wait3A_303[%mul3A_62] : memref<50176xi32, #tpu.memory_space<hbm>> -> memref<7168xi32, #tpu.memory_space<hbm>>
        tpu.wait_dma2 semaphore(%run_scoped3A : memref<!tpu.dma_semaphore, #tpu.memory_space<semaphore_mem>>) src(%dma_wait3A_304 : memref<7168xi32, #tpu.memory_space<hbm>>) dst(%arg7 : memref<7168xi32, #tpu.memory_space<vmem>>)
        tpu.yield
      }) : () -> ()
      %mul3A_63 = arith.constant 56 : i32
      %mul3A_64 = arith.muli %add3A_58, %mul3A_63 : i32
      %mul3A_65 = arith.constant 128 : i32
      %mul3A_66 = arith.muli %mul3A_64, %mul3A_65 : i32
      "tpu.region"() ({
        %run_scoped3A = tpu.sem_alloc : memref<!tpu.dma_semaphore, #tpu.memory_space<semaphore_mem>>
        %dma_start3A_289 = arith.constant 0 : i32
        %dma_start3A_290 = tpu.memref_slice %arg4[%arg1, %dma_start3A_289] : memref<16x50176xi32, #tpu.memory_space<hbm>> -> memref<1x50176xi32, #tpu.memory_space<hbm>>
        %dma_start3A_291 = tpu.memref_squeeze %dma_start3A_290 : memref<1x50176xi32, #tpu.memory_space<hbm>> -> memref<50176xi32, #tpu.memory_space<hbm>>
        %dma_start3A_292 = tpu.memref_slice %dma_start3A_291[%mul3A_66] : memref<50176xi32, #tpu.memory_space<hbm>> -> memref<7168xi32, #tpu.memory_space<hbm>>
        %dma_start3A_293 = arith.constant 0 : i32
        %dma_start3A_294 = tpu.memref_slice %arg4[%arg1, %dma_start3A_293] : memref<16x50176xi32, #tpu.memory_space<hbm>> -> memref<1x50176xi32, #tpu.memory_space<hbm>>
        %dma_start3A_295 = tpu.memref_squeeze %dma_start3A_294 : memref<1x50176xi32, #tpu.memory_space<hbm>> -> memref<50176xi32, #tpu.memory_space<hbm>>
        %dma_start3A_296 = tpu.memref_slice %dma_start3A_295[%mul3A_66] : memref<50176xi32, #tpu.memory_space<hbm>> -> memref<7168xi32, #tpu.memory_space<hbm>>
        tpu.enqueue_dma source(%dma_start3A_296 : memref<7168xi32, #tpu.memory_space<hbm>>) target(%arg8 : memref<7168xi32, #tpu.memory_space<vmem>>) target_semaphore(%run_scoped3A : memref<!tpu.dma_semaphore, #tpu.memory_space<semaphore_mem>>)
        %dma_wait3A_297 = arith.constant 0 : i32
        %dma_wait3A_298 = tpu.memref_slice %arg4[%arg1, %dma_wait3A_297] : memref<16x50176xi32, #tpu.memory_space<hbm>> -> memref<1x50176xi32, #tpu.memory_space<hbm>>
        %dma_wait3A_299 = tpu.memref_squeeze %dma_wait3A_298 : memref<1x50176xi32, #tpu.memory_space<hbm>> -> memref<50176xi32, #tpu.memory_space<hbm>>
        %dma_wait3A_300 = tpu.memref_slice %dma_wait3A_299[%mul3A_66] : memref<50176xi32, #tpu.memory_space<hbm>> -> memref<7168xi32, #tpu.memory_space<hbm>>
        %dma_wait3A_301 = arith.constant 0 : i32
        %dma_wait3A_302 = tpu.memref_slice %arg4[%arg1, %dma_wait3A_301] : memref<16x50176xi32, #tpu.memory_space<hbm>> -> memref<1x50176xi32, #tpu.memory_space<hbm>>
        %dma_wait3A_303 = tpu.memref_squeeze %dma_wait3A_302 : memref<1x50176xi32, #tpu.memory_space<hbm>> -> memref<50176xi32, #tpu.memory_space<hbm>>
        %dma_wait3A_304 = tpu.memref_slice %dma_wait3A_303[%mul3A_66] : memref<50176xi32, #tpu.memory_space<hbm>> -> memref<7168xi32, #tpu.memory_space<hbm>>
        tpu.wait_dma2 semaphore(%run_scoped3A : memref<!tpu.dma_semaphore, #tpu.memory_space<semaphore_mem>>) src(%dma_wait3A_304 : memref<7168xi32, #tpu.memory_space<hbm>>) dst(%arg8 : memref<7168xi32, #tpu.memory_space<vmem>>)
        tpu.yield
      }) : () -> ()
      %dma_start3A = arith.constant 0 : i32
      %dma_start3A_67 = tpu.memref_slice %arg7[%dma_start3A] : memref<7168xi32, #tpu.memory_space<vmem>> -> memref<896xi32, #tpu.memory_space<vmem>>
      %dma_start3A_68 = arith.constant 0 : i32
      %dma_start3A_69 = arith.constant 0 : i32
      %dma_start3A_70 = tpu.memref_slice %arg2[%add3A_20, %dma_start3A_68, %dma_start3A_69] : memref<4x50000x16xf32, #tpu.memory_space<hbm>> -> memref<1x50000x16xf32, #tpu.memory_space<hbm>>
      %dma_start3A_71 = tpu.memref_squeeze %dma_start3A_70 : memref<1x50000x16xf32, #tpu.memory_space<hbm>> -> memref<50000x16xf32, #tpu.memory_space<hbm>>
      %dma_start3A_72 = arith.constant 0 : i32
      %dma_start3A_73 = arith.constant 0 : i32
      %dma_start3A_74 = tpu.memref_slice %dma_start3A_71[%dma_start3A_72, %dma_start3A_73] : memref<50000x16xf32, #tpu.memory_space<hbm>> -> memref<50000x16xf32, #tpu.memory_space<hbm>>
      tpu.enqueue_indirect_dma source(%dma_start3A_74 : memref<50000x16xf32, #tpu.memory_space<hbm>>) target(%arg9 : memref<896x16xf32, #tpu.memory_space<vmem>>) offsets(%dma_start3A_67 : memref<896xi32, #tpu.memory_space<vmem>>) semaphore(%arg15 : memref<!tpu.dma_semaphore, #tpu.memory_space<semaphore_mem>>)
      %dma_start3A_75 = arith.constant 896 : i32
      %dma_start3A_76 = tpu.memref_slice %arg7[%dma_start3A_75] : memref<7168xi32, #tpu.memory_space<vmem>> -> memref<896xi32, #tpu.memory_space<vmem>>
      %dma_start3A_77 = arith.constant 0 : i32
      %dma_start3A_78 = arith.constant 0 : i32
      %dma_start3A_79 = tpu.memref_slice %arg2[%add3A_20, %dma_start3A_77, %dma_start3A_78] : memref<4x50000x16xf32, #tpu.memory_space<hbm>> -> memref<1x50000x16xf32, #tpu.memory_space<hbm>>
      %dma_start3A_80 = tpu.memref_squeeze %dma_start3A_79 : memref<1x50000x16xf32, #tpu.memory_space<hbm>> -> memref<50000x16xf32, #tpu.memory_space<hbm>>
      %dma_start3A_81 = arith.constant 0 : i32
      %dma_start3A_82 = arith.constant 0 : i32
      %dma_start3A_83 = tpu.memref_slice %dma_start3A_80[%dma_start3A_81, %dma_start3A_82] : memref<50000x16xf32, #tpu.memory_space<hbm>> -> memref<50000x16xf32, #tpu.memory_space<hbm>>
      tpu.enqueue_indirect_dma source(%dma_start3A_83 : memref<50000x16xf32, #tpu.memory_space<hbm>>) target(%arg10 : memref<896x16xf32, #tpu.memory_space<vmem>>) offsets(%dma_start3A_76 : memref<896xi32, #tpu.memory_space<vmem>>) semaphore(%arg16 : memref<!tpu.dma_semaphore, #tpu.memory_space<semaphore_mem>>)
      %dma_start3A_84 = arith.constant 1792 : i32
      %dma_start3A_85 = tpu.memref_slice %arg7[%dma_start3A_84] : memref<7168xi32, #tpu.memory_space<vmem>> -> memref<896xi32, #tpu.memory_space<vmem>>
      %dma_start3A_86 = arith.constant 0 : i32
      %dma_start3A_87 = arith.constant 0 : i32
      %dma_start3A_88 = tpu.memref_slice %arg2[%add3A_20, %dma_start3A_86, %dma_start3A_87] : memref<4x50000x16xf32, #tpu.memory_space<hbm>> -> memref<1x50000x16xf32, #tpu.memory_space<hbm>>
      %dma_start3A_89 = tpu.memref_squeeze %dma_start3A_88 : memref<1x50000x16xf32, #tpu.memory_space<hbm>> -> memref<50000x16xf32, #tpu.memory_space<hbm>>
      %dma_start3A_90 = arith.constant 0 : i32
      %dma_start3A_91 = arith.constant 0 : i32
      %dma_start3A_92 = tpu.memref_slice %dma_start3A_89[%dma_start3A_90, %dma_start3A_91] : memref<50000x16xf32, #tpu.memory_space<hbm>> -> memref<50000x16xf32, #tpu.memory_space<hbm>>
      tpu.enqueue_indirect_dma source(%dma_start3A_92 : memref<50000x16xf32, #tpu.memory_space<hbm>>) target(%arg11 : memref<896x16xf32, #tpu.memory_space<vmem>>) offsets(%dma_start3A_85 : memref<896xi32, #tpu.memory_space<vmem>>) semaphore(%arg17 : memref<!tpu.dma_semaphore, #tpu.memory_space<semaphore_mem>>)
      %dma_start3A_93 = arith.constant 2688 : i32
      %dma_start3A_94 = tpu.memref_slice %arg7[%dma_start3A_93] : memref<7168xi32, #tpu.memory_space<vmem>> -> memref<896xi32, #tpu.memory_space<vmem>>
      %dma_start3A_95 = arith.constant 0 : i32
      %dma_start3A_96 = arith.constant 0 : i32
      %dma_start3A_97 = tpu.memref_slice %arg2[%add3A_20, %dma_start3A_95, %dma_start3A_96] : memref<4x50000x16xf32, #tpu.memory_space<hbm>> -> memref<1x50000x16xf32, #tpu.memory_space<hbm>>
      %dma_start3A_98 = tpu.memref_squeeze %dma_start3A_97 : memref<1x50000x16xf32, #tpu.memory_space<hbm>> -> memref<50000x16xf32, #tpu.memory_space<hbm>>
      %dma_start3A_99 = arith.constant 0 : i32
      %dma_start3A_100 = arith.constant 0 : i32
      %dma_start3A_101 = tpu.memref_slice %dma_start3A_98[%dma_start3A_99, %dma_start3A_100] : memref<50000x16xf32, #tpu.memory_space<hbm>> -> memref<50000x16xf32, #tpu.memory_space<hbm>>
      tpu.enqueue_indirect_dma source(%dma_start3A_101 : memref<50000x16xf32, #tpu.memory_space<hbm>>) target(%arg12 : memref<896x16xf32, #tpu.memory_space<vmem>>) offsets(%dma_start3A_94 : memref<896xi32, #tpu.memory_space<vmem>>) semaphore(%arg18 : memref<!tpu.dma_semaphore, #tpu.memory_space<semaphore_mem>>)
      %dma_wait3A = arith.constant 0 : i32
      %dma_wait3A_102 = tpu.memref_slice %arg7[%dma_wait3A] : memref<7168xi32, #tpu.memory_space<vmem>> -> memref<896xi32, #tpu.memory_space<vmem>>
      %dma_wait3A_103 = arith.constant 0 : i32
      %dma_wait3A_104 = arith.constant 0 : i32
      %dma_wait3A_105 = tpu.memref_slice %arg2[%add3A_20, %dma_wait3A_103, %dma_wait3A_104] : memref<4x50000x16xf32, #tpu.memory_space<hbm>> -> memref<1x50000x16xf32, #tpu.memory_space<hbm>>
      %dma_wait3A_106 = tpu.memref_squeeze %dma_wait3A_105 : memref<1x50000x16xf32, #tpu.memory_space<hbm>> -> memref<50000x16xf32, #tpu.memory_space<hbm>>
      %dma_wait3A_107 = arith.constant 0 : i32
      %dma_wait3A_108 = arith.constant 0 : i32
      %dma_wait3A_109 = tpu.memref_slice %dma_wait3A_106[%dma_wait3A_107, %dma_wait3A_108] : memref<50000x16xf32, #tpu.memory_space<hbm>> -> memref<50000x16xf32, #tpu.memory_space<hbm>>
      tpu.wait_indirect_dma semaphore(%arg15 : memref<!tpu.dma_semaphore, #tpu.memory_space<semaphore_mem>>) src(%dma_wait3A_109 : memref<50000x16xf32, #tpu.memory_space<hbm>>) dst(%arg9 : memref<896x16xf32, #tpu.memory_space<vmem>>)
      %dma_start3A_110 = arith.constant 0 : i32
      %dma_start3A_111 = tpu.memref_slice %arg8[%dma_start3A_110] : memref<7168xi32, #tpu.memory_space<vmem>> -> memref<896xi32, #tpu.memory_space<vmem>>
      %dma_start3A_112 = arith.constant 0 : i32
      %dma_start3A_113 = arith.constant 0 : i32
      %dma_start3A_114 = tpu.memref_slice %arg14[%dma_start3A_112, %dma_start3A_113] : memref<51200x16xf32, #tpu.memory_space<vmem_shared>> -> memref<51200x16xf32, #tpu.memory_space<vmem_shared>>
      tpu.enqueue_indirect_dma source(%arg9 : memref<896x16xf32, #tpu.memory_space<vmem>>) target(%dma_start3A_114 : memref<51200x16xf32, #tpu.memory_space<vmem_shared>>) offsets(%dma_start3A_111 : memref<896xi32, #tpu.memory_space<vmem>>) semaphore(%arg19 : memref<!tpu.dma_semaphore, #tpu.memory_space<semaphore_mem>>) {add = true}
      %dma_wait3A_115 = arith.constant 896 : i32
      %dma_wait3A_116 = tpu.memref_slice %arg7[%dma_wait3A_115] : memref<7168xi32, #tpu.memory_space<vmem>> -> memref<896xi32, #tpu.memory_space<vmem>>
      %dma_wait3A_117 = arith.constant 0 : i32
      %dma_wait3A_118 = arith.constant 0 : i32
      %dma_wait3A_119 = tpu.memref_slice %arg2[%add3A_20, %dma_wait3A_117, %dma_wait3A_118] : memref<4x50000x16xf32, #tpu.memory_space<hbm>> -> memref<1x50000x16xf32, #tpu.memory_space<hbm>>
      %dma_wait3A_120 = tpu.memref_squeeze %dma_wait3A_119 : memref<1x50000x16xf32, #tpu.memory_space<hbm>> -> memref<50000x16xf32, #tpu.memory_space<hbm>>
      %dma_wait3A_121 = arith.constant 0 : i32
      %dma_wait3A_122 = arith.constant 0 : i32
      %dma_wait3A_123 = tpu.memref_slice %dma_wait3A_120[%dma_wait3A_121, %dma_wait3A_122] : memref<50000x16xf32, #tpu.memory_space<hbm>> -> memref<50000x16xf32, #tpu.memory_space<hbm>>
      tpu.wait_indirect_dma semaphore(%arg16 : memref<!tpu.dma_semaphore, #tpu.memory_space<semaphore_mem>>) src(%dma_wait3A_123 : memref<50000x16xf32, #tpu.memory_space<hbm>>) dst(%arg10 : memref<896x16xf32, #tpu.memory_space<vmem>>)
      %dma_start3A_124 = arith.constant 896 : i32
      %dma_start3A_125 = tpu.memref_slice %arg8[%dma_start3A_124] : memref<7168xi32, #tpu.memory_space<vmem>> -> memref<896xi32, #tpu.memory_space<vmem>>
      %dma_start3A_126 = arith.constant 0 : i32
      %dma_start3A_127 = arith.constant 0 : i32
      %dma_start3A_128 = tpu.memref_slice %arg14[%dma_start3A_126, %dma_start3A_127] : memref<51200x16xf32, #tpu.memory_space<vmem_shared>> -> memref<51200x16xf32, #tpu.memory_space<vmem_shared>>
      tpu.enqueue_indirect_dma source(%arg10 : memref<896x16xf32, #tpu.memory_space<vmem>>) target(%dma_start3A_128 : memref<51200x16xf32, #tpu.memory_space<vmem_shared>>) offsets(%dma_start3A_125 : memref<896xi32, #tpu.memory_space<vmem>>) semaphore(%arg20 : memref<!tpu.dma_semaphore, #tpu.memory_space<semaphore_mem>>) {add = true}
      %dma_wait3A_129 = arith.constant 1792 : i32
      %dma_wait3A_130 = tpu.memref_slice %arg7[%dma_wait3A_129] : memref<7168xi32, #tpu.memory_space<vmem>> -> memref<896xi32, #tpu.memory_space<vmem>>
      %dma_wait3A_131 = arith.constant 0 : i32
      %dma_wait3A_132 = arith.constant 0 : i32
      %dma_wait3A_133 = tpu.memref_slice %arg2[%add3A_20, %dma_wait3A_131, %dma_wait3A_132] : memref<4x50000x16xf32, #tpu.memory_space<hbm>> -> memref<1x50000x16xf32, #tpu.memory_space<hbm>>
      %dma_wait3A_134 = tpu.memref_squeeze %dma_wait3A_133 : memref<1x50000x16xf32, #tpu.memory_space<hbm>> -> memref<50000x16xf32, #tpu.memory_space<hbm>>
      %dma_wait3A_135 = arith.constant 0 : i32
      %dma_wait3A_136 = arith.constant 0 : i32
      %dma_wait3A_137 = tpu.memref_slice %dma_wait3A_134[%dma_wait3A_135, %dma_wait3A_136] : memref<50000x16xf32, #tpu.memory_space<hbm>> -> memref<50000x16xf32, #tpu.memory_space<hbm>>
      tpu.wait_indirect_dma semaphore(%arg17 : memref<!tpu.dma_semaphore, #tpu.memory_space<semaphore_mem>>) src(%dma_wait3A_137 : memref<50000x16xf32, #tpu.memory_space<hbm>>) dst(%arg11 : memref<896x16xf32, #tpu.memory_space<vmem>>)
      %dma_start3A_138 = arith.constant 1792 : i32
      %dma_start3A_139 = tpu.memref_slice %arg8[%dma_start3A_138] : memref<7168xi32, #tpu.memory_space<vmem>> -> memref<896xi32, #tpu.memory_space<vmem>>
      %dma_start3A_140 = arith.constant 0 : i32
      %dma_start3A_141 = arith.constant 0 : i32
      %dma_start3A_142 = tpu.memref_slice %arg14[%dma_start3A_140, %dma_start3A_141] : memref<51200x16xf32, #tpu.memory_space<vmem_shared>> -> memref<51200x16xf32, #tpu.memory_space<vmem_shared>>
      tpu.enqueue_indirect_dma source(%arg11 : memref<896x16xf32, #tpu.memory_space<vmem>>) target(%dma_start3A_142 : memref<51200x16xf32, #tpu.memory_space<vmem_shared>>) offsets(%dma_start3A_139 : memref<896xi32, #tpu.memory_space<vmem>>) semaphore(%arg21 : memref<!tpu.dma_semaphore, #tpu.memory_space<semaphore_mem>>) {add = true}
      %dma_wait3A_143 = arith.constant 2688 : i32
      %dma_wait3A_144 = tpu.memref_slice %arg7[%dma_wait3A_143] : memref<7168xi32, #tpu.memory_space<vmem>> -> memref<896xi32, #tpu.memory_space<vmem>>
      %dma_wait3A_145 = arith.constant 0 : i32
      %dma_wait3A_146 = arith.constant 0 : i32
      %dma_wait3A_147 = tpu.memref_slice %arg2[%add3A_20, %dma_wait3A_145, %dma_wait3A_146] : memref<4x50000x16xf32, #tpu.memory_space<hbm>> -> memref<1x50000x16xf32, #tpu.memory_space<hbm>>
      %dma_wait3A_148 = tpu.memref_squeeze %dma_wait3A_147 : memref<1x50000x16xf32, #tpu.memory_space<hbm>> -> memref<50000x16xf32, #tpu.memory_space<hbm>>
      %dma_wait3A_149 = arith.constant 0 : i32
      %dma_wait3A_150 = arith.constant 0 : i32
      %dma_wait3A_151 = tpu.memref_slice %dma_wait3A_148[%dma_wait3A_149, %dma_wait3A_150] : memref<50000x16xf32, #tpu.memory_space<hbm>> -> memref<50000x16xf32, #tpu.memory_space<hbm>>
      tpu.wait_indirect_dma semaphore(%arg18 : memref<!tpu.dma_semaphore, #tpu.memory_space<semaphore_mem>>) src(%dma_wait3A_151 : memref<50000x16xf32, #tpu.memory_space<hbm>>) dst(%arg12 : memref<896x16xf32, #tpu.memory_space<vmem>>)
      %dma_start3A_152 = arith.constant 2688 : i32
      %dma_start3A_153 = tpu.memref_slice %arg8[%dma_start3A_152] : memref<7168xi32, #tpu.memory_space<vmem>> -> memref<896xi32, #tpu.memory_space<vmem>>
      %dma_start3A_154 = arith.constant 0 : i32
      %dma_start3A_155 = arith.constant 0 : i32
      %dma_start3A_156 = tpu.memref_slice %arg14[%dma_start3A_154, %dma_start3A_155] : memref<51200x16xf32, #tpu.memory_space<vmem_shared>> -> memref<51200x16xf32, #tpu.memory_space<vmem_shared>>
      tpu.enqueue_indirect_dma source(%arg12 : memref<896x16xf32, #tpu.memory_space<vmem>>) target(%dma_start3A_156 : memref<51200x16xf32, #tpu.memory_space<vmem_shared>>) offsets(%dma_start3A_153 : memref<896xi32, #tpu.memory_space<vmem>>) semaphore(%arg22 : memref<!tpu.dma_semaphore, #tpu.memory_space<semaphore_mem>>) {add = true}
      %dma_wait3A_157 = arith.constant 0 : i32
      %dma_wait3A_158 = tpu.memref_slice %arg8[%dma_wait3A_157] : memref<7168xi32, #tpu.memory_space<vmem>> -> memref<896xi32, #tpu.memory_space<vmem>>
      %dma_wait3A_159 = arith.constant 0 : i32
      %dma_wait3A_160 = arith.constant 0 : i32
      %dma_wait3A_161 = tpu.memref_slice %arg14[%dma_wait3A_159, %dma_wait3A_160] : memref<51200x16xf32, #tpu.memory_space<vmem_shared>> -> memref<51200x16xf32, #tpu.memory_space<vmem_shared>>
      tpu.wait_indirect_dma semaphore(%arg19 : memref<!tpu.dma_semaphore, #tpu.memory_space<semaphore_mem>>) src(%arg9 : memref<896x16xf32, #tpu.memory_space<vmem>>) dst(%dma_wait3A_161 : memref<51200x16xf32, #tpu.memory_space<vmem_shared>>)
      %dma_start3A_162 = arith.constant 3584 : i32
      %dma_start3A_163 = tpu.memref_slice %arg7[%dma_start3A_162] : memref<7168xi32, #tpu.memory_space<vmem>> -> memref<896xi32, #tpu.memory_space<vmem>>
      %dma_start3A_164 = arith.constant 0 : i32
      %dma_start3A_165 = arith.constant 0 : i32
      %dma_start3A_166 = tpu.memref_slice %arg2[%add3A_20, %dma_start3A_164, %dma_start3A_165] : memref<4x50000x16xf32, #tpu.memory_space<hbm>> -> memref<1x50000x16xf32, #tpu.memory_space<hbm>>
      %dma_start3A_167 = tpu.memref_squeeze %dma_start3A_166 : memref<1x50000x16xf32, #tpu.memory_space<hbm>> -> memref<50000x16xf32, #tpu.memory_space<hbm>>
      %dma_start3A_168 = arith.constant 0 : i32
      %dma_start3A_169 = arith.constant 0 : i32
      %dma_start3A_170 = tpu.memref_slice %dma_start3A_167[%dma_start3A_168, %dma_start3A_169] : memref<50000x16xf32, #tpu.memory_space<hbm>> -> memref<50000x16xf32, #tpu.memory_space<hbm>>
      tpu.enqueue_indirect_dma source(%dma_start3A_170 : memref<50000x16xf32, #tpu.memory_space<hbm>>) target(%arg9 : memref<896x16xf32, #tpu.memory_space<vmem>>) offsets(%dma_start3A_163 : memref<896xi32, #tpu.memory_space<vmem>>) semaphore(%arg15 : memref<!tpu.dma_semaphore, #tpu.memory_space<semaphore_mem>>)
      %dma_wait3A_171 = arith.constant 896 : i32
      %dma_wait3A_172 = tpu.memref_slice %arg8[%dma_wait3A_171] : memref<7168xi32, #tpu.memory_space<vmem>> -> memref<896xi32, #tpu.memory_space<vmem>>
      %dma_wait3A_173 = arith.constant 0 : i32
      %dma_wait3A_174 = arith.constant 0 : i32
      %dma_wait3A_175 = tpu.memref_slice %arg14[%dma_wait3A_173, %dma_wait3A_174] : memref<51200x16xf32, #tpu.memory_space<vmem_shared>> -> memref<51200x16xf32, #tpu.memory_space<vmem_shared>>
      tpu.wait_indirect_dma semaphore(%arg20 : memref<!tpu.dma_semaphore, #tpu.memory_space<semaphore_mem>>) src(%arg10 : memref<896x16xf32, #tpu.memory_space<vmem>>) dst(%dma_wait3A_175 : memref<51200x16xf32, #tpu.memory_space<vmem_shared>>)
      %dma_start3A_176 = arith.constant 4480 : i32
      %dma_start3A_177 = tpu.memref_slice %arg7[%dma_start3A_176] : memref<7168xi32, #tpu.memory_space<vmem>> -> memref<896xi32, #tpu.memory_space<vmem>>
      %dma_start3A_178 = arith.constant 0 : i32
      %dma_start3A_179 = arith.constant 0 : i32
      %dma_start3A_180 = tpu.memref_slice %arg2[%add3A_20, %dma_start3A_178, %dma_start3A_179] : memref<4x50000x16xf32, #tpu.memory_space<hbm>> -> memref<1x50000x16xf32, #tpu.memory_space<hbm>>
      %dma_start3A_181 = tpu.memref_squeeze %dma_start3A_180 : memref<1x50000x16xf32, #tpu.memory_space<hbm>> -> memref<50000x16xf32, #tpu.memory_space<hbm>>
      %dma_start3A_182 = arith.constant 0 : i32
      %dma_start3A_183 = arith.constant 0 : i32
      %dma_start3A_184 = tpu.memref_slice %dma_start3A_181[%dma_start3A_182, %dma_start3A_183] : memref<50000x16xf32, #tpu.memory_space<hbm>> -> memref<50000x16xf32, #tpu.memory_space<hbm>>
      tpu.enqueue_indirect_dma source(%dma_start3A_184 : memref<50000x16xf32, #tpu.memory_space<hbm>>) target(%arg10 : memref<896x16xf32, #tpu.memory_space<vmem>>) offsets(%dma_start3A_177 : memref<896xi32, #tpu.memory_space<vmem>>) semaphore(%arg16 : memref<!tpu.dma_semaphore, #tpu.memory_space<semaphore_mem>>)
      %dma_wait3A_185 = arith.constant 1792 : i32
      %dma_wait3A_186 = tpu.memref_slice %arg8[%dma_wait3A_185] : memref<7168xi32, #tpu.memory_space<vmem>> -> memref<896xi32, #tpu.memory_space<vmem>>
      %dma_wait3A_187 = arith.constant 0 : i32
      %dma_wait3A_188 = arith.constant 0 : i32
      %dma_wait3A_189 = tpu.memref_slice %arg14[%dma_wait3A_187, %dma_wait3A_188] : memref<51200x16xf32, #tpu.memory_space<vmem_shared>> -> memref<51200x16xf32, #tpu.memory_space<vmem_shared>>
      tpu.wait_indirect_dma semaphore(%arg21 : memref<!tpu.dma_semaphore, #tpu.memory_space<semaphore_mem>>) src(%arg11 : memref<896x16xf32, #tpu.memory_space<vmem>>) dst(%dma_wait3A_189 : memref<51200x16xf32, #tpu.memory_space<vmem_shared>>)
      %dma_start3A_190 = arith.constant 5376 : i32
      %dma_start3A_191 = tpu.memref_slice %arg7[%dma_start3A_190] : memref<7168xi32, #tpu.memory_space<vmem>> -> memref<896xi32, #tpu.memory_space<vmem>>
      %dma_start3A_192 = arith.constant 0 : i32
      %dma_start3A_193 = arith.constant 0 : i32
      %dma_start3A_194 = tpu.memref_slice %arg2[%add3A_20, %dma_start3A_192, %dma_start3A_193] : memref<4x50000x16xf32, #tpu.memory_space<hbm>> -> memref<1x50000x16xf32, #tpu.memory_space<hbm>>
      %dma_start3A_195 = tpu.memref_squeeze %dma_start3A_194 : memref<1x50000x16xf32, #tpu.memory_space<hbm>> -> memref<50000x16xf32, #tpu.memory_space<hbm>>
      %dma_start3A_196 = arith.constant 0 : i32
      %dma_start3A_197 = arith.constant 0 : i32
      %dma_start3A_198 = tpu.memref_slice %dma_start3A_195[%dma_start3A_196, %dma_start3A_197] : memref<50000x16xf32, #tpu.memory_space<hbm>> -> memref<50000x16xf32, #tpu.memory_space<hbm>>
      tpu.enqueue_indirect_dma source(%dma_start3A_198 : memref<50000x16xf32, #tpu.memory_space<hbm>>) target(%arg11 : memref<896x16xf32, #tpu.memory_space<vmem>>) offsets(%dma_start3A_191 : memref<896xi32, #tpu.memory_space<vmem>>) semaphore(%arg17 : memref<!tpu.dma_semaphore, #tpu.memory_space<semaphore_mem>>)
      %dma_wait3A_199 = arith.constant 2688 : i32
      %dma_wait3A_200 = tpu.memref_slice %arg8[%dma_wait3A_199] : memref<7168xi32, #tpu.memory_space<vmem>> -> memref<896xi32, #tpu.memory_space<vmem>>
      %dma_wait3A_201 = arith.constant 0 : i32
      %dma_wait3A_202 = arith.constant 0 : i32
      %dma_wait3A_203 = tpu.memref_slice %arg14[%dma_wait3A_201, %dma_wait3A_202] : memref<51200x16xf32, #tpu.memory_space<vmem_shared>> -> memref<51200x16xf32, #tpu.memory_space<vmem_shared>>
      tpu.wait_indirect_dma semaphore(%arg22 : memref<!tpu.dma_semaphore, #tpu.memory_space<semaphore_mem>>) src(%arg12 : memref<896x16xf32, #tpu.memory_space<vmem>>) dst(%dma_wait3A_203 : memref<51200x16xf32, #tpu.memory_space<vmem_shared>>)
      %dma_start3A_204 = arith.constant 6272 : i32
      %dma_start3A_205 = tpu.memref_slice %arg7[%dma_start3A_204] : memref<7168xi32, #tpu.memory_space<vmem>> -> memref<896xi32, #tpu.memory_space<vmem>>
      %dma_start3A_206 = arith.constant 0 : i32
      %dma_start3A_207 = arith.constant 0 : i32
      %dma_start3A_208 = tpu.memref_slice %arg2[%add3A_20, %dma_start3A_206, %dma_start3A_207] : memref<4x50000x16xf32, #tpu.memory_space<hbm>> -> memref<1x50000x16xf32, #tpu.memory_space<hbm>>
      %dma_start3A_209 = tpu.memref_squeeze %dma_start3A_208 : memref<1x50000x16xf32, #tpu.memory_space<hbm>> -> memref<50000x16xf32, #tpu.memory_space<hbm>>
      %dma_start3A_210 = arith.constant 0 : i32
      %dma_start3A_211 = arith.constant 0 : i32
      %dma_start3A_212 = tpu.memref_slice %dma_start3A_209[%dma_start3A_210, %dma_start3A_211] : memref<50000x16xf32, #tpu.memory_space<hbm>> -> memref<50000x16xf32, #tpu.memory_space<hbm>>
      tpu.enqueue_indirect_dma source(%dma_start3A_212 : memref<50000x16xf32, #tpu.memory_space<hbm>>) target(%arg12 : memref<896x16xf32, #tpu.memory_space<vmem>>) offsets(%dma_start3A_205 : memref<896xi32, #tpu.memory_space<vmem>>) semaphore(%arg18 : memref<!tpu.dma_semaphore, #tpu.memory_space<semaphore_mem>>)
      %dma_wait3A_213 = arith.constant 3584 : i32
      %dma_wait3A_214 = tpu.memref_slice %arg7[%dma_wait3A_213] : memref<7168xi32, #tpu.memory_space<vmem>> -> memref<896xi32, #tpu.memory_space<vmem>>
      %dma_wait3A_215 = arith.constant 0 : i32
      %dma_wait3A_216 = arith.constant 0 : i32
      %dma_wait3A_217 = tpu.memref_slice %arg2[%add3A_20, %dma_wait3A_215, %dma_wait3A_216] : memref<4x50000x16xf32, #tpu.memory_space<hbm>> -> memref<1x50000x16xf32, #tpu.memory_space<hbm>>
      %dma_wait3A_218 = tpu.memref_squeeze %dma_wait3A_217 : memref<1x50000x16xf32, #tpu.memory_space<hbm>> -> memref<50000x16xf32, #tpu.memory_space<hbm>>
      %dma_wait3A_219 = arith.constant 0 : i32
      %dma_wait3A_220 = arith.constant 0 : i32
      %dma_wait3A_221 = tpu.memref_slice %dma_wait3A_218[%dma_wait3A_219, %dma_wait3A_220] : memref<50000x16xf32, #tpu.memory_space<hbm>> -> memref<50000x16xf32, #tpu.memory_space<hbm>>
      tpu.wait_indirect_dma semaphore(%arg15 : memref<!tpu.dma_semaphore, #tpu.memory_space<semaphore_mem>>) src(%dma_wait3A_221 : memref<50000x16xf32, #tpu.memory_space<hbm>>) dst(%arg9 : memref<896x16xf32, #tpu.memory_space<vmem>>)
      %dma_start3A_222 = arith.constant 3584 : i32
      %dma_start3A_223 = tpu.memref_slice %arg8[%dma_start3A_222] : memref<7168xi32, #tpu.memory_space<vmem>> -> memref<896xi32, #tpu.memory_space<vmem>>
      %dma_start3A_224 = arith.constant 0 : i32
      %dma_start3A_225 = arith.constant 0 : i32
      %dma_start3A_226 = tpu.memref_slice %arg14[%dma_start3A_224, %dma_start3A_225] : memref<51200x16xf32, #tpu.memory_space<vmem_shared>> -> memref<51200x16xf32, #tpu.memory_space<vmem_shared>>
      tpu.enqueue_indirect_dma source(%arg9 : memref<896x16xf32, #tpu.memory_space<vmem>>) target(%dma_start3A_226 : memref<51200x16xf32, #tpu.memory_space<vmem_shared>>) offsets(%dma_start3A_223 : memref<896xi32, #tpu.memory_space<vmem>>) semaphore(%arg19 : memref<!tpu.dma_semaphore, #tpu.memory_space<semaphore_mem>>) {add = true}
      %dma_wait3A_227 = arith.constant 4480 : i32
      %dma_wait3A_228 = tpu.memref_slice %arg7[%dma_wait3A_227] : memref<7168xi32, #tpu.memory_space<vmem>> -> memref<896xi32, #tpu.memory_space<vmem>>
      %dma_wait3A_229 = arith.constant 0 : i32
      %dma_wait3A_230 = arith.constant 0 : i32
      %dma_wait3A_231 = tpu.memref_slice %arg2[%add3A_20, %dma_wait3A_229, %dma_wait3A_230] : memref<4x50000x16xf32, #tpu.memory_space<hbm>> -> memref<1x50000x16xf32, #tpu.memory_space<hbm>>
      %dma_wait3A_232 = tpu.memref_squeeze %dma_wait3A_231 : memref<1x50000x16xf32, #tpu.memory_space<hbm>> -> memref<50000x16xf32, #tpu.memory_space<hbm>>
      %dma_wait3A_233 = arith.constant 0 : i32
      %dma_wait3A_234 = arith.constant 0 : i32
      %dma_wait3A_235 = tpu.memref_slice %dma_wait3A_232[%dma_wait3A_233, %dma_wait3A_234] : memref<50000x16xf32, #tpu.memory_space<hbm>> -> memref<50000x16xf32, #tpu.memory_space<hbm>>
      tpu.wait_indirect_dma semaphore(%arg16 : memref<!tpu.dma_semaphore, #tpu.memory_space<semaphore_mem>>) src(%dma_wait3A_235 : memref<50000x16xf32, #tpu.memory_space<hbm>>) dst(%arg10 : memref<896x16xf32, #tpu.memory_space<vmem>>)
      %dma_start3A_236 = arith.constant 4480 : i32
      %dma_start3A_237 = tpu.memref_slice %arg8[%dma_start3A_236] : memref<7168xi32, #tpu.memory_space<vmem>> -> memref<896xi32, #tpu.memory_space<vmem>>
      %dma_start3A_238 = arith.constant 0 : i32
      %dma_start3A_239 = arith.constant 0 : i32
      %dma_start3A_240 = tpu.memref_slice %arg14[%dma_start3A_238, %dma_start3A_239] : memref<51200x16xf32, #tpu.memory_space<vmem_shared>> -> memref<51200x16xf32, #tpu.memory_space<vmem_shared>>
      tpu.enqueue_indirect_dma source(%arg10 : memref<896x16xf32, #tpu.memory_space<vmem>>) target(%dma_start3A_240 : memref<51200x16xf32, #tpu.memory_space<vmem_shared>>) offsets(%dma_start3A_237 : memref<896xi32, #tpu.memory_space<vmem>>) semaphore(%arg20 : memref<!tpu.dma_semaphore, #tpu.memory_space<semaphore_mem>>) {add = true}
      %dma_wait3A_241 = arith.constant 5376 : i32
      %dma_wait3A_242 = tpu.memref_slice %arg7[%dma_wait3A_241] : memref<7168xi32, #tpu.memory_space<vmem>> -> memref<896xi32, #tpu.memory_space<vmem>>
      %dma_wait3A_243 = arith.constant 0 : i32
      %dma_wait3A_244 = arith.constant 0 : i32
      %dma_wait3A_245 = tpu.memref_slice %arg2[%add3A_20, %dma_wait3A_243, %dma_wait3A_244] : memref<4x50000x16xf32, #tpu.memory_space<hbm>> -> memref<1x50000x16xf32, #tpu.memory_space<hbm>>
      %dma_wait3A_246 = tpu.memref_squeeze %dma_wait3A_245 : memref<1x50000x16xf32, #tpu.memory_space<hbm>> -> memref<50000x16xf32, #tpu.memory_space<hbm>>
      %dma_wait3A_247 = arith.constant 0 : i32
      %dma_wait3A_248 = arith.constant 0 : i32
      %dma_wait3A_249 = tpu.memref_slice %dma_wait3A_246[%dma_wait3A_247, %dma_wait3A_248] : memref<50000x16xf32, #tpu.memory_space<hbm>> -> memref<50000x16xf32, #tpu.memory_space<hbm>>
      tpu.wait_indirect_dma semaphore(%arg17 : memref<!tpu.dma_semaphore, #tpu.memory_space<semaphore_mem>>) src(%dma_wait3A_249 : memref<50000x16xf32, #tpu.memory_space<hbm>>) dst(%arg11 : memref<896x16xf32, #tpu.memory_space<vmem>>)
      %dma_start3A_250 = arith.constant 5376 : i32
      %dma_start3A_251 = tpu.memref_slice %arg8[%dma_start3A_250] : memref<7168xi32, #tpu.memory_space<vmem>> -> memref<896xi32, #tpu.memory_space<vmem>>
      %dma_start3A_252 = arith.constant 0 : i32
      %dma_start3A_253 = arith.constant 0 : i32
      %dma_start3A_254 = tpu.memref_slice %arg14[%dma_start3A_252, %dma_start3A_253] : memref<51200x16xf32, #tpu.memory_space<vmem_shared>> -> memref<51200x16xf32, #tpu.memory_space<vmem_shared>>
      tpu.enqueue_indirect_dma source(%arg11 : memref<896x16xf32, #tpu.memory_space<vmem>>) target(%dma_start3A_254 : memref<51200x16xf32, #tpu.memory_space<vmem_shared>>) offsets(%dma_start3A_251 : memref<896xi32, #tpu.memory_space<vmem>>) semaphore(%arg21 : memref<!tpu.dma_semaphore, #tpu.memory_space<semaphore_mem>>) {add = true}
      %dma_wait3A_255 = arith.constant 6272 : i32
      %dma_wait3A_256 = tpu.memref_slice %arg7[%dma_wait3A_255] : memref<7168xi32, #tpu.memory_space<vmem>> -> memref<896xi32, #tpu.memory_space<vmem>>
      %dma_wait3A_257 = arith.constant 0 : i32
      %dma_wait3A_258 = arith.constant 0 : i32
      %dma_wait3A_259 = tpu.memref_slice %arg2[%add3A_20, %dma_wait3A_257, %dma_wait3A_258] : memref<4x50000x16xf32, #tpu.memory_space<hbm>> -> memref<1x50000x16xf32, #tpu.memory_space<hbm>>
      %dma_wait3A_260 = tpu.memref_squeeze %dma_wait3A_259 : memref<1x50000x16xf32, #tpu.memory_space<hbm>> -> memref<50000x16xf32, #tpu.memory_space<hbm>>
      %dma_wait3A_261 = arith.constant 0 : i32
      %dma_wait3A_262 = arith.constant 0 : i32
      %dma_wait3A_263 = tpu.memref_slice %dma_wait3A_260[%dma_wait3A_261, %dma_wait3A_262] : memref<50000x16xf32, #tpu.memory_space<hbm>> -> memref<50000x16xf32, #tpu.memory_space<hbm>>
      tpu.wait_indirect_dma semaphore(%arg18 : memref<!tpu.dma_semaphore, #tpu.memory_space<semaphore_mem>>) src(%dma_wait3A_263 : memref<50000x16xf32, #tpu.memory_space<hbm>>) dst(%arg12 : memref<896x16xf32, #tpu.memory_space<vmem>>)
      %dma_start3A_264 = arith.constant 6272 : i32
      %dma_start3A_265 = tpu.memref_slice %arg8[%dma_start3A_264] : memref<7168xi32, #tpu.memory_space<vmem>> -> memref<896xi32, #tpu.memory_space<vmem>>
      %dma_start3A_266 = arith.constant 0 : i32
      %dma_start3A_267 = arith.constant 0 : i32
      %dma_start3A_268 = tpu.memref_slice %arg14[%dma_start3A_266, %dma_start3A_267] : memref<51200x16xf32, #tpu.memory_space<vmem_shared>> -> memref<51200x16xf32, #tpu.memory_space<vmem_shared>>
      tpu.enqueue_indirect_dma source(%arg12 : memref<896x16xf32, #tpu.memory_space<vmem>>) target(%dma_start3A_268 : memref<51200x16xf32, #tpu.memory_space<vmem_shared>>) offsets(%dma_start3A_265 : memref<896xi32, #tpu.memory_space<vmem>>) semaphore(%arg22 : memref<!tpu.dma_semaphore, #tpu.memory_space<semaphore_mem>>) {add = true}
      %dma_wait3A_269 = arith.constant 3584 : i32
      %dma_wait3A_270 = tpu.memref_slice %arg8[%dma_wait3A_269] : memref<7168xi32, #tpu.memory_space<vmem>> -> memref<896xi32, #tpu.memory_space<vmem>>
      %dma_wait3A_271 = arith.constant 0 : i32
      %dma_wait3A_272 = arith.constant 0 : i32
      %dma_wait3A_273 = tpu.memref_slice %arg14[%dma_wait3A_271, %dma_wait3A_272] : memref<51200x16xf32, #tpu.memory_space<vmem_shared>> -> memref<51200x16xf32, #tpu.memory_space<vmem_shared>>
      tpu.wait_indirect_dma semaphore(%arg19 : memref<!tpu.dma_semaphore, #tpu.memory_space<semaphore_mem>>) src(%arg9 : memref<896x16xf32, #tpu.memory_space<vmem>>) dst(%dma_wait3A_273 : memref<51200x16xf32, #tpu.memory_space<vmem_shared>>)
      %dma_wait3A_274 = arith.constant 4480 : i32
      %dma_wait3A_275 = tpu.memref_slice %arg8[%dma_wait3A_274] : memref<7168xi32, #tpu.memory_space<vmem>> -> memref<896xi32, #tpu.memory_space<vmem>>
      %dma_wait3A_276 = arith.constant 0 : i32
      %dma_wait3A_277 = arith.constant 0 : i32
      %dma_wait3A_278 = tpu.memref_slice %arg14[%dma_wait3A_276, %dma_wait3A_277] : memref<51200x16xf32, #tpu.memory_space<vmem_shared>> -> memref<51200x16xf32, #tpu.memory_space<vmem_shared>>
      tpu.wait_indirect_dma semaphore(%arg20 : memref<!tpu.dma_semaphore, #tpu.memory_space<semaphore_mem>>) src(%arg10 : memref<896x16xf32, #tpu.memory_space<vmem>>) dst(%dma_wait3A_278 : memref<51200x16xf32, #tpu.memory_space<vmem_shared>>)
      %dma_wait3A_279 = arith.constant 5376 : i32
      %dma_wait3A_280 = tpu.memref_slice %arg8[%dma_wait3A_279] : memref<7168xi32, #tpu.memory_space<vmem>> -> memref<896xi32, #tpu.memory_space<vmem>>
      %dma_wait3A_281 = arith.constant 0 : i32
      %dma_wait3A_282 = arith.constant 0 : i32
      %dma_wait3A_283 = tpu.memref_slice %arg14[%dma_wait3A_281, %dma_wait3A_282] : memref<51200x16xf32, #tpu.memory_space<vmem_shared>> -> memref<51200x16xf32, #tpu.memory_space<vmem_shared>>
      tpu.wait_indirect_dma semaphore(%arg21 : memref<!tpu.dma_semaphore, #tpu.memory_space<semaphore_mem>>) src(%arg11 : memref<896x16xf32, #tpu.memory_space<vmem>>) dst(%dma_wait3A_283 : memref<51200x16xf32, #tpu.memory_space<vmem_shared>>)
      %dma_wait3A_284 = arith.constant 6272 : i32
      %dma_wait3A_285 = tpu.memref_slice %arg8[%dma_wait3A_284] : memref<7168xi32, #tpu.memory_space<vmem>> -> memref<896xi32, #tpu.memory_space<vmem>>
      %dma_wait3A_286 = arith.constant 0 : i32
      %dma_wait3A_287 = arith.constant 0 : i32
      %dma_wait3A_288 = tpu.memref_slice %arg14[%dma_wait3A_286, %dma_wait3A_287] : memref<51200x16xf32, #tpu.memory_space<vmem_shared>> -> memref<51200x16xf32, #tpu.memory_space<vmem_shared>>
      tpu.wait_indirect_dma semaphore(%arg22 : memref<!tpu.dma_semaphore, #tpu.memory_space<semaphore_mem>>) src(%arg12 : memref<896x16xf32, #tpu.memory_space<vmem>>) dst(%dma_wait3A_288 : memref<51200x16xf32, #tpu.memory_space<vmem_shared>>)
    }
    %scan3A_33 = arith.constant 7 : i32
    %barrier3A_34 = arith.constant 0 : index
    tpu.barrier barrier_id(%barrier3A_34)
    "tpu.region"() ({
      %run_scoped3A = tpu.sem_alloc : memref<!tpu.dma_semaphore, #tpu.memory_space<semaphore_mem>>
      %dma_start3A = arith.constant 0 : i32
      %dma_start3A_54 = arith.constant 0 : i32
      %dma_start3A_55 = tpu.memref_slice %arg5[%add3A_20, %dma_start3A, %dma_start3A_54] : memref<4x51200x16xf32, #tpu.memory_space<hbm>> -> memref<1x51200x16xf32, #tpu.memory_space<hbm>>
      %dma_start3A_56 = tpu.memref_squeeze %dma_start3A_55 : memref<1x51200x16xf32, #tpu.memory_space<hbm>> -> memref<51200x16xf32, #tpu.memory_space<hbm>>
      %dma_start3A_57 = arith.constant 0 : i32
      %dma_start3A_58 = tpu.memref_slice %dma_start3A_56[%mul3A_0, %dma_start3A_57] : memref<51200x16xf32, #tpu.memory_space<hbm>> -> memref<3200x16xf32, #tpu.memory_space<hbm>>
      %dma_start3A_59 = arith.constant 0 : i32
      %dma_start3A_60 = tpu.memref_slice %arg14[%mul3A_0, %dma_start3A_59] : memref<51200x16xf32, #tpu.memory_space<vmem_shared>> -> memref<3200x16xf32, #tpu.memory_space<vmem_shared>>
      tpu.enqueue_dma source(%dma_start3A_60 : memref<3200x16xf32, #tpu.memory_space<vmem_shared>>) target(%dma_start3A_58 : memref<3200x16xf32, #tpu.memory_space<hbm>>) target_semaphore(%run_scoped3A : memref<!tpu.dma_semaphore, #tpu.memory_space<semaphore_mem>>)
      %dma_wait3A = arith.constant 0 : i32
      %dma_wait3A_61 = arith.constant 0 : i32
      %dma_wait3A_62 = tpu.memref_slice %arg5[%add3A_20, %dma_wait3A, %dma_wait3A_61] : memref<4x51200x16xf32, #tpu.memory_space<hbm>> -> memref<1x51200x16xf32, #tpu.memory_space<hbm>>
      %dma_wait3A_63 = tpu.memref_squeeze %dma_wait3A_62 : memref<1x51200x16xf32, #tpu.memory_space<hbm>> -> memref<51200x16xf32, #tpu.memory_space<hbm>>
      %dma_wait3A_64 = arith.constant 0 : i32
      %dma_wait3A_65 = tpu.memref_slice %dma_wait3A_63[%mul3A_0, %dma_wait3A_64] : memref<51200x16xf32, #tpu.memory_space<hbm>> -> memref<3200x16xf32, #tpu.memory_space<hbm>>
      %dma_wait3A_66 = arith.constant 0 : i32
      %dma_wait3A_67 = tpu.memref_slice %arg14[%mul3A_0, %dma_wait3A_66] : memref<51200x16xf32, #tpu.memory_space<vmem_shared>> -> memref<3200x16xf32, #tpu.memory_space<vmem_shared>>
      tpu.wait_dma2 semaphore(%run_scoped3A : memref<!tpu.dma_semaphore, #tpu.memory_space<semaphore_mem>>) src(%dma_wait3A_67 : memref<3200x16xf32, #tpu.memory_space<vmem_shared>>) dst(%dma_wait3A_65 : memref<3200x16xf32, #tpu.memory_space<hbm>>)
      tpu.yield
    }) : () -> ()
    %mul3A_35 = arith.constant 3200 : i32
    %mul3A_36 = arith.muli %arg1, %mul3A_35 : i32
    %scan3A_37 = arith.constant 0 : i32
    %scan3A_38 = arith.constant 25 : i32
    %scan3A_39 = arith.addi %scan3A_37, %scan3A_38 : i32
    %scan3A_40 = arith.constant 1 : i32
    scf.for %scan3A_54 = %scan3A_37 to %scan3A_39 step %scan3A_40  : i32 {
      %mul3A_55 = arith.constant 1 : i32
      %mul3A_56 = arith.muli %scan3A_54, %mul3A_55 : i32
      %add3A_57 = arith.constant 0 : i32
      %add3A_58 = arith.addi %add3A_57, %mul3A_56 : i32
      %mul3A_59 = arith.constant 128 : i32
      %mul3A_60 = arith.muli %add3A_58, %mul3A_59 : i32
      %add3A_61 = arith.addi %mul3A_36, %mul3A_60 : i32
      "tpu.region"() ({
        %run_scoped3A = tpu.sem_alloc : memref<!tpu.dma_semaphore, #tpu.memory_space<semaphore_mem>>
        %dma_start3A = arith.constant 0 : i32
        %dma_start3A_62 = tpu.memref_slice %arg14[%add3A_61, %dma_start3A] : memref<51200x16xf32, #tpu.memory_space<vmem_shared>> -> memref<128x16xf32, #tpu.memory_space<vmem_shared>>
        %dma_start3A_63 = arith.constant 0 : i32
        %dma_start3A_64 = tpu.memref_slice %arg14[%add3A_61, %dma_start3A_63] : memref<51200x16xf32, #tpu.memory_space<vmem_shared>> -> memref<128x16xf32, #tpu.memory_space<vmem_shared>>
        tpu.enqueue_dma source(%arg13 : memref<128x16xf32, #tpu.memory_space<vmem>>) target(%dma_start3A_64 : memref<128x16xf32, #tpu.memory_space<vmem_shared>>) target_semaphore(%run_scoped3A : memref<!tpu.dma_semaphore, #tpu.memory_space<semaphore_mem>>)
        %dma_wait3A = arith.constant 0 : i32
        %dma_wait3A_65 = tpu.memref_slice %arg14[%add3A_61, %dma_wait3A] : memref<51200x16xf32, #tpu.memory_space<vmem_shared>> -> memref<128x16xf32, #tpu.memory_space<vmem_shared>>
        %dma_wait3A_66 = arith.constant 0 : i32
        %dma_wait3A_67 = tpu.memref_slice %arg14[%add3A_61, %dma_wait3A_66] : memref<51200x16xf32, #tpu.memory_space<vmem_shared>> -> memref<128x16xf32, #tpu.memory_space<vmem_shared>>
        tpu.wait_dma2 semaphore(%run_scoped3A : memref<!tpu.dma_semaphore, #tpu.memory_space<semaphore_mem>>) src(%arg13 : memref<128x16xf32, #tpu.memory_space<vmem>>) dst(%dma_wait3A_67 : memref<128x16xf32, #tpu.memory_space<vmem_shared>>)
        tpu.yield
      }) : () -> ()
    }
    %scan3A_41 = arith.constant 25 : i32
    %scan3A_42 = arith.constant 0 : i32
    %scan3A_43 = arith.constant 896 : i32
    %scan3A_44 = arith.addi %scan3A_42, %scan3A_43 : i32
    %scan3A_45 = arith.constant 1 : i32
    scf.for %scan3A_54 = %scan3A_42 to %scan3A_44 step %scan3A_45  : i32 {
      %mul3A_55 = arith.constant 1 : i32
      %mul3A_56 = arith.muli %scan3A_54, %mul3A_55 : i32
      %add3A_57 = arith.constant 0 : i32
      %add3A_58 = arith.addi %add3A_57, %mul3A_56 : i32
      %broadcast_in_dim3A = arith.constant 1.000000e+00 : f32
      %broadcast_in_dim3A_59 = vector.broadcast %broadcast_in_dim3A : f32 to vector<16xf32>
      %swap3A = arith.constant 0 : i32
      %swap3A_60 = tpu.memref_slice %arg9[%add3A_58, %swap3A] : memref<896x16xf32, #tpu.memory_space<vmem>> -> memref<1x16xf32, #tpu.memory_space<vmem>>
      %swap3A_61 = tpu.memref_squeeze %swap3A_60 : memref<1x16xf32, #tpu.memory_space<vmem>> -> memref<16xf32, #tpu.memory_space<vmem>>
      %swap3A_62 = arith.constant 0 : index
      %swap3A_63 = tpu.vector_load %swap3A_61[%swap3A_62] {strides = array<i32>} : memref<16xf32, #tpu.memory_space<vmem>>, vector<16xf32>,
      %swap3A_64 = vector.shape_cast %swap3A_63 : vector<16xf32> to vector<16xf32>
      %swap3A_65 = vector.shape_cast %broadcast_in_dim3A_59 : vector<16xf32> to vector<16xf32>
      tpu.vector_store %swap3A_61[%swap3A_62], %swap3A_65 {strides = array<i32>} : memref<16xf32, #tpu.memory_space<vmem>>, vector<16xf32>,
    }
    %scan3A_46 = arith.constant 896 : i32
    %barrier3A_47 = arith.constant 0 : index
    tpu.barrier barrier_id(%barrier3A_47)
    %scan3A_48 = arith.constant 0 : i32
    %scan3A_49 = arith.constant 7 : i32
    %scan3A_50 = arith.addi %scan3A_48, %scan3A_49 : i32
    %scan3A_51 = arith.constant 1 : i32
    scf.for %scan3A_54 = %scan3A_48 to %scan3A_50 step %scan3A_51  : i32 {
      %mul3A_55 = arith.constant 1 : i32
      %mul3A_56 = arith.muli %scan3A_54, %mul3A_55 : i32
      %add3A_57 = arith.constant 0 : i32
      %add3A_58 = arith.addi %add3A_57, %mul3A_56 : i32
      %mul3A_59 = arith.constant 56 : i32
      %mul3A_60 = arith.muli %add3A_58, %mul3A_59 : i32
      %mul3A_61 = arith.constant 128 : i32
      %mul3A_62 = arith.muli %mul3A_60, %mul3A_61 : i32
      "tpu.region"() ({
        %run_scoped3A = tpu.sem_alloc : memref<!tpu.dma_semaphore, #tpu.memory_space<semaphore_mem>>
        %dma_start3A_141 = arith.constant 0 : i32
        %dma_start3A_142 = tpu.memref_slice %arg4[%arg1, %dma_start3A_141] : memref<16x50176xi32, #tpu.memory_space<hbm>> -> memref<1x50176xi32, #tpu.memory_space<hbm>>
        %dma_start3A_143 = tpu.memref_squeeze %dma_start3A_142 : memref<1x50176xi32, #tpu.memory_space<hbm>> -> memref<50176xi32, #tpu.memory_space<hbm>>
        %dma_start3A_144 = tpu.memref_slice %dma_start3A_143[%mul3A_62] : memref<50176xi32, #tpu.memory_space<hbm>> -> memref<7168xi32, #tpu.memory_space<hbm>>
        %dma_start3A_145 = arith.constant 0 : i32
        %dma_start3A_146 = tpu.memref_slice %arg4[%arg1, %dma_start3A_145] : memref<16x50176xi32, #tpu.memory_space<hbm>> -> memref<1x50176xi32, #tpu.memory_space<hbm>>
        %dma_start3A_147 = tpu.memref_squeeze %dma_start3A_146 : memref<1x50176xi32, #tpu.memory_space<hbm>> -> memref<50176xi32, #tpu.memory_space<hbm>>
        %dma_start3A_148 = tpu.memref_slice %dma_start3A_147[%mul3A_62] : memref<50176xi32, #tpu.memory_space<hbm>> -> memref<7168xi32, #tpu.memory_space<hbm>>
        tpu.enqueue_dma source(%dma_start3A_148 : memref<7168xi32, #tpu.memory_space<hbm>>) target(%arg8 : memref<7168xi32, #tpu.memory_space<vmem>>) target_semaphore(%run_scoped3A : memref<!tpu.dma_semaphore, #tpu.memory_space<semaphore_mem>>)
        %dma_wait3A_149 = arith.constant 0 : i32
        %dma_wait3A_150 = tpu.memref_slice %arg4[%arg1, %dma_wait3A_149] : memref<16x50176xi32, #tpu.memory_space<hbm>> -> memref<1x50176xi32, #tpu.memory_space<hbm>>
        %dma_wait3A_151 = tpu.memref_squeeze %dma_wait3A_150 : memref<1x50176xi32, #tpu.memory_space<hbm>> -> memref<50176xi32, #tpu.memory_space<hbm>>
        %dma_wait3A_152 = tpu.memref_slice %dma_wait3A_151[%mul3A_62] : memref<50176xi32, #tpu.memory_space<hbm>> -> memref<7168xi32, #tpu.memory_space<hbm>>
        %dma_wait3A_153 = arith.constant 0 : i32
        %dma_wait3A_154 = tpu.memref_slice %arg4[%arg1, %dma_wait3A_153] : memref<16x50176xi32, #tpu.memory_space<hbm>> -> memref<1x50176xi32, #tpu.memory_space<hbm>>
        %dma_wait3A_155 = tpu.memref_squeeze %dma_wait3A_154 : memref<1x50176xi32, #tpu.memory_space<hbm>> -> memref<50176xi32, #tpu.memory_space<hbm>>
        %dma_wait3A_156 = tpu.memref_slice %dma_wait3A_155[%mul3A_62] : memref<50176xi32, #tpu.memory_space<hbm>> -> memref<7168xi32, #tpu.memory_space<hbm>>
        tpu.wait_dma2 semaphore(%run_scoped3A : memref<!tpu.dma_semaphore, #tpu.memory_space<semaphore_mem>>) src(%dma_wait3A_156 : memref<7168xi32, #tpu.memory_space<hbm>>) dst(%arg8 : memref<7168xi32, #tpu.memory_space<vmem>>)
        tpu.yield
      }) : () -> ()
      %dma_start3A = arith.constant 0 : i32
      %dma_start3A_63 = tpu.memref_slice %arg8[%dma_start3A] : memref<7168xi32, #tpu.memory_space<vmem>> -> memref<896xi32, #tpu.memory_space<vmem>>
      %dma_start3A_64 = arith.constant 0 : i32
      %dma_start3A_65 = arith.constant 0 : i32
      %dma_start3A_66 = tpu.memref_slice %arg14[%dma_start3A_64, %dma_start3A_65] : memref<51200x16xf32, #tpu.memory_space<vmem_shared>> -> memref<51200x16xf32, #tpu.memory_space<vmem_shared>>
      tpu.enqueue_indirect_dma source(%arg9 : memref<896x16xf32, #tpu.memory_space<vmem>>) target(%dma_start3A_66 : memref<51200x16xf32, #tpu.memory_space<vmem_shared>>) offsets(%dma_start3A_63 : memref<896xi32, #tpu.memory_space<vmem>>) semaphore(%arg19 : memref<!tpu.dma_semaphore, #tpu.memory_space<semaphore_mem>>) {add = true}
      %dma_start3A_67 = arith.constant 896 : i32
      %dma_start3A_68 = tpu.memref_slice %arg8[%dma_start3A_67] : memref<7168xi32, #tpu.memory_space<vmem>> -> memref<896xi32, #tpu.memory_space<vmem>>
      %dma_start3A_69 = arith.constant 0 : i32
      %dma_start3A_70 = arith.constant 0 : i32
      %dma_start3A_71 = tpu.memref_slice %arg14[%dma_start3A_69, %dma_start3A_70] : memref<51200x16xf32, #tpu.memory_space<vmem_shared>> -> memref<51200x16xf32, #tpu.memory_space<vmem_shared>>
      tpu.enqueue_indirect_dma source(%arg9 : memref<896x16xf32, #tpu.memory_space<vmem>>) target(%dma_start3A_71 : memref<51200x16xf32, #tpu.memory_space<vmem_shared>>) offsets(%dma_start3A_68 : memref<896xi32, #tpu.memory_space<vmem>>) semaphore(%arg19 : memref<!tpu.dma_semaphore, #tpu.memory_space<semaphore_mem>>) {add = true}
      %dma_start3A_72 = arith.constant 1792 : i32
      %dma_start3A_73 = tpu.memref_slice %arg8[%dma_start3A_72] : memref<7168xi32, #tpu.memory_space<vmem>> -> memref<896xi32, #tpu.memory_space<vmem>>
      %dma_start3A_74 = arith.constant 0 : i32
      %dma_start3A_75 = arith.constant 0 : i32
      %dma_start3A_76 = tpu.memref_slice %arg14[%dma_start3A_74, %dma_start3A_75] : memref<51200x16xf32, #tpu.memory_space<vmem_shared>> -> memref<51200x16xf32, #tpu.memory_space<vmem_shared>>
      tpu.enqueue_indirect_dma source(%arg9 : memref<896x16xf32, #tpu.memory_space<vmem>>) target(%dma_start3A_76 : memref<51200x16xf32, #tpu.memory_space<vmem_shared>>) offsets(%dma_start3A_73 : memref<896xi32, #tpu.memory_space<vmem>>) semaphore(%arg19 : memref<!tpu.dma_semaphore, #tpu.memory_space<semaphore_mem>>) {add = true}
      %dma_start3A_77 = arith.constant 2688 : i32
      %dma_start3A_78 = tpu.memref_slice %arg8[%dma_start3A_77] : memref<7168xi32, #tpu.memory_space<vmem>> -> memref<896xi32, #tpu.memory_space<vmem>>
      %dma_start3A_79 = arith.constant 0 : i32
      %dma_start3A_80 = arith.constant 0 : i32
      %dma_start3A_81 = tpu.memref_slice %arg14[%dma_start3A_79, %dma_start3A_80] : memref<51200x16xf32, #tpu.memory_space<vmem_shared>> -> memref<51200x16xf32, #tpu.memory_space<vmem_shared>>
      tpu.enqueue_indirect_dma source(%arg9 : memref<896x16xf32, #tpu.memory_space<vmem>>) target(%dma_start3A_81 : memref<51200x16xf32, #tpu.memory_space<vmem_shared>>) offsets(%dma_start3A_78 : memref<896xi32, #tpu.memory_space<vmem>>) semaphore(%arg19 : memref<!tpu.dma_semaphore, #tpu.memory_space<semaphore_mem>>) {add = true}
      %dma_start3A_82 = arith.constant 3584 : i32
      %dma_start3A_83 = tpu.memref_slice %arg8[%dma_start3A_82] : memref<7168xi32, #tpu.memory_space<vmem>> -> memref<896xi32, #tpu.memory_space<vmem>>
      %dma_start3A_84 = arith.constant 0 : i32
      %dma_start3A_85 = arith.constant 0 : i32
      %dma_start3A_86 = tpu.memref_slice %arg14[%dma_start3A_84, %dma_start3A_85] : memref<51200x16xf32, #tpu.memory_space<vmem_shared>> -> memref<51200x16xf32, #tpu.memory_space<vmem_shared>>
      tpu.enqueue_indirect_dma source(%arg9 : memref<896x16xf32, #tpu.memory_space<vmem>>) target(%dma_start3A_86 : memref<51200x16xf32, #tpu.memory_space<vmem_shared>>) offsets(%dma_start3A_83 : memref<896xi32, #tpu.memory_space<vmem>>) semaphore(%arg19 : memref<!tpu.dma_semaphore, #tpu.memory_space<semaphore_mem>>) {add = true}
      %dma_start3A_87 = arith.constant 4480 : i32
      %dma_start3A_88 = tpu.memref_slice %arg8[%dma_start3A_87] : memref<7168xi32, #tpu.memory_space<vmem>> -> memref<896xi32, #tpu.memory_space<vmem>>
      %dma_start3A_89 = arith.constant 0 : i32
      %dma_start3A_90 = arith.constant 0 : i32
      %dma_start3A_91 = tpu.memref_slice %arg14[%dma_start3A_89, %dma_start3A_90] : memref<51200x16xf32, #tpu.memory_space<vmem_shared>> -> memref<51200x16xf32, #tpu.memory_space<vmem_shared>>
      tpu.enqueue_indirect_dma source(%arg9 : memref<896x16xf32, #tpu.memory_space<vmem>>) target(%dma_start3A_91 : memref<51200x16xf32, #tpu.memory_space<vmem_shared>>) offsets(%dma_start3A_88 : memref<896xi32, #tpu.memory_space<vmem>>) semaphore(%arg19 : memref<!tpu.dma_semaphore, #tpu.memory_space<semaphore_mem>>) {add = true}
      %dma_start3A_92 = arith.constant 5376 : i32
      %dma_start3A_93 = tpu.memref_slice %arg8[%dma_start3A_92] : memref<7168xi32, #tpu.memory_space<vmem>> -> memref<896xi32, #tpu.memory_space<vmem>>
      %dma_start3A_94 = arith.constant 0 : i32
      %dma_start3A_95 = arith.constant 0 : i32
      %dma_start3A_96 = tpu.memref_slice %arg14[%dma_start3A_94, %dma_start3A_95] : memref<51200x16xf32, #tpu.memory_space<vmem_shared>> -> memref<51200x16xf32, #tpu.memory_space<vmem_shared>>
      tpu.enqueue_indirect_dma source(%arg9 : memref<896x16xf32, #tpu.memory_space<vmem>>) target(%dma_start3A_96 : memref<51200x16xf32, #tpu.memory_space<vmem_shared>>) offsets(%dma_start3A_93 : memref<896xi32, #tpu.memory_space<vmem>>) semaphore(%arg19 : memref<!tpu.dma_semaphore, #tpu.memory_space<semaphore_mem>>) {add = true}
      %dma_start3A_97 = arith.constant 6272 : i32
      %dma_start3A_98 = tpu.memref_slice %arg8[%dma_start3A_97] : memref<7168xi32, #tpu.memory_space<vmem>> -> memref<896xi32, #tpu.memory_space<vmem>>
      %dma_start3A_99 = arith.constant 0 : i32
      %dma_start3A_100 = arith.constant 0 : i32
      %dma_start3A_101 = tpu.memref_slice %arg14[%dma_start3A_99, %dma_start3A_100] : memref<51200x16xf32, #tpu.memory_space<vmem_shared>> -> memref<51200x16xf32, #tpu.memory_space<vmem_shared>>
      tpu.enqueue_indirect_dma source(%arg9 : memref<896x16xf32, #tpu.memory_space<vmem>>) target(%dma_start3A_101 : memref<51200x16xf32, #tpu.memory_space<vmem_shared>>) offsets(%dma_start3A_98 : memref<896xi32, #tpu.memory_space<vmem>>) semaphore(%arg19 : memref<!tpu.dma_semaphore, #tpu.memory_space<semaphore_mem>>) {add = true}
      %dma_wait3A = arith.constant 0 : i32
      %dma_wait3A_102 = tpu.memref_slice %arg8[%dma_wait3A] : memref<7168xi32, #tpu.memory_space<vmem>> -> memref<896xi32, #tpu.memory_space<vmem>>
      %dma_wait3A_103 = arith.constant 0 : i32
      %dma_wait3A_104 = arith.constant 0 : i32
      %dma_wait3A_105 = tpu.memref_slice %arg14[%dma_wait3A_103, %dma_wait3A_104] : memref<51200x16xf32, #tpu.memory_space<vmem_shared>> -> memref<51200x16xf32, #tpu.memory_space<vmem_shared>>
      tpu.wait_indirect_dma semaphore(%arg19 : memref<!tpu.dma_semaphore, #tpu.memory_space<semaphore_mem>>) src(%arg9 : memref<896x16xf32, #tpu.memory_space<vmem>>) dst(%dma_wait3A_105 : memref<51200x16xf32, #tpu.memory_space<vmem_shared>>)
      %dma_wait3A_106 = arith.constant 896 : i32
      %dma_wait3A_107 = tpu.memref_slice %arg8[%dma_wait3A_106] : memref<7168xi32, #tpu.memory_space<vmem>> -> memref<896xi32, #tpu.memory_space<vmem>>
      %dma_wait3A_108 = arith.constant 0 : i32
      %dma_wait3A_109 = arith.constant 0 : i32
      %dma_wait3A_110 = tpu.memref_slice %arg14[%dma_wait3A_108, %dma_wait3A_109] : memref<51200x16xf32, #tpu.memory_space<vmem_shared>> -> memref<51200x16xf32, #tpu.memory_space<vmem_shared>>
      tpu.wait_indirect_dma semaphore(%arg19 : memref<!tpu.dma_semaphore, #tpu.memory_space<semaphore_mem>>) src(%arg9 : memref<896x16xf32, #tpu.memory_space<vmem>>) dst(%dma_wait3A_110 : memref<51200x16xf32, #tpu.memory_space<vmem_shared>>)
      %dma_wait3A_111 = arith.constant 1792 : i32
      %dma_wait3A_112 = tpu.memref_slice %arg8[%dma_wait3A_111] : memref<7168xi32, #tpu.memory_space<vmem>> -> memref<896xi32, #tpu.memory_space<vmem>>
      %dma_wait3A_113 = arith.constant 0 : i32
      %dma_wait3A_114 = arith.constant 0 : i32
      %dma_wait3A_115 = tpu.memref_slice %arg14[%dma_wait3A_113, %dma_wait3A_114] : memref<51200x16xf32, #tpu.memory_space<vmem_shared>> -> memref<51200x16xf32, #tpu.memory_space<vmem_shared>>
      tpu.wait_indirect_dma semaphore(%arg19 : memref<!tpu.dma_semaphore, #tpu.memory_space<semaphore_mem>>) src(%arg9 : memref<896x16xf32, #tpu.memory_space<vmem>>) dst(%dma_wait3A_115 : memref<51200x16xf32, #tpu.memory_space<vmem_shared>>)
      %dma_wait3A_116 = arith.constant 2688 : i32
      %dma_wait3A_117 = tpu.memref_slice %arg8[%dma_wait3A_116] : memref<7168xi32, #tpu.memory_space<vmem>> -> memref<896xi32, #tpu.memory_space<vmem>>
      %dma_wait3A_118 = arith.constant 0 : i32
      %dma_wait3A_119 = arith.constant 0 : i32
      %dma_wait3A_120 = tpu.memref_slice %arg14[%dma_wait3A_118, %dma_wait3A_119] : memref<51200x16xf32, #tpu.memory_space<vmem_shared>> -> memref<51200x16xf32, #tpu.memory_space<vmem_shared>>
      tpu.wait_indirect_dma semaphore(%arg19 : memref<!tpu.dma_semaphore, #tpu.memory_space<semaphore_mem>>) src(%arg9 : memref<896x16xf32, #tpu.memory_space<vmem>>) dst(%dma_wait3A_120 : memref<51200x16xf32, #tpu.memory_space<vmem_shared>>)
      %dma_wait3A_121 = arith.constant 3584 : i32
      %dma_wait3A_122 = tpu.memref_slice %arg8[%dma_wait3A_121] : memref<7168xi32, #tpu.memory_space<vmem>> -> memref<896xi32, #tpu.memory_space<vmem>>
      %dma_wait3A_123 = arith.constant 0 : i32
      %dma_wait3A_124 = arith.constant 0 : i32
      %dma_wait3A_125 = tpu.memref_slice %arg14[%dma_wait3A_123, %dma_wait3A_124] : memref<51200x16xf32, #tpu.memory_space<vmem_shared>> -> memref<51200x16xf32, #tpu.memory_space<vmem_shared>>
      tpu.wait_indirect_dma semaphore(%arg19 : memref<!tpu.dma_semaphore, #tpu.memory_space<semaphore_mem>>) src(%arg9 : memref<896x16xf32, #tpu.memory_space<vmem>>) dst(%dma_wait3A_125 : memref<51200x16xf32, #tpu.memory_space<vmem_shared>>)
      %dma_wait3A_126 = arith.constant 4480 : i32
      %dma_wait3A_127 = tpu.memref_slice %arg8[%dma_wait3A_126] : memref<7168xi32, #tpu.memory_space<vmem>> -> memref<896xi32, #tpu.memory_space<vmem>>
      %dma_wait3A_128 = arith.constant 0 : i32
      %dma_wait3A_129 = arith.constant 0 : i32
      %dma_wait3A_130 = tpu.memref_slice %arg14[%dma_wait3A_128, %dma_wait3A_129] : memref<51200x16xf32, #tpu.memory_space<vmem_shared>> -> memref<51200x16xf32, #tpu.memory_space<vmem_shared>>
      tpu.wait_indirect_dma semaphore(%arg19 : memref<!tpu.dma_semaphore, #tpu.memory_space<semaphore_mem>>) src(%arg9 : memref<896x16xf32, #tpu.memory_space<vmem>>) dst(%dma_wait3A_130 : memref<51200x16xf32, #tpu.memory_space<vmem_shared>>)
      %dma_wait3A_131 = arith.constant 5376 : i32
      %dma_wait3A_132 = tpu.memref_slice %arg8[%dma_wait3A_131] : memref<7168xi32, #tpu.memory_space<vmem>> -> memref<896xi32, #tpu.memory_space<vmem>>
      %dma_wait3A_133 = arith.constant 0 : i32
      %dma_wait3A_134 = arith.constant 0 : i32
      %dma_wait3A_135 = tpu.memref_slice %arg14[%dma_wait3A_133, %dma_wait3A_134] : memref<51200x16xf32, #tpu.memory_space<vmem_shared>> -> memref<51200x16xf32, #tpu.memory_space<vmem_shared>>
      tpu.wait_indirect_dma semaphore(%arg19 : memref<!tpu.dma_semaphore, #tpu.memory_space<semaphore_mem>>) src(%arg9 : memref<896x16xf32, #tpu.memory_space<vmem>>) dst(%dma_wait3A_135 : memref<51200x16xf32, #tpu.memory_space<vmem_shared>>)
      %dma_wait3A_136 = arith.constant 6272 : i32
      %dma_wait3A_137 = tpu.memref_slice %arg8[%dma_wait3A_136] : memref<7168xi32, #tpu.memory_space<vmem>> -> memref<896xi32, #tpu.memory_space<vmem>>
      %dma_wait3A_138 = arith.constant 0 : i32
      %dma_wait3A_139 = arith.constant 0 : i32
      %dma_wait3A_140 = tpu.memref_slice %arg14[%dma_wait3A_138, %dma_wait3A_139] : memref<51200x16xf32, #tpu.memory_space<vmem_shared>> -> memref<51200x16xf32, #tpu.memory_space<vmem_shared>>
      tpu.wait_indirect_dma semaphore(%arg19 : memref<!tpu.dma_semaphore, #tpu.memory_space<semaphore_mem>>) src(%arg9 : memref<896x16xf32, #tpu.memory_space<vmem>>) dst(%dma_wait3A_140 : memref<51200x16xf32, #tpu.memory_space<vmem_shared>>)
    }
    %scan3A_52 = arith.constant 7 : i32
    %barrier3A_53 = arith.constant 0 : index
    tpu.barrier barrier_id(%barrier3A_53)
    "tpu.region"() ({
      %run_scoped3A = tpu.sem_alloc : memref<!tpu.dma_semaphore, #tpu.memory_space<semaphore_mem>>
      %dma_start3A = arith.constant 0 : i32
      %dma_start3A_54 = tpu.memref_slice %arg6[%mul3A_0, %dma_start3A] : memref<51200x16xf32, #tpu.memory_space<hbm>> -> memref<3200x16xf32, #tpu.memory_space<hbm>>
      %dma_start3A_55 = arith.constant 0 : i32
      %dma_start3A_56 = tpu.memref_slice %arg14[%mul3A_0, %dma_start3A_55] : memref<51200x16xf32, #tpu.memory_space<vmem_shared>> -> memref<3200x16xf32, #tpu.memory_space<vmem_shared>>
      tpu.enqueue_dma source(%dma_start3A_56 : memref<3200x16xf32, #tpu.memory_space<vmem_shared>>) target(%dma_start3A_54 : memref<3200x16xf32, #tpu.memory_space<hbm>>) target_semaphore(%run_scoped3A : memref<!tpu.dma_semaphore, #tpu.memory_space<semaphore_mem>>)
      %dma_wait3A = arith.constant 0 : i32
      %dma_wait3A_57 = tpu.memref_slice %arg6[%mul3A_0, %dma_wait3A] : memref<51200x16xf32, #tpu.memory_space<hbm>> -> memref<3200x16xf32, #tpu.memory_space<hbm>>
      %dma_wait3A_58 = arith.constant 0 : i32
      %dma_wait3A_59 = tpu.memref_slice %arg14[%mul3A_0, %dma_wait3A_58] : memref<51200x16xf32, #tpu.memory_space<vmem_shared>> -> memref<3200x16xf32, #tpu.memory_space<vmem_shared>>
      tpu.wait_dma2 semaphore(%run_scoped3A : memref<!tpu.dma_semaphore, #tpu.memory_space<semaphore_mem>>) src(%dma_wait3A_59 : memref<3200x16xf32, #tpu.memory_space<vmem_shared>>) dst(%dma_wait3A_57 : memref<3200x16xf32, #tpu.memory_space<hbm>>)
      tpu.yield
    }) : () -> ()
    return
  }
}

module attributes {stable_mosaic.version = 14 : i64} {
  func.func @_tca_body(%arg0: i32, %arg1: memref<1024x64xf32, #tpu.memory_space<vmem>>, %arg2: memref<1024x8xf32, #tpu.memory_space<vmem>>, %arg3: memref<64x64xf32, #tpu.memory_space<vmem>>, %arg4: memref<64xf32, #tpu.memory_space<vmem>>, %arg5: memref<64xf32, #tpu.memory_space<vmem>>, %arg6: memref<8x64xf32, #tpu.memory_space<vmem>>, %arg7: memref<1x64xf32, #tpu.memory_space<vmem>>, %arg8: memref<2x1024x128xf32, #tpu.memory_space<vmem>>) attributes {dimension_semantics = [#tpu.dimension_semantics<arbitrary>], iteration_bounds = array<i64: 52>, scalar_prefetch = 0 : i64, scratch_operands = 0 : i64, tpu.core_type = #tpu.core_type<tc>, window_params = [{transform_indices = @transform_0, window_bounds = array<i64: 1024, 64>}, {transform_indices = @transform_1, window_bounds = array<i64: 1024, 8>}, {pipeline_mode = #tpu.pipeline_mode<synchronous>, transform_indices = @transform_2, window_bounds = array<i64: 64, 64>}, {pipeline_mode = #tpu.pipeline_mode<synchronous>, transform_indices = @transform_3, window_bounds = array<i64: 64>}, {pipeline_mode = #tpu.pipeline_mode<synchronous>, transform_indices = @transform_4, window_bounds = array<i64: 64>}, {pipeline_mode = #tpu.pipeline_mode<synchronous>, transform_indices = @transform_5, window_bounds = array<i64: 8, 64>}, {pipeline_mode = #tpu.pipeline_mode<synchronous>, transform_indices = @transform_6, window_bounds = array<i64: 1, 64>}, {transform_indices = @transform_7, window_bounds = array<i64: 2, 1024, 128>}]} {
    %get3A = arith.constant 0 : index
    %get3A_0 = arith.constant 0 : index
    %get3A_1 = vector.load %arg1[%get3A, %get3A_0] : memref<1024x64xf32, #tpu.memory_space<vmem>>, vector<1024x64xf32>
    %get3A_2 = arith.constant 0 : index
    %get3A_3 = arith.constant 0 : index
    %get3A_4 = vector.load %arg3[%get3A_2, %get3A_3] : memref<64x64xf32, #tpu.memory_space<vmem>>, vector<64x64xf32>
    %dot_general3A = arith.constant dense<0.000000e+00> : vector<1024x64xf32>
    %dot_general3A_5 = tpu.matmul %get3A_1, %get3A_4, %dot_general3A {dimension_numbers = #tpu.dot_dimension_numbers<[1], [0], [0], [1], [0, 0, 1, 1], [], []>, transpose_lhs_hint = false} : vector<1024x64xf32>, vector<64x64xf32>, vector<1024x64xf32> -> vector<1024x64xf32>
    %reduce_sum3A = arith.constant dense<0.000000e+00> : vector<1024xf32>
    %reduce_sum3A_6 = vector.multi_reduction <add>, %dot_general3A_5, %reduce_sum3A [1] : vector<1024x64xf32> to vector<1024xf32>
    %broadcast_in_dim3A = vector.shape_cast %reduce_sum3A_6 : vector<1024xf32> to vector<1024x1xf32>
    %div3A = arith.constant 6.400000e+01 : f32
    %div3A_7 = vector.broadcast %div3A : f32 to vector<1024x1xf32>
    %div3A_8 = arith.divf %broadcast_in_dim3A, %div3A_7 : vector<1024x1xf32>
    %sub3A = vector.broadcast %div3A_8 : vector<1024x1xf32> to vector<1024x64xf32>
    %sub3A_9 = arith.subf %dot_general3A_5, %sub3A : vector<1024x64xf32>
    %integer_pow3A = arith.mulf %sub3A_9, %sub3A_9 : vector<1024x64xf32>
    %reduce_sum3A_10 = arith.constant dense<0.000000e+00> : vector<1024xf32>
    %reduce_sum3A_11 = vector.multi_reduction <add>, %integer_pow3A, %reduce_sum3A_10 [1] : vector<1024x64xf32> to vector<1024xf32>
    %broadcast_in_dim3A_12 = vector.shape_cast %reduce_sum3A_11 : vector<1024xf32> to vector<1024x1xf32>
    %div3A_13 = arith.constant 6.400000e+01 : f32
    %div3A_14 = vector.broadcast %div3A_13 : f32 to vector<1024x1xf32>
    %div3A_15 = arith.divf %broadcast_in_dim3A_12, %div3A_14 : vector<1024x1xf32>
    %sub3A_16 = vector.broadcast %div3A_8 : vector<1024x1xf32> to vector<1024x64xf32>
    %sub3A_17 = arith.subf %dot_general3A_5, %sub3A_16 : vector<1024x64xf32>
    %add3A = arith.constant 9.99999997E-7 : f32
    %add3A_18 = vector.broadcast %add3A : f32 to vector<1024x1xf32>
    %add3A_19 = arith.addf %div3A_15, %add3A_18 : vector<1024x1xf32>
    %sqrt3A = math.sqrt %add3A_19 : vector<1024x1xf32>
    %div3A_20 = vector.broadcast %sqrt3A : vector<1024x1xf32> to vector<1024x64xf32>
    %div3A_21 = arith.divf %sub3A_17, %div3A_20 : vector<1024x64xf32>
    %get3A_22 = arith.constant 0 : index
    %get3A_23 = vector.load %arg4[%get3A_22] : memref<64xf32, #tpu.memory_space<vmem>>, vector<64xf32>
    %broadcast_in_dim3A_24 = vector.shape_cast %get3A_23 : vector<64xf32> to vector<1x64xf32>
    %mul3A = vector.broadcast %broadcast_in_dim3A_24 : vector<1x64xf32> to vector<1024x64xf32>
    %mul3A_25 = arith.mulf %div3A_21, %mul3A : vector<1024x64xf32>
    %get3A_26 = arith.constant 0 : index
    %get3A_27 = vector.load %arg5[%get3A_26] : memref<64xf32, #tpu.memory_space<vmem>>, vector<64xf32>
    %broadcast_in_dim3A_28 = vector.shape_cast %get3A_27 : vector<64xf32> to vector<1x64xf32>
    %add3A_29 = vector.broadcast %broadcast_in_dim3A_28 : vector<1x64xf32> to vector<1024x64xf32>
    %add3A_30 = arith.addf %mul3A_25, %add3A_29 : vector<1024x64xf32>
    %get3A_31 = arith.constant 0 : index
    %get3A_32 = arith.constant 0 : index
    %get3A_33 = vector.load %arg2[%get3A_31, %get3A_32] : memref<1024x8xf32, #tpu.memory_space<vmem>>, vector<1024x8xf32>
    %get3A_34 = arith.constant 0 : index
    %get3A_35 = arith.constant 0 : index
    %get3A_36 = vector.load %arg6[%get3A_34, %get3A_35] : memref<8x64xf32, #tpu.memory_space<vmem>>, vector<8x64xf32>
    %dot_general3A_37 = arith.constant dense<0.000000e+00> : vector<1024x64xf32>
    %dot_general3A_38 = tpu.matmul %get3A_33, %get3A_36, %dot_general3A_37 {dimension_numbers = #tpu.dot_dimension_numbers<[1], [0], [0], [1], [0, 0, 1, 1], [], []>, transpose_lhs_hint = false} : vector<1024x8xf32>, vector<8x64xf32>, vector<1024x64xf32> -> vector<1024x64xf32>
    %get3A_39 = arith.constant 0 : index
    %get3A_40 = arith.constant 0 : index
    %get3A_41 = vector.load %arg7[%get3A_39, %get3A_40] : memref<1x64xf32, #tpu.memory_space<vmem>>, vector<1x64xf32>
    %mul3A_42 = vector.broadcast %get3A_41 : vector<1x64xf32> to vector<1024x64xf32>
    %mul3A_43 = arith.mulf %dot_general3A_38, %mul3A_42 : vector<1024x64xf32>
    %sin3A = math.sin %mul3A_43 : vector<1024x64xf32>
    %cos3A = math.cos %mul3A_43 : vector<1024x64xf32>
    %mul3A_44 = arith.mulf %add3A_30, %cos3A : vector<1024x64xf32>
    %mul3A_45 = arith.mulf %add3A_30, %sin3A : vector<1024x64xf32>
    %concatenate3A = tpu.concatenate %mul3A_44, %mul3A_45 in 1 : vector<1024x64xf32>, vector<1024x64xf32> -> vector<1024x128xf32>
    %swap3A = arith.constant 0 : index
    %swap3A_46 = arith.constant 0 : index
    %swap3A_47 = arith.constant 0 : index
    %swap3A_48 = vector.load %arg8[%swap3A, %swap3A_46, %swap3A_47] : memref<2x1024x128xf32, #tpu.memory_space<vmem>>, vector<1x1024x128xf32>
    %swap3A_49 = vector.shape_cast %swap3A_48 : vector<1x1024x128xf32> to vector<1024x128xf32>
    %swap3A_50 = vector.shape_cast %concatenate3A : vector<1024x128xf32> to vector<1x1024x128xf32>
    tpu.vector_store %arg8[%swap3A, %swap3A_46, %swap3A_47], %swap3A_50 {strides = array<i32>} : memref<2x1024x128xf32, #tpu.memory_space<vmem>>, vector<1x1024x128xf32>,
    %mul3A_51 = arith.mulf %add3A_30, %mul3A_43 : vector<1024x64xf32>
    %broadcast_in_dim3A_52 = arith.constant 1.000000e+00 : f32
    %broadcast_in_dim3A_53 = vector.broadcast %broadcast_in_dim3A_52 : f32 to vector<1024x1xf32>
    %broadcast_in_dim3A_54 = arith.constant 0.000000e+00 : f32
    %broadcast_in_dim3A_55 = vector.broadcast %broadcast_in_dim3A_54 : f32 to vector<1024x63xf32>
    %concatenate3A_56 = tpu.concatenate %mul3A_51, %broadcast_in_dim3A_53, %broadcast_in_dim3A_55 in 1 : vector<1024x64xf32>, vector<1024x1xf32>, vector<1024x63xf32> -> vector<1024x128xf32>
    %swap3A_57 = arith.constant 1 : index
    %swap3A_58 = arith.constant 0 : index
    %swap3A_59 = arith.constant 0 : index
    %swap3A_60 = vector.load %arg8[%swap3A_57, %swap3A_58, %swap3A_59] : memref<2x1024x128xf32, #tpu.memory_space<vmem>>, vector<1x1024x128xf32>
    %swap3A_61 = vector.shape_cast %swap3A_60 : vector<1x1024x128xf32> to vector<1024x128xf32>
    %swap3A_62 = vector.shape_cast %concatenate3A_56 : vector<1024x128xf32> to vector<1x1024x128xf32>
    tpu.vector_store %arg8[%swap3A_57, %swap3A_58, %swap3A_59], %swap3A_62 {strides = array<i32>} : memref<2x1024x128xf32, #tpu.memory_space<vmem>>, vector<1x1024x128xf32>,
    return
  }
  func.func @transform_0(%arg0: i32) -> (i32, i32) {
    %c0_i32 = arith.constant 0 : i32
    %c0_i32_0 = arith.constant 0 : i32
    return %arg0, %c0_i32 : i32, i32
  }
  func.func @transform_1(%arg0: i32) -> (i32, i32) {
    %c0_i32 = arith.constant 0 : i32
    %c0_i32_0 = arith.constant 0 : i32
    return %arg0, %c0_i32 : i32, i32
  }
  func.func @transform_2(%arg0: i32) -> (i32, i32) {
    %c0_i32 = arith.constant 0 : i32
    %c0_i32_0 = arith.constant 0 : i32
    %c0_i32_1 = arith.constant 0 : i32
    return %c0_i32, %c0_i32_0 : i32, i32
  }
  func.func @transform_3(%arg0: i32) -> i32 {
    %c0_i32 = arith.constant 0 : i32
    %c0_i32_0 = arith.constant 0 : i32
    return %c0_i32 : i32
  }
  func.func @transform_4(%arg0: i32) -> i32 {
    %c0_i32 = arith.constant 0 : i32
    %c0_i32_0 = arith.constant 0 : i32
    return %c0_i32 : i32
  }
  func.func @transform_5(%arg0: i32) -> (i32, i32) {
    %c0_i32 = arith.constant 0 : i32
    %c0_i32_0 = arith.constant 0 : i32
    %c0_i32_1 = arith.constant 0 : i32
    return %c0_i32, %c0_i32_0 : i32, i32
  }
  func.func @transform_6(%arg0: i32) -> (i32, i32) {
    %c0_i32 = arith.constant 0 : i32
    %c0_i32_0 = arith.constant 0 : i32
    %c0_i32_1 = arith.constant 0 : i32
    return %c0_i32, %c0_i32_0 : i32, i32
  }
  func.func @transform_7(%arg0: i32) -> (i32, i32, i32) {
    %c0_i32 = arith.constant 0 : i32
    %c0_i32_0 = arith.constant 0 : i32
    %c0_i32_1 = arith.constant 0 : i32
    return %c0_i32, %arg0, %c0_i32_0 : i32, i32, i32
  }
}

module attributes {stable_mosaic.version = 14 : i64} {
  func.func @_tcd_body(%arg0: i32, %arg1: memref<2x2000x128xf32, #tpu.memory_space<vmem>>, %arg2: memref<2000x8xf32, #tpu.memory_space<vmem>>, %arg3: memref<8x64xf32, #tpu.memory_space<vmem>>, %arg4: memref<1x64xf32, #tpu.memory_space<vmem>>, %arg5: memref<1x2000x128xf32, #tpu.memory_space<vmem>>, %arg6: memref<4x2000x16xf32, #tpu.memory_space<vmem>>, %arg7: memref<2000x16xf32, #tpu.memory_space<vmem>>, %arg8: memref<64x64xf32, #tpu.memory_space<vmem>>, %arg9: memref<64xf32, #tpu.memory_space<vmem>>, %arg10: memref<64xf32, #tpu.memory_space<vmem>>, %arg11: memref<64xf32, #tpu.memory_space<vmem>>, %arg12: memref<64xf32, #tpu.memory_space<vmem>>, %arg13: memref<2000x64xf32, #tpu.memory_space<vmem>>) attributes {dimension_semantics = [#tpu.dimension_semantics<arbitrary>], iteration_bounds = array<i64: 25>, scalar_prefetch = 0 : i64, scratch_operands = 0 : i64, tpu.core_type = #tpu.core_type<tc>, window_params = [{transform_indices = @transform_0, window_bounds = array<i64: 2, 2000, 128>}, {transform_indices = @transform_1, window_bounds = array<i64: 2000, 8>}, {pipeline_mode = #tpu.pipeline_mode<synchronous>, transform_indices = @transform_2, window_bounds = array<i64: 8, 64>}, {pipeline_mode = #tpu.pipeline_mode<synchronous>, transform_indices = @transform_3, window_bounds = array<i64: 1, 64>}, {transform_indices = @transform_4, window_bounds = array<i64: 1, 2000, 128>}, {transform_indices = @transform_5, window_bounds = array<i64: 4, 2000, 16>}, {transform_indices = @transform_6, window_bounds = array<i64: 2000, 16>}, {pipeline_mode = #tpu.pipeline_mode<synchronous>, transform_indices = @transform_7, window_bounds = array<i64: 64, 64>}, {pipeline_mode = #tpu.pipeline_mode<synchronous>, transform_indices = @transform_8, window_bounds = array<i64: 64>}, {pipeline_mode = #tpu.pipeline_mode<synchronous>, transform_indices = @transform_9, window_bounds = array<i64: 64>}, {pipeline_mode = #tpu.pipeline_mode<synchronous>, transform_indices = @transform_10, window_bounds = array<i64: 64>}, {pipeline_mode = #tpu.pipeline_mode<synchronous>, transform_indices = @transform_11, window_bounds = array<i64: 64>}, {transform_indices = @transform_12, window_bounds = array<i64: 2000, 64>}]} {
    %get3A = arith.constant 0 : index
    %get3A_0 = arith.constant 0 : index
    %get3A_1 = vector.load %arg2[%get3A, %get3A_0] : memref<2000x8xf32, #tpu.memory_space<vmem>>, vector<2000x8xf32>
    %get3A_2 = arith.constant 0 : index
    %get3A_3 = arith.constant 0 : index
    %get3A_4 = vector.load %arg3[%get3A_2, %get3A_3] : memref<8x64xf32, #tpu.memory_space<vmem>>, vector<8x64xf32>
    %dot_general3A = arith.constant dense<0.000000e+00> : vector<2000x64xf32>
    %dot_general3A_5 = tpu.matmul %get3A_1, %get3A_4, %dot_general3A {dimension_numbers = #tpu.dot_dimension_numbers<[1], [0], [0], [1], [0, 0, 1, 1], [], []>, transpose_lhs_hint = false} : vector<2000x8xf32>, vector<8x64xf32>, vector<2000x64xf32> -> vector<2000x64xf32>
    %get3A_6 = arith.constant 0 : index
    %get3A_7 = arith.constant 0 : index
    %get3A_8 = vector.load %arg4[%get3A_6, %get3A_7] : memref<1x64xf32, #tpu.memory_space<vmem>>, vector<1x64xf32>
    %mul3A = vector.broadcast %get3A_8 : vector<1x64xf32> to vector<2000x64xf32>
    %mul3A_9 = arith.mulf %dot_general3A_5, %mul3A : vector<2000x64xf32>
    %get3A_10 = arith.constant 0 : index
    %get3A_11 = arith.constant 0 : index
    %get3A_12 = arith.constant 0 : index
    %get3A_13 = vector.load %arg5[%get3A_10, %get3A_11, %get3A_12] : memref<1x2000x128xf32, #tpu.memory_space<vmem>>, vector<1x2000x128xf32>
    %get3A_14 = vector.shape_cast %get3A_13 : vector<1x2000x128xf32> to vector<2000x128xf32>
    %slice3A = vector.extract_strided_slice %get3A_14 {offsets = [0, 0], sizes = [2000, 64], strides = [1, 1]} : vector<2000x128xf32> to vector<2000x64xf32>
    %get3A_15 = arith.constant 0 : index
    %get3A_16 = arith.constant 0 : index
    %get3A_17 = arith.constant 0 : index
    %get3A_18 = vector.load %arg1[%get3A_15, %get3A_16, %get3A_17] : memref<2x2000x128xf32, #tpu.memory_space<vmem>>, vector<1x2000x128xf32>
    %get3A_19 = vector.shape_cast %get3A_18 : vector<1x2000x128xf32> to vector<2000x128xf32>
    %get3A_20 = arith.constant 1 : index
    %get3A_21 = arith.constant 0 : index
    %get3A_22 = arith.constant 0 : index
    %get3A_23 = vector.load %arg1[%get3A_20, %get3A_21, %get3A_22] : memref<2x2000x128xf32, #tpu.memory_space<vmem>>, vector<1x2000x128xf32>
    %get3A_24 = vector.shape_cast %get3A_23 : vector<1x2000x128xf32> to vector<2000x128xf32>
    %slice3A_25 = vector.extract_strided_slice %get3A_24 {offsets = [0, 64], sizes = [2000, 1], strides = [1, 1]} : vector<2000x128xf32> to vector<2000x1xf32>
    %max3A = arith.constant 1.000000e+00 : f32
    %max3A_26 = vector.broadcast %max3A : f32 to vector<2000x1xf32>
    %max3A_27 = arith.maximumf %slice3A_25, %max3A_26 : vector<2000x1xf32>
    %div3A = arith.constant 1.000000e+00 : f32
    %div3A_28 = vector.broadcast %div3A : f32 to vector<2000x1xf32>
    %div3A_29 = arith.divf %div3A_28, %max3A_27 : vector<2000x1xf32>
    %slice3A_30 = vector.extract_strided_slice %get3A_19 {offsets = [0, 0], sizes = [2000, 64], strides = [1, 1]} : vector<2000x128xf32> to vector<2000x64xf32>
    %mul3A_31 = vector.broadcast %div3A_29 : vector<2000x1xf32> to vector<2000x64xf32>
    %mul3A_32 = arith.mulf %slice3A_30, %mul3A_31 : vector<2000x64xf32>
    %slice3A_33 = vector.extract_strided_slice %get3A_19 {offsets = [0, 64], sizes = [2000, 64], strides = [1, 1]} : vector<2000x128xf32> to vector<2000x64xf32>
    %mul3A_34 = vector.broadcast %div3A_29 : vector<2000x1xf32> to vector<2000x64xf32>
    %mul3A_35 = arith.mulf %slice3A_33, %mul3A_34 : vector<2000x64xf32>
    %slice3A_36 = vector.extract_strided_slice %get3A_24 {offsets = [0, 0], sizes = [2000, 64], strides = [1, 1]} : vector<2000x128xf32> to vector<2000x64xf32>
    %mul3A_37 = vector.broadcast %div3A_29 : vector<2000x1xf32> to vector<2000x64xf32>
    %mul3A_38 = arith.mulf %slice3A_36, %mul3A_37 : vector<2000x64xf32>
    %cos3A = math.cos %mul3A_9 : vector<2000x64xf32>
    %mul3A_39 = arith.mulf %mul3A_32, %cos3A : vector<2000x64xf32>
    %sin3A = math.sin %mul3A_9 : vector<2000x64xf32>
    %mul3A_40 = arith.mulf %mul3A_35, %sin3A : vector<2000x64xf32>
    %add3A = arith.addf %mul3A_39, %mul3A_40 : vector<2000x64xf32>
    %sub3A = arith.subf %mul3A_38, %slice3A : vector<2000x64xf32>
    %add3A_41 = arith.addf %add3A, %sub3A : vector<2000x64xf32>
    %get3A_42 = arith.constant 0 : index
    %get3A_43 = arith.constant 0 : index
    %get3A_44 = arith.constant 0 : index
    %get3A_45 = vector.load %arg6[%get3A_42, %get3A_43, %get3A_44] : memref<4x2000x16xf32, #tpu.memory_space<vmem>>, vector<4x2000x16xf32>
    %slice3A_46 = vector.extract_strided_slice %get3A_45 {offsets = [0, 0, 0], sizes = [1, 2000, 16], strides = [1, 1, 1]} : vector<4x2000x16xf32> to vector<1x2000x16xf32>
    %squeeze3A = vector.shape_cast %slice3A_46 : vector<1x2000x16xf32> to vector<2000x16xf32>
    %slice3A_47 = vector.extract_strided_slice %get3A_45 {offsets = [1, 0, 0], sizes = [1, 2000, 16], strides = [1, 1, 1]} : vector<4x2000x16xf32> to vector<1x2000x16xf32>
    %squeeze3A_48 = vector.shape_cast %slice3A_47 : vector<1x2000x16xf32> to vector<2000x16xf32>
    %slice3A_49 = vector.extract_strided_slice %get3A_45 {offsets = [2, 0, 0], sizes = [1, 2000, 16], strides = [1, 1, 1]} : vector<4x2000x16xf32> to vector<1x2000x16xf32>
    %squeeze3A_50 = vector.shape_cast %slice3A_49 : vector<1x2000x16xf32> to vector<2000x16xf32>
    %slice3A_51 = vector.extract_strided_slice %get3A_45 {offsets = [3, 0, 0], sizes = [1, 2000, 16], strides = [1, 1, 1]} : vector<4x2000x16xf32> to vector<1x2000x16xf32>
    %squeeze3A_52 = vector.shape_cast %slice3A_51 : vector<1x2000x16xf32> to vector<2000x16xf32>
    %concatenate3A = tpu.concatenate %squeeze3A, %squeeze3A_48, %squeeze3A_50, %squeeze3A_52 in 1 : vector<2000x16xf32>, vector<2000x16xf32>, vector<2000x16xf32>, vector<2000x16xf32> -> vector<2000x64xf32>
    %get3A_53 = arith.constant 0 : index
    %get3A_54 = arith.constant 0 : index
    %get3A_55 = vector.load %arg7[%get3A_53, %get3A_54] : memref<2000x16xf32, #tpu.memory_space<vmem>>, vector<2000x16xf32>
    %slice3A_56 = vector.extract_strided_slice %get3A_55 {offsets = [0, 0], sizes = [2000, 1], strides = [1, 1]} : vector<2000x16xf32> to vector<2000x1xf32>
    %max3A_57 = arith.constant 1.000000e+00 : f32
    %max3A_58 = vector.broadcast %max3A_57 : f32 to vector<2000x1xf32>
    %max3A_59 = arith.maximumf %slice3A_56, %max3A_58 : vector<2000x1xf32>
    %div3A_60 = vector.broadcast %max3A_59 : vector<2000x1xf32> to vector<2000x64xf32>
    %div3A_61 = arith.divf %concatenate3A, %div3A_60 : vector<2000x64xf32>
    %get3A_62 = arith.constant 0 : index
    %get3A_63 = arith.constant 0 : index
    %get3A_64 = vector.load %arg8[%get3A_62, %get3A_63] : memref<64x64xf32, #tpu.memory_space<vmem>>, vector<64x64xf32>
    %dot_general3A_65 = arith.constant dense<0.000000e+00> : vector<2000x64xf32>
    %dot_general3A_66 = tpu.matmul %div3A_61, %get3A_64, %dot_general3A_65 {dimension_numbers = #tpu.dot_dimension_numbers<[1], [0], [0], [1], [0, 0, 1, 1], [], []>, transpose_lhs_hint = false} : vector<2000x64xf32>, vector<64x64xf32>, vector<2000x64xf32> -> vector<2000x64xf32>
    %get3A_67 = arith.constant 0 : index
    %get3A_68 = vector.load %arg9[%get3A_67] : memref<64xf32, #tpu.memory_space<vmem>>, vector<64xf32>
    %get3A_69 = arith.constant 0 : index
    %get3A_70 = vector.load %arg10[%get3A_69] : memref<64xf32, #tpu.memory_space<vmem>>, vector<64xf32>
    %reduce_sum3A = arith.constant dense<0.000000e+00> : vector<2000xf32>
    %reduce_sum3A_71 = vector.multi_reduction <add>, %add3A_41, %reduce_sum3A [1] : vector<2000x64xf32> to vector<2000xf32>
    %broadcast_in_dim3A = vector.shape_cast %reduce_sum3A_71 : vector<2000xf32> to vector<2000x1xf32>
    %div3A_72 = arith.constant 6.400000e+01 : f32
    %div3A_73 = vector.broadcast %div3A_72 : f32 to vector<2000x1xf32>
    %div3A_74 = arith.divf %broadcast_in_dim3A, %div3A_73 : vector<2000x1xf32>
    %sub3A_75 = vector.broadcast %div3A_74 : vector<2000x1xf32> to vector<2000x64xf32>
    %sub3A_76 = arith.subf %add3A_41, %sub3A_75 : vector<2000x64xf32>
    %integer_pow3A = arith.mulf %sub3A_76, %sub3A_76 : vector<2000x64xf32>
    %reduce_sum3A_77 = arith.constant dense<0.000000e+00> : vector<2000xf32>
    %reduce_sum3A_78 = vector.multi_reduction <add>, %integer_pow3A, %reduce_sum3A_77 [1] : vector<2000x64xf32> to vector<2000xf32>
    %broadcast_in_dim3A_79 = vector.shape_cast %reduce_sum3A_78 : vector<2000xf32> to vector<2000x1xf32>
    %div3A_80 = arith.constant 6.400000e+01 : f32
    %div3A_81 = vector.broadcast %div3A_80 : f32 to vector<2000x1xf32>
    %div3A_82 = arith.divf %broadcast_in_dim3A_79, %div3A_81 : vector<2000x1xf32>
    %sub3A_83 = vector.broadcast %div3A_74 : vector<2000x1xf32> to vector<2000x64xf32>
    %sub3A_84 = arith.subf %add3A_41, %sub3A_83 : vector<2000x64xf32>
    %add3A_85 = arith.constant 9.99999997E-7 : f32
    %add3A_86 = vector.broadcast %add3A_85 : f32 to vector<2000x1xf32>
    %add3A_87 = arith.addf %div3A_82, %add3A_86 : vector<2000x1xf32>
    %sqrt3A = math.sqrt %add3A_87 : vector<2000x1xf32>
    %div3A_88 = vector.broadcast %sqrt3A : vector<2000x1xf32> to vector<2000x64xf32>
    %div3A_89 = arith.divf %sub3A_84, %div3A_88 : vector<2000x64xf32>
    %broadcast_in_dim3A_90 = vector.shape_cast %get3A_68 : vector<64xf32> to vector<1x64xf32>
    %mul3A_91 = vector.broadcast %broadcast_in_dim3A_90 : vector<1x64xf32> to vector<2000x64xf32>
    %mul3A_92 = arith.mulf %div3A_89, %mul3A_91 : vector<2000x64xf32>
    %broadcast_in_dim3A_93 = vector.shape_cast %get3A_70 : vector<64xf32> to vector<1x64xf32>
    %add3A_94 = vector.broadcast %broadcast_in_dim3A_93 : vector<1x64xf32> to vector<2000x64xf32>
    %add3A_95 = arith.addf %mul3A_92, %add3A_94 : vector<2000x64xf32>
    %get3A_96 = arith.constant 0 : index
    %get3A_97 = vector.load %arg11[%get3A_96] : memref<64xf32, #tpu.memory_space<vmem>>, vector<64xf32>
    %get3A_98 = arith.constant 0 : index
    %get3A_99 = vector.load %arg12[%get3A_98] : memref<64xf32, #tpu.memory_space<vmem>>, vector<64xf32>
    %reduce_sum3A_100 = arith.constant dense<0.000000e+00> : vector<2000xf32>
    %reduce_sum3A_101 = vector.multi_reduction <add>, %dot_general3A_66, %reduce_sum3A_100 [1] : vector<2000x64xf32> to vector<2000xf32>
    %broadcast_in_dim3A_102 = vector.shape_cast %reduce_sum3A_101 : vector<2000xf32> to vector<2000x1xf32>
    %div3A_103 = arith.constant 6.400000e+01 : f32
    %div3A_104 = vector.broadcast %div3A_103 : f32 to vector<2000x1xf32>
    %div3A_105 = arith.divf %broadcast_in_dim3A_102, %div3A_104 : vector<2000x1xf32>
    %sub3A_106 = vector.broadcast %div3A_105 : vector<2000x1xf32> to vector<2000x64xf32>
    %sub3A_107 = arith.subf %dot_general3A_66, %sub3A_106 : vector<2000x64xf32>
    %integer_pow3A_108 = arith.mulf %sub3A_107, %sub3A_107 : vector<2000x64xf32>
    %reduce_sum3A_109 = arith.constant dense<0.000000e+00> : vector<2000xf32>
    %reduce_sum3A_110 = vector.multi_reduction <add>, %integer_pow3A_108, %reduce_sum3A_109 [1] : vector<2000x64xf32> to vector<2000xf32>
    %broadcast_in_dim3A_111 = vector.shape_cast %reduce_sum3A_110 : vector<2000xf32> to vector<2000x1xf32>
    %div3A_112 = arith.constant 6.400000e+01 : f32
    %div3A_113 = vector.broadcast %div3A_112 : f32 to vector<2000x1xf32>
    %div3A_114 = arith.divf %broadcast_in_dim3A_111, %div3A_113 : vector<2000x1xf32>
    %sub3A_115 = vector.broadcast %div3A_105 : vector<2000x1xf32> to vector<2000x64xf32>
    %sub3A_116 = arith.subf %dot_general3A_66, %sub3A_115 : vector<2000x64xf32>
    %add3A_117 = arith.constant 9.99999997E-7 : f32
    %add3A_118 = vector.broadcast %add3A_117 : f32 to vector<2000x1xf32>
    %add3A_119 = arith.addf %div3A_114, %add3A_118 : vector<2000x1xf32>
    %sqrt3A_120 = math.sqrt %add3A_119 : vector<2000x1xf32>
    %div3A_121 = vector.broadcast %sqrt3A_120 : vector<2000x1xf32> to vector<2000x64xf32>
    %div3A_122 = arith.divf %sub3A_116, %div3A_121 : vector<2000x64xf32>
    %broadcast_in_dim3A_123 = vector.shape_cast %get3A_97 : vector<64xf32> to vector<1x64xf32>
    %mul3A_124 = vector.broadcast %broadcast_in_dim3A_123 : vector<1x64xf32> to vector<2000x64xf32>
    %mul3A_125 = arith.mulf %div3A_122, %mul3A_124 : vector<2000x64xf32>
    %broadcast_in_dim3A_126 = vector.shape_cast %get3A_99 : vector<64xf32> to vector<1x64xf32>
    %add3A_127 = vector.broadcast %broadcast_in_dim3A_126 : vector<1x64xf32> to vector<2000x64xf32>
    %add3A_128 = arith.addf %mul3A_125, %add3A_127 : vector<2000x64xf32>
    %add3A_129 = arith.addf %add3A_95, %add3A_128 : vector<2000x64xf32>
    %max3A_130 = arith.constant 0.000000e+00 : f32
    %max3A_131 = vector.broadcast %max3A_130 : f32 to vector<2000x64xf32>
    %max3A_132 = arith.maximumf %add3A_129, %max3A_131 : vector<2000x64xf32>
    %swap3A = arith.constant 0 : index
    %swap3A_133 = arith.constant 0 : index
    %swap3A_134 = vector.load %arg13[%swap3A, %swap3A_133] : memref<2000x64xf32, #tpu.memory_space<vmem>>, vector<2000x64xf32>
    tpu.vector_store %arg13[%swap3A, %swap3A_133], %max3A_132 {strides = array<i32>} : memref<2000x64xf32, #tpu.memory_space<vmem>>, vector<2000x64xf32>,
    return
  }
  func.func @transform_0(%arg0: i32) -> (i32, i32, i32) {
    %c0_i32 = arith.constant 0 : i32
    %c0_i32_0 = arith.constant 0 : i32
    %c0_i32_1 = arith.constant 0 : i32
    return %c0_i32, %arg0, %c0_i32_0 : i32, i32, i32
  }
  func.func @transform_1(%arg0: i32) -> (i32, i32) {
    %c0_i32 = arith.constant 0 : i32
    %c0_i32_0 = arith.constant 0 : i32
    return %arg0, %c0_i32 : i32, i32
  }
  func.func @transform_2(%arg0: i32) -> (i32, i32) {
    %c0_i32 = arith.constant 0 : i32
    %c0_i32_0 = arith.constant 0 : i32
    %c0_i32_1 = arith.constant 0 : i32
    return %c0_i32, %c0_i32_0 : i32, i32
  }
  func.func @transform_3(%arg0: i32) -> (i32, i32) {
    %c0_i32 = arith.constant 0 : i32
    %c0_i32_0 = arith.constant 0 : i32
    %c0_i32_1 = arith.constant 0 : i32
    return %c0_i32, %c0_i32_0 : i32, i32
  }
  func.func @transform_4(%arg0: i32) -> (i32, i32, i32) {
    %c1_i32 = arith.constant 1 : i32
    %c0_i32 = arith.constant 0 : i32
    %c0_i32_0 = arith.constant 0 : i32
    return %c1_i32, %arg0, %c0_i32 : i32, i32, i32
  }
  func.func @transform_5(%arg0: i32) -> (i32, i32, i32) {
    %c0_i32 = arith.constant 0 : i32
    %c0_i32_0 = arith.constant 0 : i32
    %c0_i32_1 = arith.constant 0 : i32
    return %c0_i32, %arg0, %c0_i32_0 : i32, i32, i32
  }
  func.func @transform_6(%arg0: i32) -> (i32, i32) {
    %c0_i32 = arith.constant 0 : i32
    %c0_i32_0 = arith.constant 0 : i32
    return %arg0, %c0_i32 : i32, i32
  }
  func.func @transform_7(%arg0: i32) -> (i32, i32) {
    %c0_i32 = arith.constant 0 : i32
    %c0_i32_0 = arith.constant 0 : i32
    %c0_i32_1 = arith.constant 0 : i32
    return %c0_i32, %c0_i32_0 : i32, i32
  }
  func.func @transform_8(%arg0: i32) -> i32 {
    %c0_i32 = arith.constant 0 : i32
    %c0_i32_0 = arith.constant 0 : i32
    return %c0_i32 : i32
  }
  func.func @transform_9(%arg0: i32) -> i32 {
    %c0_i32 = arith.constant 0 : i32
    %c0_i32_0 = arith.constant 0 : i32
    return %c0_i32 : i32
  }
  func.func @transform_10(%arg0: i32) -> i32 {
    %c0_i32 = arith.constant 0 : i32
    %c0_i32_0 = arith.constant 0 : i32
    return %c0_i32 : i32
  }
  func.func @transform_11(%arg0: i32) -> i32 {
    %c0_i32 = arith.constant 0 : i32
    %c0_i32_0 = arith.constant 0 : i32
    return %c0_i32 : i32
  }
  func.func @transform_12(%arg0: i32) -> (i32, i32) {
    %c0_i32 = arith.constant 0 : i32
    %c0_i32_0 = arith.constant 0 : i32
    return %arg0, %c0_i32 : i32, i32
  }
}

</mosaic_0001>

<sc_bundles>
// kernel: kernel.6.cloned.1.call-start
scs
__scs_entry_jumppad:
0x0: {  	(pc) =	sbr.rel $0x88, $3  }
0x1: {  	(tag) =	ssettag $0x0;
	lr =	simm.s32 $0x1  }
0x2: {  	[smem:$0x3F93] =	sst lr;
	_ =	strace $0xD0000000  }
0x3: {  	_ = 	snop  }
0x4: {  	_ = 	snop  }
0x5: {  	_ = 	snop  }
0x6: {  	_ = 	snop  }
0x7: {  	_ = 	snop  }
__scs_overlays_trampoline_lowered:
0x8: {  	[smem:$0x3FA2] =	sst s0  }
0x9: {  	[smem:$0x3FA3] =	sst s1  }
0xa: {  	[smem:$0x3FA4] =	sst s2  }
0xb: {  	[smem:$0x3FA5] =	sst s3  }
0xc: {  	[smem:$0x3FA6] =	sst s4  }
0xd: {  	[smem:$0x3FA7] =	sst s5  }
0xe: {  	[smem:$0x3FA8] =	sst s6  }
0xf: {  	[smem:$0x3FA9] =	sst s7  }
0x10: {  	[smem:$0x3FAA] =	sst s8  }
0x11: {  	[smem:$0x3FAB] =	sst s9;
	s0 =	simm.s32 @!p0 $0x0  }
0x12: {  	s1 =	sld [smem:$0x3F91];
	s0 =	simm.s32 @p0 $0x1  }
0x13: {  	[smem:$0x3FAC] =	sst s0;
	s0 =	simm.s32 @!p1 $0x0  }
0x14: {  	s2 =	sld [smem:$0x3F90];
	s0 =	simm.s32 @p1 $0x1  }
0x15: {  	[smem:$0x3FAD] =	sst s0;
	s0 =	simm.s32 @!p2 $0x0  }
0x16: {  	s3 =	sld [smem:$0x3FDB];
	s0 =	simm.s32 @p2 $0x1  }
0x17: {  	s4 =	simm.s32 $0x1BF5;
	[smem:$0x3FAF] =	sst s0  }
0x18: {  	s0 =	sld [smem:$0x3F92];
	_ =	swait.ge [sflag:s4], $0x0  }
0x19: {  	s7 =	sld [smem:$0x3F93]  }
0x1a: {  	s8 =	sadd.s32 $0xFFFFE003, lr  }
0x1b: {  	s9 =	sadd.s32 $0xFFFFFEF7, lr;
	s5 =	simm.s32 $0xFFFFFFFF;
	p2 =	slt.u32 s8, $0xFFFFF086  }
0x1c: {  	p1 =	slt.u32 s9, $0xF7A;
	s5 =	simm.s32 @!p2 $0x0  }
0x1d: {  	s5 =	simm.s32 @p1 $0x1;
	p0 =	seq.s32 s7, s2  }
0x1e: {  	s7 =	smul.u32 @!p0 $0xF7A, s2;
	p2 =	seq.s32 @!p0 s5, $0x0  }
0x1f: {  	s9 =	smul.u32 $0xF7A, s1;
	s8 =	simm.s32 @!p0 $0x1BF5;
	p2 =	por !p2, p0  }
0x20: {  	[sflag:s8] =	ssyncset.s32 @!p0 $0xFFFFF086;
	s6 =	sadd.s32 @!p0 s3, s7;
	s7 =	simm.s32 @!p0 $0x108  }
0x21: {  	s3 =	sadd.s32 s3, s9;
	s6 =	sadd.s32 @!p0 $0x88, s6;
	s7 =	simm.s32 @p2 $0x1082  }
0x22: {  	[simem:s7], [sflag:s8] =	dma.local @!p0 [hbm:s6], $0xF7A  }
0x23: {  	s9 =	sor.u32 $0xD0000000, s2;
	s6 =	simm.s32 $0x108;
	_ =	swait.ge @!p0 [sflag:s8], $0x0  }
0x24: {  	s3 =	sadd.s32 $0x88, s3;
	s6 =	simm.s32 @!p1 $0x1082;
	[sflag:s4] =	ssyncset.s32 $0xFFFFF086  }
0x25: {  	[simem:s6], [sflag:s4] =	dma.local [hbm:s3], $0xF7A  }
0x26: {  	[smem:$0x3F93] =	sst s1;
	(tag) =	ssettag s2;
	_ =	strace s9  }
0x27: {  	s1 =	sld [smem:$0x3FA3]  }
0x28: {  	s2 =	sld [smem:$0x3FA4]  }
0x29: {  	s4 =	sld [smem:$0x3FA6]  }
0x2a: {  	p0 =	seq.s32 s5, $0x0;
	s5 =	sld [smem:$0x3FA7]  }
0x2b: {  	s6 =	sld [smem:$0x3FA8]  }
0x2c: {  	s7 =	sld [smem:$0x3FA9]  }
0x2d: {  	s3 =	simm.s32 $0x108;
	s8 =	sld [smem:$0x3FAA]  }
0x2e: {  	s3 =	simm.s32 @!p0 $0x1082;
	s9 =	sld [smem:$0x3FAB]  }
0x2f: {  	lr =	sadd.s32 s0, s3;
	s0 =	sld [smem:$0x3FA2]  }
0x30: {  	s3 =	sld [smem:$0x3FA5]  }
0x31: {  	[smem:$0x3FAE] =	sst s10  }
0x32: {  	s10 =	sld [smem:$0x3FAC];
	_ =	sdelay $0x3  }
0x33: {  	p0 =	seq.s32 s10, $0x1;
	s10 =	sld [smem:$0x3FAE];
	_ =	sdelay $0x3  }
0x34: {  	[smem:$0x3FAE] =	sst s10  }
0x35: {  	s10 =	sld [smem:$0x3FAD];
	_ =	sdelay $0x3  }
0x36: {  	p1 =	seq.s32 s10, $0x1;
	s10 =	sld [smem:$0x3FAE];
	_ =	sdelay $0x3  }
0x37: {  	[smem:$0x3FAE] =	sst s10  }
0x38: {  	s10 =	sld [smem:$0x3FAF]  }
0x39: {  	_ = 	snop;
	(pc) =	sbr.ind lr, $3  }
0x3a: {  	_ = 	snop  }
0x3b: {  	_ = 	snop  }
0x3c: {  	p2 =	seq.s32 s10, $0x1;
	s10 =	sld [smem:$0x3FAE]  }
0x3d: {  	_ =	shalt  }
0x3e: {  	_ =	shalt  }
0x3f: {  	_ =	shalt  }
0x40: {  	_ =	shalt  }
0x41: {  	_ =	shalt  }
0x42: {  	_ =	shalt  }
0x43: {  	_ =	shalt  }
0x44: {  	_ =	shalt  }
0x45: {  	_ =	shalt  }
0x46: {  	_ =	shalt  }
0x47: {  	_ =	shalt  }
0x48: {  	_ =	shalt  }
0x49: {  	_ =	shalt  }
0x4a: {  	_ =	shalt  }
0x4b: {  	_ =	shalt  }
0x4c: {  	_ =	shalt  }
0x4d: {  	_ =	shalt  }
0x4e: {  	_ =	shalt  }
0x4f: {  	_ =	shalt  }
0x50: {  	_ =	shalt  }
0x51: {  	_ =	shalt  }
0x52: {  	_ =	shalt  }
0x53: {  	_ =	shalt  }
0x54: {  	_ =	shalt  }
0x55: {  	_ =	shalt  }
0x56: {  	_ =	shalt  }
0x57: {  	_ =	shalt  }
0x58: {  	_ =	shalt  }
0x59: {  	_ =	shalt  }
0x5a: {  	_ =	shalt  }
0x5b: {  	_ =	shalt  }
0x5c: {  	_ =	shalt  }
0x5d: {  	_ =	shalt  }
0x5e: {  	_ =	shalt  }
0x5f: {  	_ =	shalt  }
0x60: {  	_ =	shalt  }
0x61: {  	_ =	shalt  }
0x62: {  	_ =	shalt  }
0x63: {  	_ =	shalt  }
0x64: {  	_ =	shalt  }
0x65: {  	_ =	shalt  }
0x66: {  	_ =	shalt  }
0x67: {  	_ =	shalt  }
0x68: {  	_ =	shalt  }
0x69: {  	_ =	shalt  }
0x6a: {  	_ =	shalt  }
0x6b: {  	_ =	shalt  }
0x6c: {  	_ =	shalt  }
0x6d: {  	_ =	shalt  }
0x6e: {  	_ =	shalt  }
0x6f: {  	_ =	shalt  }
0x70: {  	_ =	shalt  }
0x71: {  	_ =	shalt  }
0x72: {  	_ =	shalt  }
0x73: {  	_ =	shalt  }
0x74: {  	_ =	shalt  }
0x75: {  	_ =	shalt  }
0x76: {  	_ =	shalt  }
0x77: {  	_ =	shalt  }
0x78: {  	_ =	shalt  }
0x79: {  	_ =	shalt  }
0x7a: {  	_ =	shalt  }
0x7b: {  	_ =	shalt  }
0x7c: {  	_ =	shalt  }
0x7d: {  	_ =	shalt  }
0x7e: {  	_ =	shalt  }
0x7f: {  	_ =	shalt  }
0x80: {  	_ =	shalt  }
0x81: {  	_ =	shalt  }
0x82: {  	_ =	shalt  }
0x83: {  	_ =	shalt  }
0x84: {  	_ =	shalt  }
0x85: {  	_ =	shalt  }
0x86: {  	_ =	shalt  }
0x87: {  	_ =	shalt  }
.Lfunc_end0:
.L_simem_size_0:
called_computation_lowered:
.L_overlay_start_0:
0x88: {  	s2 =	sld [smem:$0x3FD9]  }
0x89: {  	s3 =	sld [smem:$0x3FFE];
	_ =	sdelay $0x1  }
0x8a: {  	s1 =	srdreg.scid  }
0x8b: {  	s0 =	sand.u32 $0x1, s1  }
0x8c: {  	s17 =	sshll.u32 s0, $0xA;
	s2 =	sadd.s32 s3, s2  }
0x8d: {  	s2 =	sadd.s32 s2, s17  }
0x8e: {  	[smem:$0x3FBA] =	sst s2  }
0x8f: {  	_ = 	snop  }
0x90: {  	s2 =	sld [smem:$0x3FD0];
	(tm) =	ssettm $0x1  }
0x91: {  	s18 =	sld [smem:$0x3FFB];
	_ =	sdelay $0x3  }
0x92: {  	_ =	strace s18  }
0x93: {  	s3 =	sld [smem:$0x3FFC];
	_ =	sdelay $0x3  }
0x94: {  	_ =	strace s3  }
0x95: {  	s3 =	sld [smem:$0x3FFD];
	_ =	sdelay $0x3  }
0x96: {  	_ =	strace s3  }
0x97: {  	_ =	strace $0x8FFFFFFF  }
0x98: {  	s19 =	sld [smem:$0x3FDB];
	_ =	sdelay $0x1  }
0x99: {  	s4 =	simm.s32 $_scs_section_size  }
0x9a: {  	s5 =	simm.s32 $_size__tile_overlayer_lowered;
	s6 =	simm.s32 $_tile_overlayer_lowered  }
0x9b: {  	s22 =	simm.s32 $0x1BFF;
	s21 =	sshll.u32 s6, $0x1;
	s3 =	sadd.s32 s4, s19  }
0x9c: {  	s7 =	simm.s32 $0x0;
	s20 =	sshll.u32 s5, $0x1;
	s5 =	sadd.s32 s21, s3  }
0x9d: {  	[timem:s7], [sflag:s22] =	dma.local [hbm:s5], s20  }
0x9e: {  	_ =	swait.ge [sflag:s22], s20  }
0x9f: {  	s4 =	ssub.s32 $0x0, s20;
	[sflag:s22] =	ssyncset.done $0x0  }
0xa0: {  	[sflag:s22] =	ssyncadd.s32 s4;
	_ =	sdelay $0x1  }
0xa1: {  	s23 =	simm.s32 $0x1B8B  }
0xa2: {  	_ =	swait.ge [sflag:s23], $0x1  }
0xa3: {  	[sflag:s23] =	ssyncset.done $0x0  }
0xa4: {  	s25 =	simm.s32 $0x1B8E;
	s24 =	sld [smem:$0x3FFE];
	[sflag:s23] =	ssyncadd.s32 $0xFFFFFFFF  }
0xa5: {  	s26 =	simm.s32 $execute0_lowered;
	[smem:$0x3FD2] =	sst s25  }
0xa6: {  	s5 =	sshll.u32 s26, $0x1;
	_ =	strace $0x80000046;
	[dreg:$0x1] =	wrdreg $0xFFFFFFFF  }
0xa7: {  	s28 =	simm.s32 $_size_execute0_lowered;
	s3 =	sadd.s32 s3, s5;
	[dreg:$0x0] =	wrdreg $0x0  }
0xa8: {  	s5 =	sshll.u32 s28, $0x1;
	[dreg:$0x2] =	wrdreg s3  }
0xa9: {  	[dreg:$0x3] =	wrdreg s5  }
0xaa: {  	[dreg:$0x4] =	wrdreg $0xC0  }
0xab: {  	_ =	task [dreg:s7], $0x5FFFF  }
0xac: {  	[dreg:$0x1] =	wrdreg $0xFFFFFFFF  }
0xad: {  	[dreg:$0x0] =	wrdreg $0x60  }
0xae: {  	[dreg:$0x2] =	wrdreg s2  }
0xaf: {  	[dreg:$0x3] =	wrdreg s24  }
0xb0: {  	[dreg:$0x4] =	wrdreg $0x120000  }
0xb1: {  	[dreg:$0x5] =	wrdreg $0x9  }
0xb2: {  	_ =	task.clear_ibuf [dreg:s7], $0x6FFFF;
	_ =	strace $0x90000046  }
0xb3: {  	s29 =	simm.s32 $0x9;
	_ =	strace $0x80000048  }
0xb4: {  	_ =	swait.ge [sflag:s29], $0x1  }
0xb5: {  	[sflag:s29] =	ssyncadd.s32 $0xFFFFFFFF  }
0xb6: {  	_ =	strace $0x90000048  }
0xb7: {  	_ =	sfence  }
0xb8: {  	s30 =	sld [smem:$0x0];
	_ =	sdelay $0x2  }
0xb9: {  	s31 =	sshll.u32 s1, $0xD;
	s1 =	sshrl.u32 s1, $0x2  }
0xba: {  	s3 =	sand.u32 $0x4000, s31;
	s1 =	sadd.s32 s1, s30  }
0xbb: {  	s0 =	sor.u32 s3, s0;
	s1 =	sshll.u32 s1, $0x11  }
0xbc: {  	s0 =	sor.u32 s1, s0  }
0xbd: {  	s0 =	sadd.s32 $0x8F2B, s0  }
0xbe: {  	[sflag:s0] =	ssyncadd.remote.s32 $0x1  }
0xbf: {  	_ =	sfence.sel $0xFFFF  }
0xc0: {  	[dreg:$0x0] =	wrdreg $0xFFFFFFFF;
	(pc) =	sbr.abs _section_cstart, $3  }
0xc1: {  	[dreg:$0x1] =	wrdreg $0xFFFFFFFF  }
0xc2: {  	_ =	task.clear_ibuf [dreg:s7], $0x2FFFF;
	_ =	strace $0x9FFFFFFF  }
0xc3: {  	(tm) =	ssettm $0x7FFFFFFF  }
tec
execute0_lowered:
.L_overlay_start_1:
0x0: {  	(tag) =	ssettag $0x1  }
0x1: {  	s0 =	rddreg [dreg:$0x0]  }
0x2: {  	s1 =	rddreg [dreg:$0x1]  }
0x3: {  	s2 =	rddreg [dreg:$0x2];
	s3 =	simm.s32 $0x0  }
0x4: {  	s7 =	stileid.u32;
	s5 =	srdreg.scid;
	s31 =	simm.s32 $0x11800  }
0x5: {  	s16 =	simm.s32 $0x3800;
	s26 =	simm.s32 $0x700;
	s21 =	simm.s32 $0xE000  }
0x6: {  	s22 =	simm.s32 $0x1;
	s28 =	simm.s32 $0x3;
	s4 =	smul.u32 $0x1880, s7  }
0x7: {  	s30 =	simm.s32 $0x4;
	s29 =	simm.s32 $0x1180;
	s8 =	smul.u32 $0xC800, s7  }
0x8: {  	[smem:$0x7FF] =	sst s3;
	s17 =	sand.u32 $0x1, s5;
	s7 =	smul.u32 $0x32000, s7  }
0x9: {  	s10 =	sadd.s32 $0x4BE00, s1;
	_ =	strace $0x80000047;
	s12 =	smul.u32 $0x186A0, s17  }
0xa: {  	s5 =	ssub.s32 $0x2, s17;
	s13 =	smul.u32 $0x19000, s17;
	s14 =	sor.u32 $0x2, s17  }
0xb: {  	s17 =	simm.s32 $0x7000;
	s6 =	sadd.s32 s4, s1;
	s11 =	sshrl.u32 s8, $0x3  }
0xc: {  	s9 =	sshrl.u32 s5, $0x1;
	s7 =	sshrl.u32 s7, $0x2;
	s18 =	smul.u32 $0x186A0, s14  }
0xd: {  	s14 =	smul.u32 $0x19000, s14;
	s8 =	sadd.s32 s8, s2;
	s1 =	sadd.s32 s11, s1  }
0xe: {  	s15 =	ssub.s32 s5, s9;
	s4 =	sadd.s32 s7, s2;
	s19 =	sadd.s32 $0x1A600, s6  }
0xf: {  	s6 =	sadd.s32 $0x1E00, s6;
	s7 =	sadd.s32 s0, s12;
	s20 =	sadd.s32 s10, s13  }
0x10: {  	[dreg:$0x4] =	wrdreg s8;
	s13 =	simm.s32 $0x9;
	s8 =	simm.s32 $0x6  }
0x11: {  	s5 =	simm.s32 $0x0;
	[dreg:$0x9] =	wrdreg s19;
	s9 =	sadd.s32 s0, s18  }
0x12: {  	s23 =	sadd.s32 s10, s14;
	s1 =	sadd.s32 $0x32E00, s1;
	s24 =	smax.u32 s15, $0x1  }
0x13: {  	s14 =	simm.s32 $0x1C00;
	s15 =	simm.s32 $0x380;
	[dreg:$0xd] =	wrdreg s4  }
0x14: {  	s19 =	simm.s32 $0xA800;
	s25 =	sadd.s32 s11, s20;
	[dreg:$0x5] =	wrdreg s1  }
0x15: {  	s20 =	simm.s32 $0x1F80;
	s10 =	simm.s32 $0x2680;
	[dreg:$0x6] =	wrdreg s24  }
0x16: {  	[dreg:$0x7] =	wrdreg s25;
	s0 =	sadd.s32 s11, s23;
	s25 =	simm.s32 $0x2  }
0x17: {  	s1 =	simm.s32 $0x2300;
	s23 =	simm.s32 $0xE00;
	s11 =	simm.s32 $0x7  }
0x18: {  	v0 =	vimm.f32 $0.0e+00;
	v1 =	vimm.f32 $1.000000000e+00;
	s24 =	simm.s32 $0x8;
	[dreg:$0x8] =	wrdreg s0;
	s0 =	simm.s32 $0x5  }
.LBB2_1:
0x19: {  	s12 =	simm.s32 $0x0  }
.LBB2_2:
0x1a: {  	p0 =	sne.s32 s12, $0x1FC0  }
.Ltmp0:
0x1b: {  	_ = 	snop;
	(pc) =	sbr.rel @p0 .LBB2_2-.Ltmp0, $3  }
0x1c: {  	_ =	sdelay $0x1  }
0x1d: {  	s18 =	sshra.s32 s12, $0x2  }
0x1e: {  	s12 =	sadd.s32 $0x40, s12;
	[tilespmem:s18+$0x11800] =	vst v0  }
0x1f: {  	[dreg:$0xa] =	wrdreg s5;
	s12 =	sadd.s32 $0x0, s4  }
0x20: {  	[spmem:s12] =	stream.linear.scatter [tilespmem:s31], [sflag:$0x9], $0x800, $0x38;
	[tilespmem:$0x1E800] =	vst v63  }
0x21: {  	s12 =	simm.s32 $0x2000;
	_ =	swait.ge [sflag:s13], $0x800  }
.LBB2_4:
0x22: {  	s18 =	sshra.s32 s12, $0x2;
	[sflag:s13] =	ssyncset.done $0x0;
	p0 =	sne.s32 s12, $0x30000  }
.Ltmp1:
0x23: {  	s18 =	sadd.s32 s18, s4;
	[sflag:s13] =	ssyncadd.s32 $0xFFFFF800;
	(pc) =	sbr.rel @p0 .LBB2_4-.Ltmp1, $3  }
0x24: {  	[spmem:s18] =	stream.linear.scatter [tilespmem:s31], [sflag:$0x9], $0x800, $0x38;
	[tilespmem:$0x1E800] =	vst v63  }
0x25: {  	s12 =	sadd.s32 $0x2000, s12;
	_ =	sdelay $0x1  }
0x26: {  	_ =	swait.ge [sflag:s13], $0x800  }
0x27: {  	[sflag:s13] =	ssyncset.done $0x0  }
0x28: {  	[sflag:s13] =	ssyncadd.s32 $0xFFFFF800  }
0x29: {  	[bflag:$0x0] =	sbarrier.arrive $0xFFFF  }
0x2a: {  	s5 =	rddreg [dreg:$0x9]  }
0x2b: {  	s12 =	sadd.s32 $0x0, s5  }
0x2c: {  	[tilespmem:s3], [sflag:$0x9] =	stream.linear.gather [hbm4b:s12+s3], $0x1C00, $0x38;
	[tilespmem:$0x1E800] =	vst v63  }
0x2d: {  	_ =	swait.ge [sflag:s13], $0x1C00  }
0x2e: {  	[sflag:s13] =	ssyncset.done $0x0  }
0x2f: {  	s18 =	sadd.s32 $0x0, s6;
	[sflag:s13] =	ssyncadd.s32 $0xFFFFE400  }
0x30: {  	[tilespmem:s14], [sflag:$0x9] =	stream.linear.gather [hbm4b:s18+s3], $0x1C00, $0x38;
	[tilespmem:$0x1E800] =	vst v63  }
0x31: {  	_ =	swait.ge [sflag:s13], $0x1C00  }
0x32: {  	[sflag:s13] =	ssyncset.done $0x0  }
0x33: {  	[sflag:s13] =	ssyncadd.s32 $0xFFFFE400  }
0x34: {  	[tilespmem:s16], [sflag:$0x1] =	stream.indirect.gather [hbm4b:s7+s15], $0x10, s3, s15, $0xb8;
	[tilespmem:$0x1E800] =	vst v63  }
0x35: {  	_ = 	snop  }
0x36: {  	[tilespmem:s17], [sflag:$0x2] =	stream.indirect.gather [hbm4b:s7+s15], $0x10, s15, s15, $0xb8;
	[tilespmem:$0x1E800] =	vst v63  }
0x37: {  	_ = 	snop  }
0x38: {  	[tilespmem:s19], [sflag:$0x3] =	stream.indirect.gather [hbm4b:s7+s15], $0x10, s26, s15, $0xb8;
	[tilespmem:$0x1E800] =	vst v63  }
0x39: {  	s31 =	simm.s32 $0xA80  }
0x3a: {  	[tilespmem:s21], [sflag:$0x4] =	stream.indirect.gather [hbm4b:s7+s15], $0x10, s31, s15, $0xb8;
	[tilespmem:$0x1E800] =	vst v63  }
0x3b: {  	_ =	swait.ge [sflag:s22], $0x3800  }
0x3c: {  	[sflag:s22] =	ssyncset.done $0x0  }
0x3d: {  	[sflag:s22] =	ssyncadd.s32 $0xFFFFC800  }
0x3e: {  	[spmem:s2] =	stream.indirect.scatter.add.f32 [tilespmem:s16], [sflag:$0x5], $0x10, s14, s15, $0xb8;
	[tilespmem:$0x1E800] =	vst v63  }
0x3f: {  	_ =	swait.ge [sflag:s25], $0x3800  }
0x40: {  	[sflag:s25] =	ssyncset.done $0x0  }
0x41: {  	[sflag:s25] =	ssyncadd.s32 $0xFFFFC800  }
0x42: {  	[spmem:s2] =	stream.indirect.scatter.add.f32 [tilespmem:s17], [sflag:$0x6], $0x10, s20, s15, $0xb8;
	[tilespmem:$0x1E800] =	vst v63  }
0x43: {  	_ =	swait.ge [sflag:s28], $0x3800  }
0x44: {  	[sflag:s28] =	ssyncset.done $0x0  }
0x45: {  	[sflag:s28] =	ssyncadd.s32 $0xFFFFC800  }
0x46: {  	[spmem:s2] =	stream.indirect.scatter.add.f32 [tilespmem:s19], [sflag:$0x7], $0x10, s1, s15, $0xb8;
	[tilespmem:$0x1E800] =	vst v63  }
0x47: {  	_ =	swait.ge [sflag:s30], $0x3800  }
0x48: {  	[sflag:s30] =	ssyncset.done $0x0  }
0x49: {  	[sflag:s30] =	ssyncadd.s32 $0xFFFFC800  }
0x4a: {  	[spmem:s2] =	stream.indirect.scatter.add.f32 [tilespmem:s21], [sflag:$0x8], $0x10, s10, s15, $0xb8;
	[tilespmem:$0x1E800] =	vst v63  }
0x4b: {  	_ =	swait.ge [sflag:s0], $0x3800  }
0x4c: {  	[sflag:s0] =	ssyncset.done $0x0  }
0x4d: {  	[sflag:s0] =	ssyncadd.s32 $0xFFFFC800  }
0x4e: {  	[tilespmem:s16], [sflag:$0x1] =	stream.indirect.gather [hbm4b:s7+s15], $0x10, s23, s15, $0xb8;
	[tilespmem:$0x1E800] =	vst v63  }
0x4f: {  	_ =	swait.ge [sflag:s8], $0x3800  }
0x50: {  	[sflag:s8] =	ssyncset.done $0x0  }
0x51: {  	[sflag:s8] =	ssyncadd.s32 $0xFFFFC800  }
0x52: {  	[tilespmem:s17], [sflag:$0x2] =	stream.indirect.gather [hbm4b:s7+s15], $0x10, s29, s15, $0xb8;
	[tilespmem:$0x1E800] =	vst v63  }
0x53: {  	_ =	swait.ge [sflag:s11], $0x3800  }
0x54: {  	[sflag:s11] =	ssyncset.done $0x0  }
0x55: {  	s18 =	simm.s32 $0x1500;
	[sflag:s11] =	ssyncadd.s32 $0xFFFFC800  }
0x56: {  	[tilespmem:s19], [sflag:$0x3] =	stream.indirect.gather [hbm4b:s7+s15], $0x10, s18, s15, $0xb8;
	[tilespmem:$0x1E800] =	vst v63  }
0x57: {  	_ =	swait.ge [sflag:s24], $0x3800  }
0x58: {  	[sflag:s24] =	ssyncset.done $0x0  }
0x59: {  	s20 =	simm.s32 $0x1880;
	[sflag:s24] =	ssyncadd.s32 $0xFFFFC800  }
0x5a: {  	[tilespmem:s21], [sflag:$0x4] =	stream.indirect.gather [hbm4b:s7+s15], $0x10, s20, s15, $0xb8;
	[tilespmem:$0x1E800] =	vst v63  }
0x5b: {  	_ =	swait.ge [sflag:s22], $0x3800  }
0x5c: {  	[sflag:s22] =	ssyncset.done $0x0  }
0x5d: {  	s23 =	simm.s32 $0x2A00;
	[sflag:s22] =	ssyncadd.s32 $0xFFFFC800  }
0x5e: {  	[spmem:s2] =	stream.indirect.scatter.add.f32 [tilespmem:s16], [sflag:$0x5], $0x10, s23, s15, $0xb8;
	[tilespmem:$0x1E800] =	vst v63  }
0x5f: {  	_ =	swait.ge [sflag:s25], $0x3800  }
0x60: {  	[sflag:s25] =	ssyncset.done $0x0  }
0x61: {  	s26 =	simm.s32 $0x2D80;
	[sflag:s25] =	ssyncadd.s32 $0xFFFFC800  }
0x62: {  	[spmem:s2] =	stream.indirect.scatter.add.f32 [tilespmem:s17], [sflag:$0x6], $0x10, s26, s15, $0xb8;
	[tilespmem:$0x1E800] =	vst v63  }
0x63: {  	_ =	swait.ge [sflag:s28], $0x3800  }
0x64: {  	[sflag:s28] =	ssyncset.done $0x0  }
0x65: {  	s29 =	simm.s32 $0x3100;
	[sflag:s28] =	ssyncadd.s32 $0xFFFFC800  }
0x66: {  	[spmem:s2] =	stream.indirect.scatter.add.f32 [tilespmem:s19], [sflag:$0x7], $0x10, s29, s15, $0xb8;
	[tilespmem:$0x1E800] =	vst v63  }
0x67: {  	_ =	swait.ge [sflag:s30], $0x3800  }
0x68: {  	[sflag:s30] =	ssyncset.done $0x0  }
0x69: {  	s31 =	simm.s32 $0x3480;
	[sflag:s30] =	ssyncadd.s32 $0xFFFFC800  }
0x6a: {  	[spmem:s2] =	stream.indirect.scatter.add.f32 [tilespmem:s21], [sflag:$0x8], $0x10, s31, s15, $0xb8;
	[tilespmem:$0x1E800] =	vst v63  }
0x6b: {  	_ =	swait.ge [sflag:s0], $0x3800  }
0x6c: {  	[sflag:s0] =	ssyncset.done $0x0  }
0x6d: {  	[sflag:s0] =	ssyncadd.s32 $0xFFFFC800  }
0x6e: {  	_ =	swait.ge [sflag:s8], $0x3800  }
0x6f: {  	[sflag:s8] =	ssyncset.done $0x0  }
0x70: {  	[sflag:s8] =	ssyncadd.s32 $0xFFFFC800  }
0x71: {  	_ =	swait.ge [sflag:s11], $0x3800  }
0x72: {  	[sflag:s11] =	ssyncset.done $0x0  }
0x73: {  	s12 =	simm.s32 $0x700;
	s1 =	simm.s32 $0x2300;
	[sflag:s11] =	ssyncadd.s32 $0xFFFFC800  }
0x74: {  	s10 =	simm.s32 $0x2680;
	s18 =	simm.s32 $0x380;
	_ =	swait.ge [sflag:s24], $0x3800  }
0x75: {  	s20 =	simm.s32 $0x1F80;
	s23 =	simm.s32 $0xE00;
	[sflag:s24] =	ssyncset.done $0x0  }
.LBB2_6:
0x76: {  	s29 =	sadd.s32 s18, s5  }
0x77: {  	[sflag:s24] =	ssyncadd.s32 $0xFFFFC800;
	s31 =	smov.u32 s12;
	s26 =	sadd.s32 $0x380, s12  }
0x78: {  	[tilespmem:s3], [sflag:$0x9] =	stream.linear.gather [hbm4b:s29+s3], $0x1C00, $0x38;
	[tilespmem:$0x1E800] =	vst v63  }
0x79: {  	s29 =	simm.s32 $0x700  }
0x7a: {  	p0 =	sne.s32 s12, $0x1500;
	_ =	swait.ge [sflag:s13], $0x1C00  }
0x7b: {  	s12 =	sadd.s32 s18, s6;
	[sflag:s13] =	ssyncset.done $0x0  }
0x7c: {  	s18 =	smov.u32 s31;
	s31 =	simm.s32 $0xA80;
	[sflag:s13] =	ssyncadd.s32 $0xFFFFE400  }
0x7d: {  	[tilespmem:s14], [sflag:$0x9] =	stream.linear.gather [hbm4b:s12+s3], $0x1C00, $0x38;
	[tilespmem:$0x1E800] =	vst v63  }
0x7e: {  	_ =	swait.ge [sflag:s13], $0x1C00  }
0x7f: {  	[sflag:s13] =	ssyncset.done $0x0  }
0x80: {  	[sflag:s13] =	ssyncadd.s32 $0xFFFFE400  }
0x81: {  	[tilespmem:s16], [sflag:$0x1] =	stream.indirect.gather [hbm4b:s7+s15], $0x10, s3, s15, $0xb8;
	[tilespmem:$0x1E800] =	vst v63  }
0x82: {  	_ = 	snop  }
0x83: {  	[tilespmem:s17], [sflag:$0x2] =	stream.indirect.gather [hbm4b:s7+s15], $0x10, s15, s15, $0xb8;
	[tilespmem:$0x1E800] =	vst v63  }
0x84: {  	_ = 	snop  }
0x85: {  	[tilespmem:s19], [sflag:$0x3] =	stream.indirect.gather [hbm4b:s7+s15], $0x10, s29, s15, $0xb8;
	[tilespmem:$0x1E800] =	vst v63  }
0x86: {  	_ = 	snop  }
0x87: {  	[tilespmem:s21], [sflag:$0x4] =	stream.indirect.gather [hbm4b:s7+s15], $0x10, s31, s15, $0xb8;
	[tilespmem:$0x1E800] =	vst v63  }
0x88: {  	_ =	swait.ge [sflag:s22], $0x3800  }
0x89: {  	[sflag:s22] =	ssyncset.done $0x0  }
0x8a: {  	[sflag:s22] =	ssyncadd.s32 $0xFFFFC800  }
0x8b: {  	[spmem:s2] =	stream.indirect.scatter.add.f32 [tilespmem:s16], [sflag:$0x5], $0x10, s14, s15, $0xb8;
	[tilespmem:$0x1E800] =	vst v63  }
0x8c: {  	_ =	swait.ge [sflag:s25], $0x3800  }
0x8d: {  	[sflag:s25] =	ssyncset.done $0x0  }
0x8e: {  	[sflag:s25] =	ssyncadd.s32 $0xFFFFC800  }
0x8f: {  	[spmem:s2] =	stream.indirect.scatter.add.f32 [tilespmem:s17], [sflag:$0x6], $0x10, s20, s15, $0xb8;
	[tilespmem:$0x1E800] =	vst v63  }
0x90: {  	_ =	swait.ge [sflag:s28], $0x3800  }
0x91: {  	[sflag:s28] =	ssyncset.done $0x0  }
0x92: {  	[sflag:s28] =	ssyncadd.s32 $0xFFFFC800  }
0x93: {  	[spmem:s2] =	stream.indirect.scatter.add.f32 [tilespmem:s19], [sflag:$0x7], $0x10, s1, s15, $0xb8;
	[tilespmem:$0x1E800] =	vst v63  }
0x94: {  	_ =	swait.ge [sflag:s30], $0x3800  }
0x95: {  	[sflag:s30] =	ssyncset.done $0x0  }
0x96: {  	[sflag:s30] =	ssyncadd.s32 $0xFFFFC800  }
0x97: {  	[spmem:s2] =	stream.indirect.scatter.add.f32 [tilespmem:s21], [sflag:$0x8], $0x10, s10, s15, $0xb8;
	[tilespmem:$0x1E800] =	vst v63  }
0x98: {  	_ =	swait.ge [sflag:s0], $0x3800  }
0x99: {  	[sflag:s0] =	ssyncset.done $0x0  }
0x9a: {  	[sflag:s0] =	ssyncadd.s32 $0xFFFFC800  }
0x9b: {  	[tilespmem:s16], [sflag:$0x1] =	stream.indirect.gather [hbm4b:s7+s15], $0x10, s23, s15, $0xb8;
	[tilespmem:$0x1E800] =	vst v63  }
0x9c: {  	_ =	swait.ge [sflag:s8], $0x3800  }
0x9d: {  	[sflag:s8] =	ssyncset.done $0x0  }
0x9e: {  	s12 =	simm.s32 $0x1180;
	[sflag:s8] =	ssyncadd.s32 $0xFFFFC800  }
0x9f: {  	[tilespmem:s17], [sflag:$0x2] =	stream.indirect.gather [hbm4b:s7+s15], $0x10, s12, s15, $0xb8;
	[tilespmem:$0x1E800] =	vst v63  }
0xa0: {  	_ =	swait.ge [sflag:s11], $0x3800  }
0xa1: {  	[sflag:s11] =	ssyncset.done $0x0  }
0xa2: {  	s12 =	simm.s32 $0x1500;
	[sflag:s11] =	ssyncadd.s32 $0xFFFFC800  }
0xa3: {  	[tilespmem:s19], [sflag:$0x3] =	stream.indirect.gather [hbm4b:s7+s15], $0x10, s12, s15, $0xb8;
	[tilespmem:$0x1E800] =	vst v63  }
0xa4: {  	_ =	swait.ge [sflag:s24], $0x3800  }
0xa5: {  	[sflag:s24] =	ssyncset.done $0x0  }
0xa6: {  	s12 =	simm.s32 $0x1880;
	[sflag:s24] =	ssyncadd.s32 $0xFFFFC800  }
0xa7: {  	[tilespmem:s21], [sflag:$0x4] =	stream.indirect.gather [hbm4b:s7+s15], $0x10, s12, s15, $0xb8;
	[tilespmem:$0x1E800] =	vst v63  }
0xa8: {  	_ =	swait.ge [sflag:s22], $0x3800  }
0xa9: {  	[sflag:s22] =	ssyncset.done $0x0  }
0xaa: {  	s12 =	simm.s32 $0x2A00;
	[sflag:s22] =	ssyncadd.s32 $0xFFFFC800  }
0xab: {  	[spmem:s2] =	stream.indirect.scatter.add.f32 [tilespmem:s16], [sflag:$0x5], $0x10, s12, s15, $0xb8;
	[tilespmem:$0x1E800] =	vst v63  }
0xac: {  	_ =	swait.ge [sflag:s25], $0x3800  }
0xad: {  	[sflag:s25] =	ssyncset.done $0x0  }
0xae: {  	s12 =	simm.s32 $0x2D80;
	[sflag:s25] =	ssyncadd.s32 $0xFFFFC800  }
0xaf: {  	[spmem:s2] =	stream.indirect.scatter.add.f32 [tilespmem:s17], [sflag:$0x6], $0x10, s12, s15, $0xb8;
	[tilespmem:$0x1E800] =	vst v63  }
0xb0: {  	_ =	swait.ge [sflag:s28], $0x3800  }
0xb1: {  	[sflag:s28] =	ssyncset.done $0x0  }
0xb2: {  	s12 =	simm.s32 $0x3100;
	[sflag:s28] =	ssyncadd.s32 $0xFFFFC800  }
0xb3: {  	[spmem:s2] =	stream.indirect.scatter.add.f32 [tilespmem:s19], [sflag:$0x7], $0x10, s12, s15, $0xb8;
	[tilespmem:$0x1E800] =	vst v63  }
0xb4: {  	_ =	swait.ge [sflag:s30], $0x3800  }
0xb5: {  	[sflag:s30] =	ssyncset.done $0x0  }
0xb6: {  	s12 =	simm.s32 $0x3480;
	[sflag:s30] =	ssyncadd.s32 $0xFFFFC800  }
0xb7: {  	[spmem:s2] =	stream.indirect.scatter.add.f32 [tilespmem:s21], [sflag:$0x8], $0x10, s12, s15, $0xb8;
	[tilespmem:$0x1E800] =	vst v63  }
0xb8: {  	_ =	swait.ge [sflag:s0], $0x3800  }
0xb9: {  	[sflag:s0] =	ssyncset.done $0x0  }
0xba: {  	[sflag:s0] =	ssyncadd.s32 $0xFFFFC800  }
0xbb: {  	_ =	swait.ge [sflag:s8], $0x3800  }
0xbc: {  	[sflag:s8] =	ssyncset.done $0x0  }
0xbd: {  	[sflag:s8] =	ssyncadd.s32 $0xFFFFC800  }
.Ltmp2:
0xbe: {  	_ =	swait.ge [sflag:s11], $0x3800;
	(pc) =	sbr.rel @p0 .LBB2_6-.Ltmp2, $4  }
0xbf: {  	[sflag:s11] =	ssyncset.done $0x0  }
0xc0: {  	[sflag:s11] =	ssyncadd.s32 $0xFFFFC800  }
0xc1: {  	_ =	swait.ge [sflag:s24], $0x3800  }
0xc2: {  	s12 =	smov.u32 s26;
	[sflag:s24] =	ssyncset.done $0x0  }
0xc3: {  	s12 =	sadd.s32 s18, s5;
	[sflag:s24] =	ssyncadd.s32 $0xFFFFC800  }
0xc4: {  	[tilespmem:s3], [sflag:$0x9] =	stream.linear.gather [hbm4b:s12+s3], $0x1C00, $0x38;
	[tilespmem:$0x1E800] =	vst v63  }
0xc5: {  	_ =	swait.ge [sflag:s13], $0x1C00  }
0xc6: {  	[sflag:s13] =	ssyncset.done $0x0  }
0xc7: {  	s26 =	sadd.s32 s18, s6;
	[sflag:s13] =	ssyncadd.s32 $0xFFFFE400  }
0xc8: {  	[tilespmem:s14], [sflag:$0x9] =	stream.linear.gather [hbm4b:s26+s3], $0x1C00, $0x38;
	[tilespmem:$0x1E800] =	vst v63  }
0xc9: {  	_ =	swait.ge [sflag:s13], $0x1C00  }
0xca: {  	[sflag:s13] =	ssyncset.done $0x0  }
0xcb: {  	[sflag:s13] =	ssyncadd.s32 $0xFFFFE400  }
0xcc: {  	[tilespmem:s16], [sflag:$0x1] =	stream.indirect.gather [hbm4b:s7+s15], $0x10, s3, s15, $0xb8;
	[tilespmem:$0x1E800] =	vst v63  }
0xcd: {  	_ = 	snop  }
0xce: {  	[tilespmem:s17], [sflag:$0x2] =	stream.indirect.gather [hbm4b:s7+s15], $0x10, s15, s15, $0xb8;
	[tilespmem:$0x1E800] =	vst v63  }
0xcf: {  	_ = 	snop  }
0xd0: {  	[tilespmem:s19], [sflag:$0x3] =	stream.indirect.gather [hbm4b:s7+s15], $0x10, s29, s15, $0xb8;
	[tilespmem:$0x1E800] =	vst v63  }
0xd1: {  	_ = 	snop  }
0xd2: {  	[tilespmem:s21], [sflag:$0x4] =	stream.indirect.gather [hbm4b:s7+s15], $0x10, s31, s15, $0xb8;
	[tilespmem:$0x1E800] =	vst v63  }
0xd3: {  	_ =	swait.ge [sflag:s22], $0x3800  }
0xd4: {  	[sflag:s22] =	ssyncset.done $0x0  }
0xd5: {  	[sflag:s22] =	ssyncadd.s32 $0xFFFFC800  }
0xd6: {  	[spmem:s2] =	stream.indirect.scatter.add.f32 [tilespmem:s16], [sflag:$0x5], $0x10, s14, s15, $0xb8;
	[tilespmem:$0x1E800] =	vst v63  }
0xd7: {  	_ =	swait.ge [sflag:s25], $0x3800  }
0xd8: {  	[sflag:s25] =	ssyncset.done $0x0  }
0xd9: {  	[sflag:s25] =	ssyncadd.s32 $0xFFFFC800  }
0xda: {  	[spmem:s2] =	stream.indirect.scatter.add.f32 [tilespmem:s17], [sflag:$0x6], $0x10, s20, s15, $0xb8;
	[tilespmem:$0x1E800] =	vst v63  }
0xdb: {  	_ =	swait.ge [sflag:s28], $0x3800  }
0xdc: {  	[sflag:s28] =	ssyncset.done $0x0  }
0xdd: {  	[sflag:s28] =	ssyncadd.s32 $0xFFFFC800  }
0xde: {  	[spmem:s2] =	stream.indirect.scatter.add.f32 [tilespmem:s19], [sflag:$0x7], $0x10, s1, s15, $0xb8;
	[tilespmem:$0x1E800] =	vst v63  }
0xdf: {  	_ =	swait.ge [sflag:s30], $0x3800  }
0xe0: {  	[sflag:s30] =	ssyncset.done $0x0  }
0xe1: {  	[sflag:s30] =	ssyncadd.s32 $0xFFFFC800  }
0xe2: {  	[spmem:s2] =	stream.indirect.scatter.add.f32 [tilespmem:s21], [sflag:$0x8], $0x10, s10, s15, $0xb8;
	[tilespmem:$0x1E800] =	vst v63  }
0xe3: {  	_ =	swait.ge [sflag:s0], $0x3800  }
0xe4: {  	[sflag:s0] =	ssyncset.done $0x0  }
0xe5: {  	[sflag:s0] =	ssyncadd.s32 $0xFFFFC800  }
0xe6: {  	[tilespmem:s16], [sflag:$0x1] =	stream.indirect.gather [hbm4b:s7+s15], $0x10, s23, s15, $0xb8;
	[tilespmem:$0x1E800] =	vst v63  }
0xe7: {  	_ =	swait.ge [sflag:s8], $0x3800  }
0xe8: {  	[sflag:s8] =	ssyncset.done $0x0  }
0xe9: {  	s5 =	simm.s32 $0x1180;
	[sflag:s8] =	ssyncadd.s32 $0xFFFFC800  }
0xea: {  	[tilespmem:s17], [sflag:$0x2] =	stream.indirect.gather [hbm4b:s7+s15], $0x10, s5, s15, $0xb8;
	[tilespmem:$0x1E800] =	vst v63  }
0xeb: {  	_ =	swait.ge [sflag:s11], $0x3800  }
0xec: {  	[sflag:s11] =	ssyncset.done $0x0  }
0xed: {  	s10 =	simm.s32 $0x1500;
	[sflag:s11] =	ssyncadd.s32 $0xFFFFC800  }
0xee: {  	[tilespmem:s19], [sflag:$0x3] =	stream.indirect.gather [hbm4b:s7+s15], $0x10, s10, s15, $0xb8;
	[tilespmem:$0x1E800] =	vst v63  }
0xef: {  	_ =	swait.ge [sflag:s24], $0x3800  }
0xf0: {  	[sflag:s24] =	ssyncset.done $0x0  }
0xf1: {  	s12 =	simm.s32 $0x1880;
	[sflag:s24] =	ssyncadd.s32 $0xFFFFC800  }
0xf2: {  	[tilespmem:s21], [sflag:$0x4] =	stream.indirect.gather [hbm4b:s7+s15], $0x10, s12, s15, $0xb8;
	[tilespmem:$0x1E800] =	vst v63  }
0xf3: {  	_ =	swait.ge [sflag:s22], $0x3800  }
0xf4: {  	[sflag:s22] =	ssyncset.done $0x0  }
0xf5: {  	s18 =	simm.s32 $0x2A00;
	[sflag:s22] =	ssyncadd.s32 $0xFFFFC800  }
0xf6: {  	[spmem:s2] =	stream.indirect.scatter.add.f32 [tilespmem:s16], [sflag:$0x5], $0x10, s18, s15, $0xb8;
	[tilespmem:$0x1E800] =	vst v63  }
0xf7: {  	_ =	swait.ge [sflag:s25], $0x3800  }
0xf8: {  	[sflag:s25] =	ssyncset.done $0x0  }
0xf9: {  	s20 =	simm.s32 $0x2D80;
	[sflag:s25] =	ssyncadd.s32 $0xFFFFC800  }
0xfa: {  	[spmem:s2] =	stream.indirect.scatter.add.f32 [tilespmem:s17], [sflag:$0x6], $0x10, s20, s15, $0xb8;
	[tilespmem:$0x1E800] =	vst v63  }
0xfb: {  	_ =	swait.ge [sflag:s28], $0x3800  }
0xfc: {  	[sflag:s28] =	ssyncset.done $0x0  }
0xfd: {  	s23 =	simm.s32 $0x3100;
	[sflag:s28] =	ssyncadd.s32 $0xFFFFC800  }
0xfe: {  	[spmem:s2] =	stream.indirect.scatter.add.f32 [tilespmem:s19], [sflag:$0x7], $0x10, s23, s15, $0xb8;
	[tilespmem:$0x1E800] =	vst v63  }
0xff: {  	_ =	swait.ge [sflag:s30], $0x3800  }
0x100: {  	[sflag:s30] =	ssyncset.done $0x0  }
0x101: {  	s26 =	simm.s32 $0x3480;
	[sflag:s30] =	ssyncadd.s32 $0xFFFFC800  }
0x102: {  	[spmem:s2] =	stream.indirect.scatter.add.f32 [tilespmem:s21], [sflag:$0x8], $0x10, s26, s15, $0xb8;
	[tilespmem:$0x1E800] =	vst v63  }
0x103: {  	_ =	swait.ge [sflag:s0], $0x3800  }
0x104: {  	[sflag:s0] =	ssyncset.done $0x0  }
0x105: {  	[sflag:s0] =	ssyncadd.s32 $0xFFFFC800  }
0x106: {  	_ =	swait.ge [sflag:s8], $0x3800  }
0x107: {  	[sflag:s8] =	ssyncset.done $0x0  }
0x108: {  	[sflag:s8] =	ssyncadd.s32 $0xFFFFC800  }
0x109: {  	_ =	swait.ge [sflag:s11], $0x3800  }
0x10a: {  	[sflag:s11] =	ssyncset.done $0x0  }
0x10b: {  	[sflag:s11] =	ssyncadd.s32 $0xFFFFC800  }
0x10c: {  	_ =	swait.ge [sflag:s24], $0x3800  }
0x10d: {  	[sflag:s24] =	ssyncset.done $0x0  }
0x10e: {  	[sflag:s24] =	ssyncadd.s32 $0xFFFFC800  }
0x10f: {  	s1 =	stileid.u32;
	[bflag:$0x0] =	sbarrier.arrive $0xFFFF  }
0x110: {  	s12 =	sshll.u32 s1, $0x6;
	s10 =	rddreg [dreg:$0x4]  }
0x111: {  	s5 =	sor.u32 $0x1C09, s12;
	s20 =	rddreg [dreg:$0x7]  }
0x112: {  	[dreg:$0xb] =	wrdreg s5;
	s18 =	sshrl.u32 s10, $0x3  }
0x113: {  	[dreg:$0xc] =	wrdreg s18  }
0x114: {  	[hbm:s20], [sflag:s5] =	dma.local [spmem:s18], $0x1900  }
0x115: {  	_ =	swait.ge [sflag:s13], $0x1900  }
0x116: {  	[sflag:s13] =	ssyncset.done $0x0  }
0x117: {  	s23 =	sadd.s32 $0x0, s4;
	s26 =	simm.s32 $0x11800;
	[sflag:s13] =	ssyncadd.s32 $0xFFFFE700  }
0x118: {  	[spmem:s23] =	stream.linear.scatter [tilespmem:s26], [sflag:$0x9], $0x800, $0x38;
	[tilespmem:$0x1E800] =	vst v63  }
0x119: {  	s12 =	simm.s32 $0x2000;
	_ =	swait.ge [sflag:s13], $0x800  }
.LBB2_8:
0x11a: {  	s18 =	sshra.s32 s12, $0x2;
	[sflag:s13] =	ssyncset.done $0x0;
	p0 =	sne.s32 s12, $0x30000  }
.Ltmp3:
0x11b: {  	s18 =	sadd.s32 s18, s4;
	[sflag:s13] =	ssyncadd.s32 $0xFFFFF800;
	(pc) =	sbr.rel @p0 .LBB2_8-.Ltmp3, $3  }
0x11c: {  	[spmem:s18] =	stream.linear.scatter [tilespmem:s26], [sflag:$0x9], $0x800, $0x38;
	[tilespmem:$0x1E800] =	vst v63  }
0x11d: {  	s12 =	sadd.s32 $0x2000, s12;
	_ =	sdelay $0x1  }
0x11e: {  	_ =	swait.ge [sflag:s13], $0x800  }
0x11f: {  	[sflag:s13] =	ssyncset.done $0x0  }
0x120: {  	[sflag:s13] =	ssyncadd.s32 $0xFFFFF800  }
0x121: {  	[bflag:$0x0] =	sbarrier.arrive $0xFFFF  }
0x122: {  	s5 =	rddreg [dreg:$0x9]  }
0x123: {  	s12 =	sadd.s32 $0x0, s5  }
0x124: {  	[tilespmem:s3], [sflag:$0x9] =	stream.linear.gather [hbm4b:s12+s3], $0x1C00, $0x38;
	[tilespmem:$0x1E800] =	vst v63  }
0x125: {  	_ =	swait.ge [sflag:s13], $0x1C00  }
0x126: {  	[sflag:s13] =	ssyncset.done $0x0  }
0x127: {  	s23 =	sadd.s32 $0x0, s6;
	[sflag:s13] =	ssyncadd.s32 $0xFFFFE400  }
0x128: {  	[tilespmem:s14], [sflag:$0x9] =	stream.linear.gather [hbm4b:s23+s3], $0x1C00, $0x38;
	[tilespmem:$0x1E800] =	vst v63  }
0x129: {  	_ =	swait.ge [sflag:s13], $0x1C00  }
0x12a: {  	[sflag:s13] =	ssyncset.done $0x0  }
0x12b: {  	[sflag:s13] =	ssyncadd.s32 $0xFFFFE400  }
0x12c: {  	[tilespmem:s16], [sflag:$0x1] =	stream.indirect.gather [hbm4b:s9+s15], $0x10, s3, s15, $0xb8;
	[tilespmem:$0x1E800] =	vst v63  }
0x12d: {  	_ = 	snop  }
0x12e: {  	[tilespmem:s17], [sflag:$0x2] =	stream.indirect.gather [hbm4b:s9+s15], $0x10, s15, s15, $0xb8;
	[tilespmem:$0x1E800] =	vst v63  }
0x12f: {  	_ = 	snop  }
0x130: {  	[tilespmem:s19], [sflag:$0x3] =	stream.indirect.gather [hbm4b:s9+s15], $0x10, s29, s15, $0xb8;
	[tilespmem:$0x1E800] =	vst v63  }
0x131: {  	_ = 	snop  }
0x132: {  	[tilespmem:s21], [sflag:$0x4] =	stream.indirect.gather [hbm4b:s9+s15], $0x10, s31, s15, $0xb8;
	[tilespmem:$0x1E800] =	vst v63  }
0x133: {  	_ =	swait.ge [sflag:s22], $0x3800  }
0x134: {  	[sflag:s22] =	ssyncset.done $0x0  }
0x135: {  	[sflag:s22] =	ssyncadd.s32 $0xFFFFC800  }
0x136: {  	[spmem:s2] =	stream.indirect.scatter.add.f32 [tilespmem:s16], [sflag:$0x5], $0x10, s14, s15, $0xb8;
	[tilespmem:$0x1E800] =	vst v63  }
0x137: {  	_ =	swait.ge [sflag:s25], $0x3800  }
0x138: {  	[sflag:s25] =	ssyncset.done $0x0  }
0x139: {  	s20 =	simm.s32 $0x1F80;
	[sflag:s25] =	ssyncadd.s32 $0xFFFFC800  }
0x13a: {  	[spmem:s2] =	stream.indirect.scatter.add.f32 [tilespmem:s17], [sflag:$0x6], $0x10, s20, s15, $0xb8;
	[tilespmem:$0x1E800] =	vst v63  }
0x13b: {  	_ =	swait.ge [sflag:s28], $0x3800  }
0x13c: {  	[sflag:s28] =	ssyncset.done $0x0  }
0x13d: {  	s1 =	simm.s32 $0x2300;
	[sflag:s28] =	ssyncadd.s32 $0xFFFFC800  }
0x13e: {  	[spmem:s2] =	stream.indirect.scatter.add.f32 [tilespmem:s19], [sflag:$0x7], $0x10, s1, s15, $0xb8;
	[tilespmem:$0x1E800] =	vst v63  }
0x13f: {  	_ =	swait.ge [sflag:s30], $0x3800  }
0x140: {  	[sflag:s30] =	ssyncset.done $0x0  }
0x141: {  	s10 =	simm.s32 $0x2680;
	[sflag:s30] =	ssyncadd.s32 $0xFFFFC800  }
0x142: {  	[spmem:s2] =	stream.indirect.scatter.add.f32 [tilespmem:s21], [sflag:$0x8], $0x10, s10, s15, $0xb8;
	[tilespmem:$0x1E800] =	vst v63  }
0x143: {  	_ =	swait.ge [sflag:s0], $0x3800  }
0x144: {  	[sflag:s0] =	ssyncset.done $0x0  }
0x145: {  	s23 =	simm.s32 $0xE00;
	[sflag:s0] =	ssyncadd.s32 $0xFFFFC800  }
0x146: {  	[tilespmem:s16], [sflag:$0x1] =	stream.indirect.gather [hbm4b:s9+s15], $0x10, s23, s15, $0xb8;
	[tilespmem:$0x1E800] =	vst v63  }
0x147: {  	_ =	swait.ge [sflag:s8], $0x3800  }
0x148: {  	[sflag:s8] =	ssyncset.done $0x0  }
0x149: {  	s26 =	simm.s32 $0x1180;
	[sflag:s8] =	ssyncadd.s32 $0xFFFFC800  }
0x14a: {  	[tilespmem:s17], [sflag:$0x2] =	stream.indirect.gather [hbm4b:s9+s15], $0x10, s26, s15, $0xb8;
	[tilespmem:$0x1E800] =	vst v63  }
0x14b: {  	_ =	swait.ge [sflag:s11], $0x3800  }
0x14c: {  	[sflag:s11] =	ssyncset.done $0x0  }
0x14d: {  	s29 =	simm.s32 $0x1500;
	[sflag:s11] =	ssyncadd.s32 $0xFFFFC800  }
0x14e: {  	[tilespmem:s19], [sflag:$0x3] =	stream.indirect.gather [hbm4b:s9+s15], $0x10, s29, s15, $0xb8;
	[tilespmem:$0x1E800] =	vst v63  }
0x14f: {  	_ =	swait.ge [sflag:s24], $0x3800  }
0x150: {  	[sflag:s24] =	ssyncset.done $0x0  }
0x151: {  	s31 =	simm.s32 $0x1880;
	[sflag:s24] =	ssyncadd.s32 $0xFFFFC800  }
0x152: {  	[tilespmem:s21], [sflag:$0x4] =	stream.indirect.gather [hbm4b:s9+s15], $0x10, s31, s15, $0xb8;
	[tilespmem:$0x1E800] =	vst v63  }
0x153: {  	_ =	swait.ge [sflag:s22], $0x3800  }
0x154: {  	[sflag:s22] =	ssyncset.done $0x0  }
0x155: {  	s18 =	simm.s32 $0x2A00;
	[sflag:s22] =	ssyncadd.s32 $0xFFFFC800  }
0x156: {  	[spmem:s2] =	stream.indirect.scatter.add.f32 [tilespmem:s16], [sflag:$0x5], $0x10, s18, s15, $0xb8;
	[tilespmem:$0x1E800] =	vst v63  }
0x157: {  	_ =	swait.ge [sflag:s25], $0x3800  }
0x158: {  	[sflag:s25] =	ssyncset.done $0x0  }
0x159: {  	s26 =	simm.s32 $0x2D80;
	[sflag:s25] =	ssyncadd.s32 $0xFFFFC800  }
0x15a: {  	[spmem:s2] =	stream.indirect.scatter.add.f32 [tilespmem:s17], [sflag:$0x6], $0x10, s26, s15, $0xb8;
	[tilespmem:$0x1E800] =	vst v63  }
0x15b: {  	_ =	swait.ge [sflag:s28], $0x3800  }
0x15c: {  	[sflag:s28] =	ssyncset.done $0x0  }
0x15d: {  	s29 =	simm.s32 $0x3100;
	[sflag:s28] =	ssyncadd.s32 $0xFFFFC800  }
0x15e: {  	[spmem:s2] =	stream.indirect.scatter.add.f32 [tilespmem:s19], [sflag:$0x7], $0x10, s29, s15, $0xb8;
	[tilespmem:$0x1E800] =	vst v63  }
0x15f: {  	_ =	swait.ge [sflag:s30], $0x3800  }
0x160: {  	[sflag:s30] =	ssyncset.done $0x0  }
0x161: {  	s31 =	simm.s32 $0x3480;
	[sflag:s30] =	ssyncadd.s32 $0xFFFFC800  }
0x162: {  	[spmem:s2] =	stream.indirect.scatter.add.f32 [tilespmem:s21], [sflag:$0x8], $0x10, s31, s15, $0xb8;
	[tilespmem:$0x1E800] =	vst v63  }
0x163: {  	_ =	swait.ge [sflag:s0], $0x3800  }
0x164: {  	[sflag:s0] =	ssyncset.done $0x0  }
0x165: {  	[sflag:s0] =	ssyncadd.s32 $0xFFFFC800  }
0x166: {  	_ =	swait.ge [sflag:s8], $0x3800  }
0x167: {  	[sflag:s8] =	ssyncset.done $0x0  }
0x168: {  	[sflag:s8] =	ssyncadd.s32 $0xFFFFC800  }
0x169: {  	_ =	swait.ge [sflag:s11], $0x3800  }
0x16a: {  	[sflag:s11] =	ssyncset.done $0x0  }
0x16b: {  	[sflag:s11] =	ssyncadd.s32 $0xFFFFC800  }
0x16c: {  	_ =	swait.ge [sflag:s24], $0x3800  }
0x16d: {  	s18 =	simm.s32 $0x380;
	s26 =	simm.s32 $0x700;
	[sflag:s24] =	ssyncset.done $0x0  }
.LBB2_10:
0x16e: {  	s29 =	sadd.s32 s18, s5  }
0x16f: {  	[sflag:s24] =	ssyncadd.s32 $0xFFFFC800;
	s31 =	smov.u32 s26;
	s12 =	sadd.s32 $0x380, s26  }
0x170: {  	[tilespmem:s3], [sflag:$0x9] =	stream.linear.gather [hbm4b:s29+s3], $0x1C00, $0x38;
	[tilespmem:$0x1E800] =	vst v63  }
0x171: {  	s29 =	simm.s32 $0x700  }
0x172: {  	p0 =	sne.s32 s26, $0x1500;
	_ =	swait.ge [sflag:s13], $0x1C00  }
0x173: {  	s26 =	sadd.s32 s18, s6;
	[sflag:s13] =	ssyncset.done $0x0  }
0x174: {  	s18 =	smov.u32 s31;
	s31 =	simm.s32 $0xA80;
	[sflag:s13] =	ssyncadd.s32 $0xFFFFE400  }
0x175: {  	[tilespmem:s14], [sflag:$0x9] =	stream.linear.gather [hbm4b:s26+s3], $0x1C00, $0x38;
	[tilespmem:$0x1E800] =	vst v63  }
0x176: {  	_ =	swait.ge [sflag:s13], $0x1C00  }
0x177: {  	[sflag:s13] =	ssyncset.done $0x0  }
0x178: {  	[sflag:s13] =	ssyncadd.s32 $0xFFFFE400  }
0x179: {  	[tilespmem:s16], [sflag:$0x1] =	stream.indirect.gather [hbm4b:s9+s15], $0x10, s3, s15, $0xb8;
	[tilespmem:$0x1E800] =	vst v63  }
0x17a: {  	_ = 	snop  }
0x17b: {  	[tilespmem:s17], [sflag:$0x2] =	stream.indirect.gather [hbm4b:s9+s15], $0x10, s15, s15, $0xb8;
	[tilespmem:$0x1E800] =	vst v63  }
0x17c: {  	_ = 	snop  }
0x17d: {  	[tilespmem:s19], [sflag:$0x3] =	stream.indirect.gather [hbm4b:s9+s15], $0x10, s29, s15, $0xb8;
	[tilespmem:$0x1E800] =	vst v63  }
0x17e: {  	_ = 	snop  }
0x17f: {  	[tilespmem:s21], [sflag:$0x4] =	stream.indirect.gather [hbm4b:s9+s15], $0x10, s31, s15, $0xb8;
	[tilespmem:$0x1E800] =	vst v63  }
0x180: {  	_ =	swait.ge [sflag:s22], $0x3800  }
0x181: {  	[sflag:s22] =	ssyncset.done $0x0  }
0x182: {  	[sflag:s22] =	ssyncadd.s32 $0xFFFFC800  }
0x183: {  	[spmem:s2] =	stream.indirect.scatter.add.f32 [tilespmem:s16], [sflag:$0x5], $0x10, s14, s15, $0xb8;
	[tilespmem:$0x1E800] =	vst v63  }
0x184: {  	_ =	swait.ge [sflag:s25], $0x3800  }
0x185: {  	[sflag:s25] =	ssyncset.done $0x0  }
0x186: {  	[sflag:s25] =	ssyncadd.s32 $0xFFFFC800  }
0x187: {  	[spmem:s2] =	stream.indirect.scatter.add.f32 [tilespmem:s17], [sflag:$0x6], $0x10, s20, s15, $0xb8;
	[tilespmem:$0x1E800] =	vst v63  }
0x188: {  	_ =	swait.ge [sflag:s28], $0x3800  }
0x189: {  	[sflag:s28] =	ssyncset.done $0x0  }
0x18a: {  	[sflag:s28] =	ssyncadd.s32 $0xFFFFC800  }
0x18b: {  	[spmem:s2] =	stream.indirect.scatter.add.f32 [tilespmem:s19], [sflag:$0x7], $0x10, s1, s15, $0xb8;
	[tilespmem:$0x1E800] =	vst v63  }
0x18c: {  	_ =	swait.ge [sflag:s30], $0x3800  }
0x18d: {  	[sflag:s30] =	ssyncset.done $0x0  }
0x18e: {  	[sflag:s30] =	ssyncadd.s32 $0xFFFFC800  }
0x18f: {  	[spmem:s2] =	stream.indirect.scatter.add.f32 [tilespmem:s21], [sflag:$0x8], $0x10, s10, s15, $0xb8;
	[tilespmem:$0x1E800] =	vst v63  }
0x190: {  	_ =	swait.ge [sflag:s0], $0x3800  }
0x191: {  	[sflag:s0] =	ssyncset.done $0x0  }
0x192: {  	[sflag:s0] =	ssyncadd.s32 $0xFFFFC800  }
0x193: {  	[tilespmem:s16], [sflag:$0x1] =	stream.indirect.gather [hbm4b:s9+s15], $0x10, s23, s15, $0xb8;
	[tilespmem:$0x1E800] =	vst v63  }
0x194: {  	_ =	swait.ge [sflag:s8], $0x3800  }
0x195: {  	[sflag:s8] =	ssyncset.done $0x0  }
0x196: {  	s26 =	simm.s32 $0x1180;
	[sflag:s8] =	ssyncadd.s32 $0xFFFFC800  }
0x197: {  	[tilespmem:s17], [sflag:$0x2] =	stream.indirect.gather [hbm4b:s9+s15], $0x10, s26, s15, $0xb8;
	[tilespmem:$0x1E800] =	vst v63  }
0x198: {  	_ =	swait.ge [sflag:s11], $0x3800  }
0x199: {  	[sflag:s11] =	ssyncset.done $0x0  }
0x19a: {  	s26 =	simm.s32 $0x1500;
	[sflag:s11] =	ssyncadd.s32 $0xFFFFC800  }
0x19b: {  	[tilespmem:s19], [sflag:$0x3] =	stream.indirect.gather [hbm4b:s9+s15], $0x10, s26, s15, $0xb8;
	[tilespmem:$0x1E800] =	vst v63  }
0x19c: {  	_ =	swait.ge [sflag:s24], $0x3800  }
0x19d: {  	[sflag:s24] =	ssyncset.done $0x0  }
0x19e: {  	s26 =	simm.s32 $0x1880;
	[sflag:s24] =	ssyncadd.s32 $0xFFFFC800  }
0x19f: {  	[tilespmem:s21], [sflag:$0x4] =	stream.indirect.gather [hbm4b:s9+s15], $0x10, s26, s15, $0xb8;
	[tilespmem:$0x1E800] =	vst v63  }
0x1a0: {  	_ =	swait.ge [sflag:s22], $0x3800  }
0x1a1: {  	[sflag:s22] =	ssyncset.done $0x0  }
0x1a2: {  	s26 =	simm.s32 $0x2A00;
	[sflag:s22] =	ssyncadd.s32 $0xFFFFC800  }
0x1a3: {  	[spmem:s2] =	stream.indirect.scatter.add.f32 [tilespmem:s16], [sflag:$0x5], $0x10, s26, s15, $0xb8;
	[tilespmem:$0x1E800] =	vst v63  }
0x1a4: {  	_ =	swait.ge [sflag:s25], $0x3800  }
0x1a5: {  	[sflag:s25] =	ssyncset.done $0x0  }
0x1a6: {  	s26 =	simm.s32 $0x2D80;
	[sflag:s25] =	ssyncadd.s32 $0xFFFFC800  }
0x1a7: {  	[spmem:s2] =	stream.indirect.scatter.add.f32 [tilespmem:s17], [sflag:$0x6], $0x10, s26, s15, $0xb8;
	[tilespmem:$0x1E800] =	vst v63  }
0x1a8: {  	_ =	swait.ge [sflag:s28], $0x3800  }
0x1a9: {  	[sflag:s28] =	ssyncset.done $0x0  }
0x1aa: {  	s26 =	simm.s32 $0x3100;
	[sflag:s28] =	ssyncadd.s32 $0xFFFFC800  }
0x1ab: {  	[spmem:s2] =	stream.indirect.scatter.add.f32 [tilespmem:s19], [sflag:$0x7], $0x10, s26, s15, $0xb8;
	[tilespmem:$0x1E800] =	vst v63  }
0x1ac: {  	_ =	swait.ge [sflag:s30], $0x3800  }
0x1ad: {  	[sflag:s30] =	ssyncset.done $0x0  }
0x1ae: {  	s26 =	simm.s32 $0x3480;
	[sflag:s30] =	ssyncadd.s32 $0xFFFFC800  }
0x1af: {  	[spmem:s2] =	stream.indirect.scatter.add.f32 [tilespmem:s21], [sflag:$0x8], $0x10, s26, s15, $0xb8;
	[tilespmem:$0x1E800] =	vst v63  }
0x1b0: {  	_ =	swait.ge [sflag:s0], $0x3800  }
0x1b1: {  	[sflag:s0] =	ssyncset.done $0x0  }
0x1b2: {  	[sflag:s0] =	ssyncadd.s32 $0xFFFFC800  }
0x1b3: {  	_ =	swait.ge [sflag:s8], $0x3800  }
0x1b4: {  	[sflag:s8] =	ssyncset.done $0x0  }
0x1b5: {  	[sflag:s8] =	ssyncadd.s32 $0xFFFFC800  }
.Ltmp4:
0x1b6: {  	_ =	swait.ge [sflag:s11], $0x3800;
	(pc) =	sbr.rel @p0 .LBB2_10-.Ltmp4, $4  }
0x1b7: {  	[sflag:s11] =	ssyncset.done $0x0  }
0x1b8: {  	[sflag:s11] =	ssyncadd.s32 $0xFFFFC800  }
0x1b9: {  	_ =	swait.ge [sflag:s24], $0x3800  }
0x1ba: {  	s26 =	smov.u32 s12;
	[sflag:s24] =	ssyncset.done $0x0  }
0x1bb: {  	s12 =	sadd.s32 s18, s5;
	[sflag:s24] =	ssyncadd.s32 $0xFFFFC800  }
0x1bc: {  	[tilespmem:s3], [sflag:$0x9] =	stream.linear.gather [hbm4b:s12+s3], $0x1C00, $0x38;
	[tilespmem:$0x1E800] =	vst v63  }
0x1bd: {  	_ =	swait.ge [sflag:s13], $0x1C00  }
0x1be: {  	[sflag:s13] =	ssyncset.done $0x0  }
0x1bf: {  	s5 =	sadd.s32 s18, s6;
	[sflag:s13] =	ssyncadd.s32 $0xFFFFE400  }
0x1c0: {  	[tilespmem:s14], [sflag:$0x9] =	stream.linear.gather [hbm4b:s5+s3], $0x1C00, $0x38;
	[tilespmem:$0x1E800] =	vst v63  }
0x1c1: {  	_ =	swait.ge [sflag:s13], $0x1C00  }
0x1c2: {  	[sflag:s13] =	ssyncset.done $0x0  }
0x1c3: {  	[sflag:s13] =	ssyncadd.s32 $0xFFFFE400  }
0x1c4: {  	[tilespmem:s16], [sflag:$0x1] =	stream.indirect.gather [hbm4b:s9+s15], $0x10, s3, s15, $0xb8;
	[tilespmem:$0x1E800] =	vst v63  }
0x1c5: {  	_ = 	snop  }
0x1c6: {  	[tilespmem:s17], [sflag:$0x2] =	stream.indirect.gather [hbm4b:s9+s15], $0x10, s15, s15, $0xb8;
	[tilespmem:$0x1E800] =	vst v63  }
0x1c7: {  	_ = 	snop  }
0x1c8: {  	[tilespmem:s19], [sflag:$0x3] =	stream.indirect.gather [hbm4b:s9+s15], $0x10, s29, s15, $0xb8;
	[tilespmem:$0x1E800] =	vst v63  }
0x1c9: {  	_ = 	snop  }
0x1ca: {  	[tilespmem:s21], [sflag:$0x4] =	stream.indirect.gather [hbm4b:s9+s15], $0x10, s31, s15, $0xb8;
	[tilespmem:$0x1E800] =	vst v63  }
0x1cb: {  	_ =	swait.ge [sflag:s22], $0x3800  }
0x1cc: {  	[sflag:s22] =	ssyncset.done $0x0  }
0x1cd: {  	[sflag:s22] =	ssyncadd.s32 $0xFFFFC800  }
0x1ce: {  	[spmem:s2] =	stream.indirect.scatter.add.f32 [tilespmem:s16], [sflag:$0x5], $0x10, s14, s15, $0xb8;
	[tilespmem:$0x1E800] =	vst v63  }
0x1cf: {  	_ =	swait.ge [sflag:s25], $0x3800  }
0x1d0: {  	[sflag:s25] =	ssyncset.done $0x0  }
0x1d1: {  	[sflag:s25] =	ssyncadd.s32 $0xFFFFC800  }
0x1d2: {  	[spmem:s2] =	stream.indirect.scatter.add.f32 [tilespmem:s17], [sflag:$0x6], $0x10, s20, s15, $0xb8;
	[tilespmem:$0x1E800] =	vst v63  }
0x1d3: {  	_ =	swait.ge [sflag:s28], $0x3800  }
0x1d4: {  	[sflag:s28] =	ssyncset.done $0x0  }
0x1d5: {  	[sflag:s28] =	ssyncadd.s32 $0xFFFFC800  }
0x1d6: {  	[spmem:s2] =	stream.indirect.scatter.add.f32 [tilespmem:s19], [sflag:$0x7], $0x10, s1, s15, $0xb8;
	[tilespmem:$0x1E800] =	vst v63  }
0x1d7: {  	_ =	swait.ge [sflag:s30], $0x3800  }
0x1d8: {  	[sflag:s30] =	ssyncset.done $0x0  }
0x1d9: {  	[sflag:s30] =	ssyncadd.s32 $0xFFFFC800  }
0x1da: {  	[spmem:s2] =	stream.indirect.scatter.add.f32 [tilespmem:s21], [sflag:$0x8], $0x10, s10, s15, $0xb8;
	[tilespmem:$0x1E800] =	vst v63  }
0x1db: {  	_ =	swait.ge [sflag:s0], $0x3800  }
0x1dc: {  	[sflag:s0] =	ssyncset.done $0x0  }
0x1dd: {  	[sflag:s0] =	ssyncadd.s32 $0xFFFFC800  }
0x1de: {  	[tilespmem:s16], [sflag:$0x1] =	stream.indirect.gather [hbm4b:s9+s15], $0x10, s23, s15, $0xb8;
	[tilespmem:$0x1E800] =	vst v63  }
0x1df: {  	_ =	swait.ge [sflag:s8], $0x3800  }
0x1e0: {  	[sflag:s8] =	ssyncset.done $0x0  }
0x1e1: {  	s18 =	simm.s32 $0x1180;
	[sflag:s8] =	ssyncadd.s32 $0xFFFFC800  }
0x1e2: {  	[tilespmem:s17], [sflag:$0x2] =	stream.indirect.gather [hbm4b:s9+s15], $0x10, s18, s15, $0xb8;
	[tilespmem:$0x1E800] =	vst v63  }
0x1e3: {  	_ =	swait.ge [sflag:s11], $0x3800  }
0x1e4: {  	[sflag:s11] =	ssyncset.done $0x0  }
0x1e5: {  	s20 =	simm.s32 $0x1500;
	[sflag:s11] =	ssyncadd.s32 $0xFFFFC800  }
0x1e6: {  	[tilespmem:s19], [sflag:$0x3] =	stream.indirect.gather [hbm4b:s9+s15], $0x10, s20, s15, $0xb8;
	[tilespmem:$0x1E800] =	vst v63  }
0x1e7: {  	_ =	swait.ge [sflag:s24], $0x3800  }
0x1e8: {  	[sflag:s24] =	ssyncset.done $0x0  }
0x1e9: {  	s23 =	simm.s32 $0x1880;
	[sflag:s24] =	ssyncadd.s32 $0xFFFFC800  }
0x1ea: {  	[tilespmem:s21], [sflag:$0x4] =	stream.indirect.gather [hbm4b:s9+s15], $0x10, s23, s15, $0xb8;
	[tilespmem:$0x1E800] =	vst v63  }
0x1eb: {  	_ =	swait.ge [sflag:s22], $0x3800  }
0x1ec: {  	[sflag:s22] =	ssyncset.done $0x0  }
0x1ed: {  	s26 =	simm.s32 $0x2A00;
	[sflag:s22] =	ssyncadd.s32 $0xFFFFC800  }
0x1ee: {  	[spmem:s2] =	stream.indirect.scatter.add.f32 [tilespmem:s16], [sflag:$0x5], $0x10, s26, s15, $0xb8;
	[tilespmem:$0x1E800] =	vst v63  }
0x1ef: {  	_ =	swait.ge [sflag:s25], $0x3800  }
0x1f0: {  	[sflag:s25] =	ssyncset.done $0x0  }
0x1f1: {  	s5 =	simm.s32 $0x2D80;
	[sflag:s25] =	ssyncadd.s32 $0xFFFFC800  }
0x1f2: {  	[spmem:s2] =	stream.indirect.scatter.add.f32 [tilespmem:s17], [sflag:$0x6], $0x10, s5, s15, $0xb8;
	[tilespmem:$0x1E800] =	vst v63  }
0x1f3: {  	_ =	swait.ge [sflag:s28], $0x3800  }
0x1f4: {  	[sflag:s28] =	ssyncset.done $0x0  }
0x1f5: {  	s10 =	simm.s32 $0x3100;
	[sflag:s28] =	ssyncadd.s32 $0xFFFFC800  }
0x1f6: {  	[spmem:s2] =	stream.indirect.scatter.add.f32 [tilespmem:s19], [sflag:$0x7], $0x10, s10, s15, $0xb8;
	[tilespmem:$0x1E800] =	vst v63  }
0x1f7: {  	_ =	swait.ge [sflag:s30], $0x3800  }
0x1f8: {  	[sflag:s30] =	ssyncset.done $0x0  }
0x1f9: {  	s12 =	simm.s32 $0x3480;
	[sflag:s30] =	ssyncadd.s32 $0xFFFFC800  }
0x1fa: {  	[spmem:s2] =	stream.indirect.scatter.add.f32 [tilespmem:s21], [sflag:$0x8], $0x10, s12, s15, $0xb8;
	[tilespmem:$0x1E800] =	vst v63  }
0x1fb: {  	_ =	swait.ge [sflag:s0], $0x3800  }
0x1fc: {  	[sflag:s0] =	ssyncset.done $0x0  }
0x1fd: {  	[sflag:s0] =	ssyncadd.s32 $0xFFFFC800  }
0x1fe: {  	_ =	swait.ge [sflag:s8], $0x3800  }
0x1ff: {  	[sflag:s8] =	ssyncset.done $0x0  }
0x200: {  	[sflag:s8] =	ssyncadd.s32 $0xFFFFC800  }
0x201: {  	_ =	swait.ge [sflag:s11], $0x3800  }
0x202: {  	[sflag:s11] =	ssyncset.done $0x0  }
0x203: {  	[sflag:s11] =	ssyncadd.s32 $0xFFFFC800  }
0x204: {  	_ =	swait.ge [sflag:s24], $0x3800  }
0x205: {  	[sflag:s24] =	ssyncset.done $0x0  }
0x206: {  	[sflag:s24] =	ssyncadd.s32 $0xFFFFC800  }
0x207: {  	[bflag:$0x0] =	sbarrier.arrive $0xFFFF  }
0x208: {  	s18 =	rddreg [dreg:$0x8]  }
0x209: {  	s29 =	smov.u32 s4;
	s20 =	rddreg [dreg:$0xb]  }
0x20a: {  	s31 =	simm.s32 $0x11800;
	s1 =	simm.s32 $0x2300;
	s23 =	rddreg [dreg:$0xc]  }
0x20b: {  	[hbm:s18], [sflag:s20] =	dma.local [spmem:s23], $0x1900  }
0x20c: {  	s26 =	sadd.s32 $0x0, s4;
	s4 =	simm.s32 $0x2A00;
	_ =	swait.ge [sflag:s13], $0x1900  }
0x20d: {  	s5 =	simm.s32 $0x2D80;
	s10 =	simm.s32 $0x2680;
	[sflag:s13] =	ssyncset.done $0x0  }
0x20e: {  	s12 =	simm.s32 $0x2000;
	s20 =	simm.s32 $0x1F80;
	[sflag:s13] =	ssyncadd.s32 $0xFFFFE700  }
0x20f: {  	[spmem:s26] =	stream.linear.scatter [tilespmem:s31], [sflag:$0x9], $0x800, $0x38;
	[tilespmem:$0x1E800] =	vst v63  }
0x210: {  	s23 =	simm.s32 $0x3480;
	s26 =	simm.s32 $0x3100;
	_ =	swait.ge [sflag:s13], $0x800  }
.LBB2_12:
0x211: {  	s18 =	sshra.s32 s12, $0x2;
	[sflag:s13] =	ssyncset.done $0x0;
	p0 =	sne.s32 s12, $0x30000  }
.Ltmp5:
0x212: {  	s18 =	sadd.s32 s18, s29;
	[sflag:s13] =	ssyncadd.s32 $0xFFFFF800;
	(pc) =	sbr.rel @p0 .LBB2_12-.Ltmp5, $3  }
0x213: {  	[spmem:s18] =	stream.linear.scatter [tilespmem:s31], [sflag:$0x9], $0x800, $0x38;
	[tilespmem:$0x1E800] =	vst v63  }
0x214: {  	s12 =	sadd.s32 $0x2000, s12;
	_ =	sdelay $0x1  }
0x215: {  	_ =	swait.ge [sflag:s13], $0x800  }
0x216: {  	[sflag:s13] =	ssyncset.done $0x0  }
0x217: {  	s12 =	simm.s32 $0x40;
	s18 =	simm.s32 $0x0;
	[sflag:s13] =	ssyncadd.s32 $0xFFFFF800  }
.LBB2_14:
0x218: {  	p0 =	sne.s32 s12, $0xDFC0;
	[tilespmem:s18+$0x3800] =	vst v1;
	s18 =	smov.u32 s12;
	s12 =	sadd.s32 $0x40, s12  }
.Ltmp6:
0x219: {  	(pc) =	sbr.rel @p0 .LBB2_14-.Ltmp6, $2  }
0x21a: {  	_ =	sdelay $0x2  }
0x21b: {  	s18 =	sshra.s32 s18, $0x2  }
0x21c: {  	[tilespmem:s18+$0x3800] =	vst v1  }
0x21d: {  	s12 =	sadd.s32 $0x0, s6;
	[bflag:$0x0] =	sbarrier.arrive $0xFFFF  }
0x21e: {  	[tilespmem:s14], [sflag:$0x9] =	stream.linear.gather [hbm4b:s12+s3], $0x1C00, $0x38;
	[tilespmem:$0x1E800] =	vst v63  }
0x21f: {  	_ =	swait.ge [sflag:s13], $0x1C00  }
0x220: {  	[sflag:s13] =	ssyncset.done $0x0  }
0x221: {  	[sflag:s13] =	ssyncadd.s32 $0xFFFFE400  }
0x222: {  	[spmem:s2] =	stream.indirect.scatter.add.f32 [tilespmem:s16], [sflag:$0x5], $0x10, s14, s15, $0xb8;
	[tilespmem:$0x1E800] =	vst v63  }
0x223: {  	_ = 	snop  }
0x224: {  	[spmem:s2] =	stream.indirect.scatter.add.f32 [tilespmem:s16], [sflag:$0x5], $0x10, s20, s15, $0xb8;
	[tilespmem:$0x1E800] =	vst v63  }
0x225: {  	_ = 	snop  }
0x226: {  	[spmem:s2] =	stream.indirect.scatter.add.f32 [tilespmem:s16], [sflag:$0x5], $0x10, s1, s15, $0xb8;
	[tilespmem:$0x1E800] =	vst v63  }
0x227: {  	_ = 	snop  }
0x228: {  	[spmem:s2] =	stream.indirect.scatter.add.f32 [tilespmem:s16], [sflag:$0x5], $0x10, s10, s15, $0xb8;
	[tilespmem:$0x1E800] =	vst v63  }
0x229: {  	_ = 	snop  }
0x22a: {  	[spmem:s2] =	stream.indirect.scatter.add.f32 [tilespmem:s16], [sflag:$0x5], $0x10, s4, s15, $0xb8;
	[tilespmem:$0x1E800] =	vst v63  }
0x22b: {  	_ = 	snop  }
0x22c: {  	[spmem:s2] =	stream.indirect.scatter.add.f32 [tilespmem:s16], [sflag:$0x5], $0x10, s5, s15, $0xb8;
	[tilespmem:$0x1E800] =	vst v63  }
0x22d: {  	_ = 	snop  }
0x22e: {  	[spmem:s2] =	stream.indirect.scatter.add.f32 [tilespmem:s16], [sflag:$0x5], $0x10, s26, s15, $0xb8;
	[tilespmem:$0x1E800] =	vst v63  }
0x22f: {  	_ = 	snop  }
0x230: {  	[spmem:s2] =	stream.indirect.scatter.add.f32 [tilespmem:s16], [sflag:$0x5], $0x10, s23, s15, $0xb8;
	[tilespmem:$0x1E800] =	vst v63  }
0x231: {  	_ =	swait.ge [sflag:s0], $0x3800  }
0x232: {  	[sflag:s0] =	ssyncset.done $0x0  }
0x233: {  	[sflag:s0] =	ssyncadd.s32 $0xFFFFC800  }
0x234: {  	_ =	swait.ge [sflag:s0], $0x3800  }
0x235: {  	[sflag:s0] =	ssyncset.done $0x0  }
0x236: {  	[sflag:s0] =	ssyncadd.s32 $0xFFFFC800  }
0x237: {  	_ =	swait.ge [sflag:s0], $0x3800  }
0x238: {  	[sflag:s0] =	ssyncset.done $0x0  }
0x239: {  	[sflag:s0] =	ssyncadd.s32 $0xFFFFC800  }
0x23a: {  	_ =	swait.ge [sflag:s0], $0x3800  }
0x23b: {  	[sflag:s0] =	ssyncset.done $0x0  }
0x23c: {  	[sflag:s0] =	ssyncadd.s32 $0xFFFFC800  }
0x23d: {  	_ =	swait.ge [sflag:s0], $0x3800  }
0x23e: {  	[sflag:s0] =	ssyncset.done $0x0  }
0x23f: {  	[sflag:s0] =	ssyncadd.s32 $0xFFFFC800  }
0x240: {  	_ =	swait.ge [sflag:s0], $0x3800  }
0x241: {  	[sflag:s0] =	ssyncset.done $0x0  }
0x242: {  	[sflag:s0] =	ssyncadd.s32 $0xFFFFC800  }
0x243: {  	_ =	swait.ge [sflag:s0], $0x3800  }
0x244: {  	[sflag:s0] =	ssyncset.done $0x0  }
0x245: {  	s12 =	simm.s32 $0x380;
	[sflag:s0] =	ssyncadd.s32 $0xFFFFC800  }
0x246: {  	s4 =	simm.s32 $0x2A00;
	s5 =	simm.s32 $0x2D80;
	_ =	swait.ge [sflag:s0], $0x3800  }
0x247: {  	s26 =	simm.s32 $0x700;
	s23 =	simm.s32 $0x3480;
	[sflag:s0] =	ssyncset.done $0x0  }
.LBB2_16:
0x248: {  	s29 =	sadd.s32 s12, s6;
	[sflag:s0] =	ssyncadd.s32 $0xFFFFC800  }
0x249: {  	s12 =	smov.u32 s26;
	s18 =	sadd.s32 $0x380, s26;
	s10 =	simm.s32 $0x2680  }
0x24a: {  	[tilespmem:s14], [sflag:$0x9] =	stream.linear.gather [hbm4b:s29+s3], $0x1C00, $0x38;
	[tilespmem:$0x1E800] =	vst v63  }
0x24b: {  	s1 =	simm.s32 $0x2300;
	s20 =	simm.s32 $0x1F80;
	s29 =	simm.s32 $0x3100  }
0x24c: {  	p0 =	sne.s32 s26, $0x1500;
	_ =	swait.ge [sflag:s13], $0x1C00  }
0x24d: {  	[sflag:s13] =	ssyncset.done $0x0  }
0x24e: {  	[sflag:s13] =	ssyncadd.s32 $0xFFFFE400  }
0x24f: {  	[spmem:s2] =	stream.indirect.scatter.add.f32 [tilespmem:s16], [sflag:$0x5], $0x10, s14, s15, $0xb8;
	[tilespmem:$0x1E800] =	vst v63  }
0x250: {  	_ = 	snop  }
0x251: {  	[spmem:s2] =	stream.indirect.scatter.add.f32 [tilespmem:s16], [sflag:$0x5], $0x10, s20, s15, $0xb8;
	[tilespmem:$0x1E800] =	vst v63  }
0x252: {  	_ = 	snop  }
0x253: {  	[spmem:s2] =	stream.indirect.scatter.add.f32 [tilespmem:s16], [sflag:$0x5], $0x10, s1, s15, $0xb8;
	[tilespmem:$0x1E800] =	vst v63  }
0x254: {  	_ = 	snop  }
0x255: {  	[spmem:s2] =	stream.indirect.scatter.add.f32 [tilespmem:s16], [sflag:$0x5], $0x10, s10, s15, $0xb8;
	[tilespmem:$0x1E800] =	vst v63  }
0x256: {  	_ = 	snop  }
0x257: {  	[spmem:s2] =	stream.indirect.scatter.add.f32 [tilespmem:s16], [sflag:$0x5], $0x10, s4, s15, $0xb8;
	[tilespmem:$0x1E800] =	vst v63  }
0x258: {  	_ = 	snop  }
0x259: {  	[spmem:s2] =	stream.indirect.scatter.add.f32 [tilespmem:s16], [sflag:$0x5], $0x10, s5, s15, $0xb8;
	[tilespmem:$0x1E800] =	vst v63  }
0x25a: {  	_ = 	snop  }
0x25b: {  	[spmem:s2] =	stream.indirect.scatter.add.f32 [tilespmem:s16], [sflag:$0x5], $0x10, s29, s15, $0xb8;
	[tilespmem:$0x1E800] =	vst v63  }
0x25c: {  	_ = 	snop  }
0x25d: {  	[spmem:s2] =	stream.indirect.scatter.add.f32 [tilespmem:s16], [sflag:$0x5], $0x10, s23, s15, $0xb8;
	[tilespmem:$0x1E800] =	vst v63  }
0x25e: {  	_ =	swait.ge [sflag:s0], $0x3800  }
0x25f: {  	[sflag:s0] =	ssyncset.done $0x0  }
0x260: {  	[sflag:s0] =	ssyncadd.s32 $0xFFFFC800  }
0x261: {  	_ =	swait.ge [sflag:s0], $0x3800  }
0x262: {  	[sflag:s0] =	ssyncset.done $0x0  }
0x263: {  	[sflag:s0] =	ssyncadd.s32 $0xFFFFC800  }
0x264: {  	_ =	swait.ge [sflag:s0], $0x3800  }
0x265: {  	[sflag:s0] =	ssyncset.done $0x0  }
0x266: {  	[sflag:s0] =	ssyncadd.s32 $0xFFFFC800  }
0x267: {  	_ =	swait.ge [sflag:s0], $0x3800  }
0x268: {  	[sflag:s0] =	ssyncset.done $0x0  }
0x269: {  	[sflag:s0] =	ssyncadd.s32 $0xFFFFC800  }
0x26a: {  	_ =	swait.ge [sflag:s0], $0x3800  }
0x26b: {  	[sflag:s0] =	ssyncset.done $0x0  }
0x26c: {  	[sflag:s0] =	ssyncadd.s32 $0xFFFFC800  }
0x26d: {  	_ =	swait.ge [sflag:s0], $0x3800  }
0x26e: {  	[sflag:s0] =	ssyncset.done $0x0  }
0x26f: {  	[sflag:s0] =	ssyncadd.s32 $0xFFFFC800  }
.Ltmp7:
0x270: {  	_ =	swait.ge [sflag:s0], $0x3800;
	(pc) =	sbr.rel @p0 .LBB2_16-.Ltmp7, $4  }
0x271: {  	[sflag:s0] =	ssyncset.done $0x0  }
0x272: {  	[sflag:s0] =	ssyncadd.s32 $0xFFFFC800  }
0x273: {  	_ =	swait.ge [sflag:s0], $0x3800  }
0x274: {  	s26 =	smov.u32 s18;
	[sflag:s0] =	ssyncset.done $0x0  }
0x275: {  	s12 =	sadd.s32 s12, s6;
	[sflag:s0] =	ssyncadd.s32 $0xFFFFC800  }
0x276: {  	[tilespmem:s14], [sflag:$0x9] =	stream.linear.gather [hbm4b:s12+s3], $0x1C00, $0x38;
	[tilespmem:$0x1E800] =	vst v63  }
0x277: {  	_ =	swait.ge [sflag:s13], $0x1C00  }
0x278: {  	[sflag:s13] =	ssyncset.done $0x0  }
0x279: {  	[sflag:s13] =	ssyncadd.s32 $0xFFFFE400  }
0x27a: {  	[spmem:s2] =	stream.indirect.scatter.add.f32 [tilespmem:s16], [sflag:$0x5], $0x10, s14, s15, $0xb8;
	[tilespmem:$0x1E800] =	vst v63  }
0x27b: {  	_ = 	snop  }
0x27c: {  	[spmem:s2] =	stream.indirect.scatter.add.f32 [tilespmem:s16], [sflag:$0x5], $0x10, s20, s15, $0xb8;
	[tilespmem:$0x1E800] =	vst v63  }
0x27d: {  	_ = 	snop  }
0x27e: {  	[spmem:s2] =	stream.indirect.scatter.add.f32 [tilespmem:s16], [sflag:$0x5], $0x10, s1, s15, $0xb8;
	[tilespmem:$0x1E800] =	vst v63  }
0x27f: {  	_ = 	snop  }
0x280: {  	[spmem:s2] =	stream.indirect.scatter.add.f32 [tilespmem:s16], [sflag:$0x5], $0x10, s10, s15, $0xb8;
	[tilespmem:$0x1E800] =	vst v63  }
0x281: {  	_ = 	snop  }
0x282: {  	[spmem:s2] =	stream.indirect.scatter.add.f32 [tilespmem:s16], [sflag:$0x5], $0x10, s4, s15, $0xb8;
	[tilespmem:$0x1E800] =	vst v63  }
0x283: {  	_ = 	snop  }
0x284: {  	[spmem:s2] =	stream.indirect.scatter.add.f32 [tilespmem:s16], [sflag:$0x5], $0x10, s5, s15, $0xb8;
	[tilespmem:$0x1E800] =	vst v63  }
0x285: {  	_ = 	snop  }
0x286: {  	[spmem:s2] =	stream.indirect.scatter.add.f32 [tilespmem:s16], [sflag:$0x5], $0x10, s29, s15, $0xb8;
	[tilespmem:$0x1E800] =	vst v63  }
0x287: {  	_ = 	snop  }
0x288: {  	[spmem:s2] =	stream.indirect.scatter.add.f32 [tilespmem:s16], [sflag:$0x5], $0x10, s23, s15, $0xb8;
	[tilespmem:$0x1E800] =	vst v63  }
0x289: {  	_ =	swait.ge [sflag:s0], $0x3800  }
0x28a: {  	[sflag:s0] =	ssyncset.done $0x0  }
0x28b: {  	[sflag:s0] =	ssyncadd.s32 $0xFFFFC800  }
0x28c: {  	_ =	swait.ge [sflag:s0], $0x3800  }
0x28d: {  	[sflag:s0] =	ssyncset.done $0x0  }
0x28e: {  	[sflag:s0] =	ssyncadd.s32 $0xFFFFC800  }
0x28f: {  	_ =	swait.ge [sflag:s0], $0x3800  }
0x290: {  	[sflag:s0] =	ssyncset.done $0x0  }
0x291: {  	[sflag:s0] =	ssyncadd.s32 $0xFFFFC800  }
0x292: {  	_ =	swait.ge [sflag:s0], $0x3800  }
0x293: {  	[sflag:s0] =	ssyncset.done $0x0  }
0x294: {  	[sflag:s0] =	ssyncadd.s32 $0xFFFFC800  }
0x295: {  	_ =	swait.ge [sflag:s0], $0x3800  }
0x296: {  	[sflag:s0] =	ssyncset.done $0x0  }
0x297: {  	[sflag:s0] =	ssyncadd.s32 $0xFFFFC800  }
0x298: {  	_ =	swait.ge [sflag:s0], $0x3800  }
0x299: {  	[sflag:s0] =	ssyncset.done $0x0  }
0x29a: {  	[sflag:s0] =	ssyncadd.s32 $0xFFFFC800  }
0x29b: {  	_ =	swait.ge [sflag:s0], $0x3800  }
0x29c: {  	[sflag:s0] =	ssyncset.done $0x0  }
0x29d: {  	[sflag:s0] =	ssyncadd.s32 $0xFFFFC800  }
0x29e: {  	_ =	swait.ge [sflag:s0], $0x3800  }
0x29f: {  	[sflag:s0] =	ssyncset.done $0x0  }
0x2a0: {  	[sflag:s0] =	ssyncadd.s32 $0xFFFFC800  }
0x2a1: {  	[bflag:$0x0] =	sbarrier.arrive $0xFFFF  }
0x2a2: {  	s26 =	rddreg [dreg:$0x5]  }
0x2a3: {  	s4 =	rddreg [dreg:$0xb]  }
0x2a4: {  	s18 =	rddreg [dreg:$0xc]  }
0x2a5: {  	[hbm:s26], [sflag:s4] =	dma.local [spmem:s18], $0x1900  }
0x2a6: {  	_ =	swait.ge [sflag:s13], $0x1900  }
0x2a7: {  	s23 =	rddreg [dreg:$0xa]  }
0x2a8: {  	s26 =	rddreg [dreg:$0x6];
	s5 =	sadd.s32 $0x1, s23  }
0x2a9: {  	p0 =	sne.s32 s5, s26  }
.Ltmp8:
0x2aa: {  	_ = 	snop;
	(pc) =	sbr.rel @p0 .LBB2_1-.Ltmp8, $3  }
0x2ab: {  	_ =	sdelay $0x1  }
0x2ac: {  	s29 =	simm.s32 $0x1180;
	[sflag:s13] =	ssyncset.done $0x0;
	s4 =	rddreg [dreg:$0xd]  }
0x2ad: {  	[sflag:s13] =	ssyncadd.s32 $0xFFFFE700;
	s23 =	simm.s32 $0xE00;
	s26 =	simm.s32 $0x700  }
0x2ae: {  	_ =	sfence.sel $0x180000  }
0x2af: {  	[bflag:$0x0] =	sbarrier.arrive $0xFFFF  }
0x2b0: {  	_ =	strace $0x90000047  }
0x2b1: {  	s0 =	stileid.u32;
	[bflag:$0x2] =	sbarrier.arrive $0xFFFF  }
0x2b2: {  	p0 =	sne.s32 s0, $0x0;
	s0 =	rddreg [dreg:$0x3]  }
0x2b3: {  	s0 =	sadd.s32 @!p0 $0x100000, s0  }
0x2b4: {  	[sflag:s0] =	ssyncadd.tile.s32 @!p0 $0x1;
	_ =	shalt  }
.Lfunc_end2:
_tile_overlayer_lowered:
.L_overlay_start_2:
0x2b5: {  	(tag) =	ssettag $0x2  }
0x2b6: {  	s0 =	rddreg [dreg:$0x0];
	s2 =	stileid.u32  }
0x2b7: {  	s1 =	rddreg [dreg:$0x1];
	p0 =	sne.s32 s2, $0x0  }
0x2b8: {  	s3 =	rddreg [dreg:$0x2];
	[bflag:$0x3] =	sbarrier.arrive $0xFFFF;
	s2 =	simm.s32 @!p0 $0x1C09  }
0x2b9: {  	[timem:s3], [sflag:s2] =	dma.local @!p0 [hbm:s0], s1  }
0x2ba: {  	s0 =	simm.s32 @!p0 $0x9  }
0x2bb: {  	_ =	swait.ge @!p0 [sflag:s0], s1  }
0x2bc: {  	s1 =	ssub.s32 @!p0 $0x0, s1;
	[sflag:s0] =	ssyncset.done @!p0 $0x0  }
0x2bd: {  	[sflag:s0] =	ssyncadd.s32 @!p0 s1  }
0x2be: {  	[bflag:$0x3] =	sbarrier.arrive $0xFFFF  }
0x2bf: {  	_ =	shalt  }

// kernel: kernel.9.cloned.1.call-start
scs
__scs_entry_jumppad:
0x0: {  	(pc) =	sbr.rel $0x88, $3  }
0x1: {  	(tag) =	ssettag $0x0;
	lr =	simm.s32 $0x1  }
0x2: {  	[smem:$0x3F93] =	sst lr;
	_ =	strace $0xD0000000  }
0x3: {  	_ = 	snop  }
0x4: {  	_ = 	snop  }
0x5: {  	_ = 	snop  }
0x6: {  	_ = 	snop  }
0x7: {  	_ = 	snop  }
__scs_overlays_trampoline_lowered:
0x8: {  	[smem:$0x3FA2] =	sst s0  }
0x9: {  	[smem:$0x3FA3] =	sst s1  }
0xa: {  	[smem:$0x3FA4] =	sst s2  }
0xb: {  	[smem:$0x3FA5] =	sst s3  }
0xc: {  	[smem:$0x3FA6] =	sst s4  }
0xd: {  	[smem:$0x3FA7] =	sst s5  }
0xe: {  	[smem:$0x3FA8] =	sst s6  }
0xf: {  	[smem:$0x3FA9] =	sst s7  }
0x10: {  	[smem:$0x3FAA] =	sst s8  }
0x11: {  	[smem:$0x3FAB] =	sst s9;
	s0 =	simm.s32 @!p0 $0x0  }
0x12: {  	s1 =	sld [smem:$0x3F91];
	s0 =	simm.s32 @p0 $0x1  }
0x13: {  	[smem:$0x3FAC] =	sst s0;
	s0 =	simm.s32 @!p1 $0x0  }
0x14: {  	s2 =	sld [smem:$0x3F90];
	s0 =	simm.s32 @p1 $0x1  }
0x15: {  	[smem:$0x3FAD] =	sst s0;
	s0 =	simm.s32 @!p2 $0x0  }
0x16: {  	s3 =	sld [smem:$0x3FDB];
	s0 =	simm.s32 @p2 $0x1  }
0x17: {  	s4 =	simm.s32 $0x1BF5;
	[smem:$0x3FAF] =	sst s0  }
0x18: {  	s0 =	sld [smem:$0x3F92];
	_ =	swait.ge [sflag:s4], $0x0  }
0x19: {  	s7 =	sld [smem:$0x3F93]  }
0x1a: {  	s8 =	sadd.s32 $0xFFFFE003, lr  }
0x1b: {  	s9 =	sadd.s32 $0xFFFFFEF7, lr;
	s5 =	simm.s32 $0xFFFFFFFF;
	p2 =	slt.u32 s8, $0xFFFFF086  }
0x1c: {  	p1 =	slt.u32 s9, $0xF7A;
	s5 =	simm.s32 @!p2 $0x0  }
0x1d: {  	s5 =	simm.s32 @p1 $0x1;
	p0 =	seq.s32 s7, s2  }
0x1e: {  	s7 =	smul.u32 @!p0 $0xF7A, s2;
	p2 =	seq.s32 @!p0 s5, $0x0  }
0x1f: {  	s9 =	smul.u32 $0xF7A, s1;
	s8 =	simm.s32 @!p0 $0x1BF5;
	p2 =	por !p2, p0  }
0x20: {  	[sflag:s8] =	ssyncset.s32 @!p0 $0xFFFFF086;
	s6 =	sadd.s32 @!p0 s3, s7;
	s7 =	simm.s32 @!p0 $0x108  }
0x21: {  	s3 =	sadd.s32 s3, s9;
	s6 =	sadd.s32 @!p0 $0x88, s6;
	s7 =	simm.s32 @p2 $0x1082  }
0x22: {  	[simem:s7], [sflag:s8] =	dma.local @!p0 [hbm:s6], $0xF7A  }
0x23: {  	s9 =	sor.u32 $0xD0000000, s2;
	s6 =	simm.s32 $0x108;
	_ =	swait.ge @!p0 [sflag:s8], $0x0  }
0x24: {  	s3 =	sadd.s32 $0x88, s3;
	s6 =	simm.s32 @!p1 $0x1082;
	[sflag:s4] =	ssyncset.s32 $0xFFFFF086  }
0x25: {  	[simem:s6], [sflag:s4] =	dma.local [hbm:s3], $0xF7A  }
0x26: {  	[smem:$0x3F93] =	sst s1;
	(tag) =	ssettag s2;
	_ =	strace s9  }
0x27: {  	s1 =	sld [smem:$0x3FA3]  }
0x28: {  	s2 =	sld [smem:$0x3FA4]  }
0x29: {  	s4 =	sld [smem:$0x3FA6]  }
0x2a: {  	p0 =	seq.s32 s5, $0x0;
	s5 =	sld [smem:$0x3FA7]  }
0x2b: {  	s6 =	sld [smem:$0x3FA8]  }
0x2c: {  	s7 =	sld [smem:$0x3FA9]  }
0x2d: {  	s3 =	simm.s32 $0x108;
	s8 =	sld [smem:$0x3FAA]  }
0x2e: {  	s3 =	simm.s32 @!p0 $0x1082;
	s9 =	sld [smem:$0x3FAB]  }
0x2f: {  	lr =	sadd.s32 s0, s3;
	s0 =	sld [smem:$0x3FA2]  }
0x30: {  	s3 =	sld [smem:$0x3FA5]  }
0x31: {  	[smem:$0x3FAE] =	sst s10  }
0x32: {  	s10 =	sld [smem:$0x3FAC];
	_ =	sdelay $0x3  }
0x33: {  	p0 =	seq.s32 s10, $0x1;
	s10 =	sld [smem:$0x3FAE];
	_ =	sdelay $0x3  }
0x34: {  	[smem:$0x3FAE] =	sst s10  }
0x35: {  	s10 =	sld [smem:$0x3FAD];
	_ =	sdelay $0x3  }
0x36: {  	p1 =	seq.s32 s10, $0x1;
	s10 =	sld [smem:$0x3FAE];
	_ =	sdelay $0x3  }
0x37: {  	[smem:$0x3FAE] =	sst s10  }
0x38: {  	s10 =	sld [smem:$0x3FAF]  }
0x39: {  	_ = 	snop;
	(pc) =	sbr.ind lr, $3  }
0x3a: {  	_ = 	snop  }
0x3b: {  	_ = 	snop  }
0x3c: {  	p2 =	seq.s32 s10, $0x1;
	s10 =	sld [smem:$0x3FAE]  }
0x3d: {  	_ =	shalt  }
0x3e: {  	_ =	shalt  }
0x3f: {  	_ =	shalt  }
0x40: {  	_ =	shalt  }
0x41: {  	_ =	shalt  }
0x42: {  	_ =	shalt  }
0x43: {  	_ =	shalt  }
0x44: {  	_ =	shalt  }
0x45: {  	_ =	shalt  }
0x46: {  	_ =	shalt  }
0x47: {  	_ =	shalt  }
0x48: {  	_ =	shalt  }
0x49: {  	_ =	shalt  }
0x4a: {  	_ =	shalt  }
0x4b: {  	_ =	shalt  }
0x4c: {  	_ =	shalt  }
0x4d: {  	_ =	shalt  }
0x4e: {  	_ =	shalt  }
0x4f: {  	_ =	shalt  }
0x50: {  	_ =	shalt  }
0x51: {  	_ =	shalt  }
0x52: {  	_ =	shalt  }
0x53: {  	_ =	shalt  }
0x54: {  	_ =	shalt  }
0x55: {  	_ =	shalt  }
0x56: {  	_ =	shalt  }
0x57: {  	_ =	shalt  }
0x58: {  	_ =	shalt  }
0x59: {  	_ =	shalt  }
0x5a: {  	_ =	shalt  }
0x5b: {  	_ =	shalt  }
0x5c: {  	_ =	shalt  }
0x5d: {  	_ =	shalt  }
0x5e: {  	_ =	shalt  }
0x5f: {  	_ =	shalt  }
0x60: {  	_ =	shalt  }
0x61: {  	_ =	shalt  }
0x62: {  	_ =	shalt  }
0x63: {  	_ =	shalt  }
0x64: {  	_ =	shalt  }
0x65: {  	_ =	shalt  }
0x66: {  	_ =	shalt  }
0x67: {  	_ =	shalt  }
0x68: {  	_ =	shalt  }
0x69: {  	_ =	shalt  }
0x6a: {  	_ =	shalt  }
0x6b: {  	_ =	shalt  }
0x6c: {  	_ =	shalt  }
0x6d: {  	_ =	shalt  }
0x6e: {  	_ =	shalt  }
0x6f: {  	_ =	shalt  }
0x70: {  	_ =	shalt  }
0x71: {  	_ =	shalt  }
0x72: {  	_ =	shalt  }
0x73: {  	_ =	shalt  }
0x74: {  	_ =	shalt  }
0x75: {  	_ =	shalt  }
0x76: {  	_ =	shalt  }
0x77: {  	_ =	shalt  }
0x78: {  	_ =	shalt  }
0x79: {  	_ =	shalt  }
0x7a: {  	_ =	shalt  }
0x7b: {  	_ =	shalt  }
0x7c: {  	_ =	shalt  }
0x7d: {  	_ =	shalt  }
0x7e: {  	_ =	shalt  }
0x7f: {  	_ =	shalt  }
0x80: {  	_ =	shalt  }
0x81: {  	_ =	shalt  }
0x82: {  	_ =	shalt  }
0x83: {  	_ =	shalt  }
0x84: {  	_ =	shalt  }
0x85: {  	_ =	shalt  }
0x86: {  	_ =	shalt  }
0x87: {  	_ =	shalt  }
.Lfunc_end0:
.L_simem_size_0:
called_computation.1_lowered:
.L_overlay_start_0:
0x88: {  	s2 =	sld [smem:$0x3FD9]  }
0x89: {  	s3 =	sld [smem:$0x3FFE];
	_ =	sdelay $0x1  }
0x8a: {  	s1 =	srdreg.scid  }
0x8b: {  	s0 =	sand.u32 $0x1, s1  }
0x8c: {  	s17 =	sshll.u32 s0, $0xA;
	s2 =	sadd.s32 s3, s2  }
0x8d: {  	s2 =	sadd.s32 s2, s17  }
0x8e: {  	[smem:$0x3FBA] =	sst s2  }
0x8f: {  	_ = 	snop  }
0x90: {  	s2 =	sld [smem:$0x3FD0];
	(tm) =	ssettm $0x1  }
0x91: {  	s18 =	sld [smem:$0x3FFB];
	_ =	sdelay $0x3  }
0x92: {  	_ =	strace s18  }
0x93: {  	s3 =	sld [smem:$0x3FFC];
	_ =	sdelay $0x3  }
0x94: {  	_ =	strace s3  }
0x95: {  	s3 =	sld [smem:$0x3FFD];
	_ =	sdelay $0x3  }
0x96: {  	_ =	strace s3  }
0x97: {  	_ =	strace $0x8FFFFFFF  }
0x98: {  	s19 =	sld [smem:$0x3FDB];
	_ =	sdelay $0x1  }
0x99: {  	s4 =	simm.s32 $_scs_section_size  }
0x9a: {  	s5 =	simm.s32 $_size__tile_overlayer_lowered;
	s6 =	simm.s32 $_tile_overlayer_lowered  }
0x9b: {  	s22 =	simm.s32 $0x1BFF;
	s21 =	sshll.u32 s6, $0x1;
	s3 =	sadd.s32 s4, s19  }
0x9c: {  	s7 =	simm.s32 $0x0;
	s20 =	sshll.u32 s5, $0x1;
	s5 =	sadd.s32 s21, s3  }
0x9d: {  	[timem:s7], [sflag:s22] =	dma.local [hbm:s5], s20  }
0x9e: {  	_ =	swait.ge [sflag:s22], s20  }
0x9f: {  	s4 =	ssub.s32 $0x0, s20;
	[sflag:s22] =	ssyncset.done $0x0  }
0xa0: {  	[sflag:s22] =	ssyncadd.s32 s4;
	_ =	sdelay $0x1  }
0xa1: {  	s23 =	simm.s32 $0x1B8B  }
0xa2: {  	_ =	swait.ge [sflag:s23], $0x1  }
0xa3: {  	[sflag:s23] =	ssyncset.done $0x0  }
0xa4: {  	s25 =	simm.s32 $0x1B8E;
	s24 =	sld [smem:$0x3FFE];
	[sflag:s23] =	ssyncadd.s32 $0xFFFFFFFF  }
0xa5: {  	s26 =	simm.s32 $execute0_lowered;
	[smem:$0x3FD2] =	sst s25  }
0xa6: {  	s5 =	sshll.u32 s26, $0x1;
	_ =	strace $0x80000049;
	[dreg:$0x1] =	wrdreg $0xFFFFFFFF  }
0xa7: {  	s28 =	simm.s32 $_size_execute0_lowered;
	s3 =	sadd.s32 s3, s5;
	[dreg:$0x0] =	wrdreg $0x0  }
0xa8: {  	s5 =	sshll.u32 s28, $0x1;
	[dreg:$0x2] =	wrdreg s3  }
0xa9: {  	[dreg:$0x3] =	wrdreg s5  }
0xaa: {  	[dreg:$0x4] =	wrdreg $0xC0  }
0xab: {  	_ =	task [dreg:s7], $0x5FFFF  }
0xac: {  	[dreg:$0x1] =	wrdreg $0xFFFFFFFF  }
0xad: {  	[dreg:$0x0] =	wrdreg $0x60  }
0xae: {  	[dreg:$0x2] =	wrdreg s24  }
0xaf: {  	[dreg:$0x3] =	wrdreg s2  }
0xb0: {  	[dreg:$0x4] =	wrdreg $0xCD000  }
0xb1: {  	[dreg:$0x5] =	wrdreg $0x9  }
0xb2: {  	_ =	task.clear_ibuf [dreg:s7], $0x6FFFF;
	_ =	strace $0x90000049  }
0xb3: {  	s29 =	simm.s32 $0x9;
	_ =	strace $0x8000004B  }
0xb4: {  	_ =	swait.ge [sflag:s29], $0x1  }
0xb5: {  	[sflag:s29] =	ssyncadd.s32 $0xFFFFFFFF  }
0xb6: {  	_ =	strace $0x9000004B  }
0xb7: {  	_ =	sfence  }
0xb8: {  	s30 =	sld [smem:$0x0];
	_ =	sdelay $0x2  }
0xb9: {  	s31 =	sshll.u32 s1, $0xD;
	s1 =	sshrl.u32 s1, $0x2  }
0xba: {  	s3 =	sand.u32 $0x4000, s31;
	s1 =	sadd.s32 s1, s30  }
0xbb: {  	s0 =	sor.u32 s3, s0;
	s1 =	sshll.u32 s1, $0x11  }
0xbc: {  	s0 =	sor.u32 s1, s0  }
0xbd: {  	s0 =	sadd.s32 $0x8F2B, s0  }
0xbe: {  	[sflag:s0] =	ssyncadd.remote.s32 $0x1  }
0xbf: {  	_ =	sfence.sel $0xFFFF  }
0xc0: {  	[dreg:$0x0] =	wrdreg $0xFFFFFFFF;
	(pc) =	sbr.abs _section_cstart, $3  }
0xc1: {  	[dreg:$0x1] =	wrdreg $0xFFFFFFFF  }
0xc2: {  	_ =	task.clear_ibuf [dreg:s7], $0x2FFFF;
	_ =	strace $0x9FFFFFFF  }
0xc3: {  	(tm) =	ssettm $0x7FFFFFFF  }
tec
execute0_lowered:
.L_overlay_start_1:
0x0: {  	(tag) =	ssettag $0x1  }
0x1: {  	s4 =	rddreg [dreg:$0x0]  }
0x2: {  	s5 =	rddreg [dreg:$0x1]  }
0x3: {  	s1 =	rddreg [dreg:$0x2]  }
0x4: {  	s0 =	rddreg [dreg:$0x3];
	s2 =	simm.s32 $0x0  }
0x5: {  	s3 =	srdreg.scid;
	s12 =	simm.s32 $0x8D00;
	s13 =	simm.s32 $0x3  }
0x6: {  	s15 =	simm.s32 $0xD00;
	s17 =	simm.s32 $0x4D00;
	s18 =	simm.s32 $0x1  }
0x7: {  	s19 =	simm.s32 $0x80;
	s20 =	simm.s32 $0x2;
	s23 =	simm.s32 $0xC80  }
0x8: {  	s24 =	simm.s32 $0x0;
	[smem:$0x7FF] =	sst s2;
	s6 =	sand.u32 $0x1, s3  }
0x9: {  	s3 =	stileid.u32;
	s7 =	smul.u32 $0xD0000, s6;
	s6 =	ssub.s32 $0x2, s6  }
0xa: {  	_ =	strace $0x8000004A;
	s9 =	smul.u32 $0x1A0, s3;
	s8 =	sshrl.u32 s6, $0x1  }
0xb: {  	s31 =	sshll.u32 s3, $0x10;
	s7 =	sadd.s32 s7, s4;
	s8 =	ssub.s32 s6, s8  }
0xc: {  	s4 =	sadd.s32 s31, s1;
	s5 =	sadd.s32 s5, s9;
	s6 =	smul.u32 $0xD000, s3  }
0xd: {  	s21 =	sadd.s32 $0x313400, s7;
	s7 =	sadd.s32 $0x4B3400, s7;
	s8 =	smax.u32 s8, $0x1  }
0xe: {  	s9 =	sadd.s32 $0x4000, s4;
	s10 =	sadd.s32 $0x8000, s4;
	s11 =	sadd.s32 $0xC000, s4  }
0xf: {  	s22 =	sadd.s32 $0xC800, s6;
	s16 =	sadd.s32 $0x1000, s6;
	s14 =	sadd.s32 s6, s21  }
0x10: {  	v0 =	vimm.f32 $0.0e+00;
	s16 =	sadd.s32 s21, s16;
	s21 =	sadd.s32 s21, s22;
	s22 =	simm.s32 $0xC00  }
.LBB2_1:
0x11: {  	s25 =	simm.s32 $0x0;
	s26 =	simm.s32 $0x200  }
.LBB2_2:
0x12: {  	p0 =	sne.s32 s26, $0xFE00;
	[tilespmem:s25+$0x8D70] =	vst v0  }
0x13: {  	[tilespmem:s25+$0x8D00] =	vst v0  }
0x14: {  	[tilespmem:s25+$0x8D10] =	vst v0  }
.Ltmp0:
0x15: {  	[tilespmem:s25+$0x8D20] =	vst v0;
	(pc) =	sbr.rel @p0 .LBB2_2-.Ltmp0, $4  }
0x16: {  	[tilespmem:s25+$0x8D30] =	vst v0  }
0x17: {  	[tilespmem:s25+$0x8D40] =	vst v0  }
0x18: {  	[tilespmem:s25+$0x8D50] =	vst v0  }
0x19: {  	[tilespmem:s25+$0x8D60] =	vst v0;
	s25 =	sshra.s32 s26, $0x2;
	s26 =	sadd.s32 $0x200, s26  }
0x1a: {  	[tilespmem:s25+$0x8D70] =	vst v0  }
0x1b: {  	[tilespmem:s25+$0x8D00] =	vst v0  }
0x1c: {  	[tilespmem:s25+$0x8D10] =	vst v0  }
0x1d: {  	[tilespmem:s25+$0x8D20] =	vst v0  }
0x1e: {  	[tilespmem:s25+$0x8D30] =	vst v0  }
0x1f: {  	[tilespmem:s25+$0x8D40] =	vst v0  }
0x20: {  	[tilespmem:s25+$0x8D50] =	vst v0  }
0x21: {  	[tilespmem:s25+$0x8D60] =	vst v0  }
0x22: {  	[spmem:s4] =	stream.linear.scatter [tilespmem:s12], [sflag:$0x3], $0x4000, $0x38;
	[tilespmem:$0x1CD00] =	vst v63  }
0x23: {  	_ =	swait.ge [sflag:s13], $0x4000  }
0x24: {  	[sflag:s13] =	ssyncset.done $0x0  }
0x25: {  	[sflag:s13] =	ssyncadd.s32 $0xFFFFC000  }
0x26: {  	[spmem:s9] =	stream.linear.scatter [tilespmem:s12], [sflag:$0x3], $0x4000, $0x38;
	[tilespmem:$0x1CD00] =	vst v63  }
0x27: {  	_ =	swait.ge [sflag:s13], $0x4000  }
0x28: {  	[sflag:s13] =	ssyncset.done $0x0  }
0x29: {  	[sflag:s13] =	ssyncadd.s32 $0xFFFFC000  }
0x2a: {  	[spmem:s10] =	stream.linear.scatter [tilespmem:s12], [sflag:$0x3], $0x4000, $0x38;
	[tilespmem:$0x1CD00] =	vst v63  }
0x2b: {  	_ =	swait.ge [sflag:s13], $0x4000  }
0x2c: {  	[sflag:s13] =	ssyncset.done $0x0  }
0x2d: {  	[sflag:s13] =	ssyncadd.s32 $0xFFFFC000  }
0x2e: {  	[spmem:s11] =	stream.linear.scatter [tilespmem:s12], [sflag:$0x3], $0x4000, $0x38;
	[tilespmem:$0x1CD00] =	vst v63  }
0x2f: {  	_ =	swait.ge [sflag:s13], $0x4000  }
0x30: {  	[sflag:s13] =	ssyncset.done $0x0  }
0x31: {  	s26 =	simm.s32 $0x0;
	[sflag:s13] =	ssyncadd.s32 $0xFFFFC000  }
0x32: {  	[tilespmem:s26], [sflag:$0x3] =	stream.linear.gather [hbm4b:s5+s26], $0xD00, $0x38;
	[tilespmem:$0x1CD00] =	vst v63  }
0x33: {  	_ =	swait.ge [sflag:s13], $0xD00  }
0x34: {  	[sflag:s13] =	ssyncset.done $0x0  }
0x35: {  	[sflag:s13] =	ssyncadd.s32 $0xFFFFF300  }
0x36: {  	[bflag:$0x0] =	sbarrier.arrive $0xFFFF  }
0x37: {  	[tilespmem:s15], [sflag:$0x1] =	stream.linear.gather [hbm4b:s14+s26], $0x4000, $0x38;
	[tilespmem:$0x1CD00] =	vst v63  }
0x38: {  	s29 =	sadd.s32 $0xFFFFF800, s16  }
0x39: {  	[tilespmem:s17], [sflag:$0x2] =	stream.linear.gather [hbm4b:s29+s2], $0x4000, $0x38;
	[tilespmem:$0x1CD00] =	vst v63  }
0x3a: {  	_ =	swait.ge [sflag:s18], $0x4000  }
0x3b: {  	[sflag:s18] =	ssyncset.done $0x0  }
0x3c: {  	s30 =	simm.s32 $0x0;
	[sflag:s18] =	ssyncadd.s32 $0xFFFFC000  }
0x3d: {  	[spmem:s1] =	stream.indirect.scatter.add.f32 [tilespmem:s15], [sflag:$0x3], $0x80, s30, s19, $0xb8;
	[tilespmem:$0x1CD00] =	vst v63  }
0x3e: {  	_ =	swait.ge [sflag:s13], $0x4000  }
0x3f: {  	[sflag:s13] =	ssyncset.done $0x0  }
0x40: {  	[sflag:s13] =	ssyncadd.s32 $0xFFFFC000  }
0x41: {  	[tilespmem:s15], [sflag:$0x1] =	stream.linear.gather [hbm4b:s16+s2], $0x4000, $0x38;
	[tilespmem:$0x1CD00] =	vst v63  }
0x42: {  	_ =	swait.ge [sflag:s20], $0x4000  }
0x43: {  	[sflag:s20] =	ssyncset.done $0x0  }
0x44: {  	s31 =	simm.s32 $0x80;
	[sflag:s20] =	ssyncadd.s32 $0xFFFFC000  }
0x45: {  	[spmem:s1] =	stream.indirect.scatter.add.f32 [tilespmem:s17], [sflag:$0x3], $0x80, s31, s19, $0xb8;
	[tilespmem:$0x1CD00] =	vst v63  }
0x46: {  	s28 =	simm.s32 $0x800;
	_ =	swait.ge [sflag:s13], $0x4000  }
0x47: {  	s25 =	sadd.s32 $0x1000, s16;
	s26 =	simm.s32 $0x400;
	[sflag:s13] =	ssyncset.done $0x0  }
.LBB2_4:
0x48: {  	p0 =	sne.s32 s28, $0x2C00;
	s29 =	sadd.s32 $0xFFFFF800, s25;
	[sflag:s13] =	ssyncadd.s32 $0xFFFFC000  }
0x49: {  	[tilespmem:s17], [sflag:$0x2] =	stream.linear.gather [hbm4b:s29+s2], $0x4000, $0x38;
	[tilespmem:$0x1CD00] =	vst v63  }
0x4a: {  	s29 =	smov.u32 s28;
	s28 =	sadd.s32 $0x400, s28;
	_ =	swait.ge [sflag:s18], $0x4000  }
0x4b: {  	[sflag:s18] =	ssyncset.done $0x0  }
0x4c: {  	s30 =	sshra.s32 s26, $0x2;
	s26 =	smov.u32 s29;
	[sflag:s18] =	ssyncadd.s32 $0xFFFFC000  }
0x4d: {  	[spmem:s1] =	stream.indirect.scatter.add.f32 [tilespmem:s15], [sflag:$0x3], $0x80, s30, s19, $0xb8;
	[tilespmem:$0x1CD00] =	vst v63  }
0x4e: {  	_ =	swait.ge [sflag:s13], $0x4000  }
0x4f: {  	[sflag:s13] =	ssyncset.done $0x0  }
0x50: {  	[sflag:s13] =	ssyncadd.s32 $0xFFFFC000  }
0x51: {  	[tilespmem:s15], [sflag:$0x1] =	stream.linear.gather [hbm4b:s25+s2], $0x4000, $0x38;
	[tilespmem:$0x1CD00] =	vst v63  }
0x52: {  	_ =	swait.ge [sflag:s20], $0x4000  }
.Ltmp1:
0x53: {  	[sflag:s20] =	ssyncset.done $0x0;
	(pc) =	sbr.rel @p0 .LBB2_4-.Ltmp1, $4  }
0x54: {  	s29 =	sadd.s32 $0x80, s30;
	[sflag:s20] =	ssyncadd.s32 $0xFFFFC000  }
0x55: {  	[spmem:s1] =	stream.indirect.scatter.add.f32 [tilespmem:s17], [sflag:$0x3], $0x80, s29, s19, $0xb8;
	[tilespmem:$0x1CD00] =	vst v63  }
0x56: {  	_ =	swait.ge [sflag:s13], $0x4000  }
0x57: {  	s25 =	sadd.s32 $0x1000, s25;
	[sflag:s13] =	ssyncset.done $0x0  }
0x58: {  	s28 =	sadd.s32 $0xFFFFF800, s25;
	[sflag:s13] =	ssyncadd.s32 $0xFFFFC000  }
0x59: {  	[tilespmem:s17], [sflag:$0x2] =	stream.linear.gather [hbm4b:s28+s2], $0x4000, $0x38;
	[tilespmem:$0x1CD00] =	vst v63  }
0x5a: {  	_ =	swait.ge [sflag:s18], $0x4000  }
0x5b: {  	[sflag:s18] =	ssyncset.done $0x0  }
0x5c: {  	s26 =	sshra.s32 s26, $0x2;
	[sflag:s18] =	ssyncadd.s32 $0xFFFFC000  }
0x5d: {  	[spmem:s1] =	stream.indirect.scatter.add.f32 [tilespmem:s15], [sflag:$0x3], $0x80, s26, s19, $0xb8;
	[tilespmem:$0x1CD00] =	vst v63  }
0x5e: {  	_ =	swait.ge [sflag:s13], $0x4000  }
0x5f: {  	[sflag:s13] =	ssyncset.done $0x0  }
0x60: {  	[sflag:s13] =	ssyncadd.s32 $0xFFFFC000  }
0x61: {  	[tilespmem:s15], [sflag:$0x1] =	stream.linear.gather [hbm4b:s25+s2], $0x4000, $0x38;
	[tilespmem:$0x1CD00] =	vst v63  }
0x62: {  	_ =	swait.ge [sflag:s20], $0x4000  }
0x63: {  	[sflag:s20] =	ssyncset.done $0x0  }
0x64: {  	s26 =	sadd.s32 $0x80, s26;
	[sflag:s20] =	ssyncadd.s32 $0xFFFFC000  }
0x65: {  	[spmem:s1] =	stream.indirect.scatter.add.f32 [tilespmem:s17], [sflag:$0x3], $0x80, s26, s19, $0xb8;
	[tilespmem:$0x1CD00] =	vst v63  }
0x66: {  	_ =	swait.ge [sflag:s13], $0x4000  }
0x67: {  	[sflag:s13] =	ssyncset.done $0x0  }
0x68: {  	s29 =	simm.s32 $0x0;
	[sflag:s13] =	ssyncadd.s32 $0xFFFFC000  }
0x69: {  	[tilespmem:s17], [sflag:$0x2] =	stream.linear.gather [hbm4b:s21+s29], $0x4000, $0x38;
	[tilespmem:$0x1CD00] =	vst v63  }
0x6a: {  	_ =	swait.ge [sflag:s18], $0x4000  }
0x6b: {  	[sflag:s18] =	ssyncset.done $0x0  }
0x6c: {  	[sflag:s18] =	ssyncadd.s32 $0xFFFFC000  }
0x6d: {  	[spmem:s1] =	stream.indirect.scatter.add.f32 [tilespmem:s15], [sflag:$0x3], $0x80, s22, s19, $0xb8;
	[tilespmem:$0x1CD00] =	vst v63  }
0x6e: {  	_ =	swait.ge [sflag:s13], $0x4000  }
0x6f: {  	[sflag:s13] =	ssyncset.done $0x0  }
0x70: {  	[sflag:s13] =	ssyncadd.s32 $0xFFFFC000  }
0x71: {  	_ =	swait.ge [sflag:s20], $0x4000  }
0x72: {  	[sflag:s20] =	ssyncset.done $0x0  }
0x73: {  	[sflag:s20] =	ssyncadd.s32 $0xFFFFC000  }
0x74: {  	[spmem:s1] =	stream.indirect.scatter.add.f32 [tilespmem:s17], [sflag:$0x3], $0x80, s23, s19, $0xb8;
	[tilespmem:$0x1CD00] =	vst v63  }
0x75: {  	_ =	swait.ge [sflag:s13], $0x4000  }
0x76: {  	[sflag:s13] =	ssyncset.done $0x0  }
0x77: {  	[sflag:s13] =	ssyncadd.s32 $0xFFFFC000  }
0x78: {  	s30 =	simm.s32 $0x0;
	[bflag:$0x0] =	sbarrier.arrive $0xFFFF  }
0x79: {  	[tilespmem:s15], [sflag:$0x3] =	stream.indirect.gather [spmem:s1], $0x80, s30, s19, $0xb8;
	[tilespmem:$0x1CD00] =	vst v63  }
0x7a: {  	_ =	swait.ge [sflag:s13], $0x4000  }
0x7b: {  	[sflag:s13] =	ssyncset.done $0x0  }
0x7c: {  	s31 =	sadd.s32 s6, s7;
	[sflag:s13] =	ssyncadd.s32 $0xFFFFC000  }
0x7d: {  	[hbm4b:s31+s2] =	stream.linear.scatter [tilespmem:s15], [sflag:$0x3], $0x4000, $0x38;
	[tilespmem:$0x1CD00] =	vst v63  }
0x7e: {  	s28 =	simm.s32 $0x400;
	_ =	swait.ge [sflag:s13], $0x4000  }
0x7f: {  	s25 =	sadd.s32 $0x800, s6;
	s26 =	simm.s32 $0x200;
	[sflag:s13] =	ssyncset.done $0x0  }
.LBB2_6:
0x80: {  	s29 =	sshra.s32 s26, $0x2  }
0x81: {  	[sflag:s13] =	ssyncadd.s32 $0xFFFFC000;
	s26 =	smov.u32 s28;
	s30 =	sadd.s32 $0x200, s28  }
0x82: {  	[tilespmem:s15], [sflag:$0x3] =	stream.indirect.gather [spmem:s1], $0x80, s29, s19, $0xb8;
	[tilespmem:$0x1CD00] =	vst v63  }
0x83: {  	p0 =	sne.s32 s28, $0x3200;
	_ =	swait.ge [sflag:s13], $0x4000  }
.Ltmp2:
0x84: {  	[sflag:s13] =	ssyncset.done $0x0;
	(pc) =	sbr.rel @p0 .LBB2_6-.Ltmp2, $4  }
0x85: {  	s28 =	sadd.s32 s25, s7;
	[sflag:s13] =	ssyncadd.s32 $0xFFFFC000  }
0x86: {  	[hbm4b:s28+s2] =	stream.linear.scatter [tilespmem:s15], [sflag:$0x3], $0x4000, $0x38;
	[tilespmem:$0x1CD00] =	vst v63  }
0x87: {  	_ =	swait.ge [sflag:s13], $0x4000  }
0x88: {  	s25 =	sadd.s32 $0x800, s25;
	s28 =	smov.u32 s30;
	[sflag:s13] =	ssyncset.done $0x0  }
0x89: {  	s26 =	sshra.s32 s26, $0x2;
	[sflag:s13] =	ssyncadd.s32 $0xFFFFC000  }
0x8a: {  	[tilespmem:s15], [sflag:$0x3] =	stream.indirect.gather [spmem:s1], $0x80, s26, s19, $0xb8;
	[tilespmem:$0x1CD00] =	vst v63  }
0x8b: {  	s24 =	sadd.s32 $0x1, s24;
	_ =	swait.ge [sflag:s13], $0x4000  }
0x8c: {  	p0 =	sne.s32 s24, s8;
	[sflag:s13] =	ssyncset.done $0x0  }
.Ltmp3:
0x8d: {  	s25 =	sadd.s32 s25, s7;
	[sflag:s13] =	ssyncadd.s32 $0xFFFFC000;
	(pc) =	sbr.rel @p0 .LBB2_1-.Ltmp3, $4  }
0x8e: {  	[hbm4b:s25+s2] =	stream.linear.scatter [tilespmem:s15], [sflag:$0x3], $0x4000, $0x38;
	[tilespmem:$0x1CD00] =	vst v63  }
0x8f: {  	_ =	swait.ge [sflag:s13], $0x4000  }
0x90: {  	[sflag:s13] =	ssyncset.done $0x0  }
0x91: {  	[sflag:s13] =	ssyncadd.s32 $0xFFFFC000  }
0x92: {  	_ =	sfence.sel $0x180000  }
0x93: {  	[bflag:$0x0] =	sbarrier.arrive $0xFFFF  }
0x94: {  	p0 =	sne.s32 s3, $0x0;
	_ =	strace $0x9000004A  }
0x95: {  	s0 =	sadd.s32 @!p0 $0x100000, s0;
	[bflag:$0x2] =	sbarrier.arrive $0xFFFF  }
0x96: {  	[sflag:s0] =	ssyncadd.tile.s32 @!p0 $0x1;
	_ =	shalt  }
.Lfunc_end2:
_tile_overlayer_lowered:
.L_overlay_start_2:
0x97: {  	(tag) =	ssettag $0x2  }
0x98: {  	s0 =	rddreg [dreg:$0x0];
	s2 =	stileid.u32  }
0x99: {  	s1 =	rddreg [dreg:$0x1];
	p0 =	sne.s32 s2, $0x0  }
0x9a: {  	s3 =	rddreg [dreg:$0x2];
	[bflag:$0x3] =	sbarrier.arrive $0xFFFF;
	s2 =	simm.s32 @!p0 $0x1C03  }
0x9b: {  	[timem:s3], [sflag:s2] =	dma.local @!p0 [hbm:s0], s1  }
0x9c: {  	s0 =	simm.s32 @!p0 $0x3  }
0x9d: {  	_ =	swait.ge @!p0 [sflag:s0], s1  }
0x9e: {  	s1 =	ssub.s32 @!p0 $0x0, s1;
	[sflag:s0] =	ssyncset.done @!p0 $0x0  }
0x9f: {  	[sflag:s0] =	ssyncadd.s32 @!p0 s1  }
0xa0: {  	[bflag:$0x3] =	sbarrier.arrive $0xFFFF  }
0xa1: {  	_ =	shalt  }

</sc_bundles>
